<compile_context>
chip_gen: v7x
topology: tpu7x:2x2x1
jax: 0.10.2.dev20260603
libtpu: 0.0.44.dev20260713+nightly
codegen_flags: <defaults>
</compile_context>

<pallas_src>
import functools

import jax
import jax.numpy as jnp
from jax import lax
from jax.experimental import pallas as pl
from jax.experimental.pallas import tpu as pltpu
from jax.experimental.pallas import tpu_sc as plsc

D = 128
L = 16
NC = 2
NS = 16
NW = NC * NS
C = 80
B = 2000


@functools.partial(jax.jit, static_argnums=(3,))
def _run(src_idx, dst_idx, z, E):
    e_per_w = E // NW
    n_chunks = e_per_w // C
    mesh = plsc.VectorSubcoreMesh(core_axis_name="c", subcore_axis_name="s")

    @functools.partial(
        pl.kernel,
        mesh=mesh,
        compiler_params=pltpu.CompilerParams(needs_layout_passes=False),
        out_type=jax.ShapeDtypeStruct((E,), jnp.float32),
        scratch_types=[
            pltpu.VMEM_SHARED((10000, D), jnp.float32),
            pltpu.VMEM((B,), jnp.int32),
            pltpu.VMEM((B,), jnp.int32),
            pltpu.VMEM((C, D), jnp.float32),
            pltpu.VMEM((C, D), jnp.float32),
            pltpu.VMEM((C, D), jnp.float32),
            pltpu.VMEM((C, D), jnp.float32),
            pltpu.VMEM((B,), jnp.float32),
            pltpu.SemaphoreType.DMA,
            pltpu.SemaphoreType.DMA,
        ],
    )
    def k(src_hbm, dst_hbm, z_hbm, out_hbm, z_sh, idx_s, idx_d, rs0, rd0,
          rs1, rd1, out_b, sem0, sem1):
        cid = lax.axis_index("c")
        sid = lax.axis_index("s")
        wid = sid * NC + cid
        base = wid * e_per_w

        n_rows = 624
        pltpu.sync_copy(z_hbm.at[pl.ds(sid * n_rows, n_rows)],
                        z_sh.at[pl.ds(sid * n_rows, n_rows)])

        @pl.when(sid == NS - 1)
        def _stage_tail():
            pltpu.sync_copy(z_hbm.at[pl.ds(NS * n_rows, 10000 - NS * n_rows)],
                            z_sh.at[pl.ds(NS * n_rows, 10000 - NS * n_rows)])

        plsc.subcore_barrier()

        bufs = ((rs0, rd0, sem0), (rs1, rd1, sem1))
        lane = lax.iota(jnp.int32, L)
        cpb = B // C

        def issue(c, b):
            rs, rd, sem = bufs[b]
            off = c * C
            pltpu.async_copy(z_sh.at[idx_s.at[pl.ds(off, C)]], rs, sem)
            pltpu.async_copy(z_sh.at[idx_d.at[pl.ds(off, C)]], rd, sem)

        def wait(b):
            rs, rd, sem = bufs[b]
            pltpu.make_async_copy(z_hbm.at[idx_s.at[pl.ds(0, C)]], rs,
                                  sem).wait()
            pltpu.make_async_copy(z_hbm.at[idx_d.at[pl.ds(0, C)]], rd,
                                  sem).wait()

        def compute(c, b):
            rs, rd, _ = bufs[b]
            off = c * C

            def group_body(g, carry2):
                e0 = g * L

                def edge_body(j, res):
                    e = e0 + j
                    acc = jnp.zeros((L,), jnp.float32)
                    for kk in range(D // L):
                        sv = rs[e, pl.ds(kk * L, L)]
                        dv = rd[e, pl.ds(kk * L, L)]
                        acc = acc + sv * dv
                    dot = jnp.sum(acc)
                    return jnp.where(lane == j, dot, res)

                res = lax.fori_loop(0, L, edge_body,
                                    jnp.zeros((L,), jnp.float32), unroll=8)
                sig = 1.0 / (1.0 + jnp.exp(-res))
                out_b[pl.ds(off + g * L, L)] = sig
                return carry2

            lax.fori_loop(0, C // L, group_body, 0)

        def block_body(blk, carry):
            bbase = base + blk * B
            pltpu.sync_copy(src_hbm.at[pl.ds(bbase, B)], idx_s)
            pltpu.sync_copy(dst_hbm.at[pl.ds(bbase, B)], idx_d)
            issue(0, 0)

            def pair_body(t, carry2):
                c0 = t * 2
                issue(c0 + 1, 1)
                wait(0)
                compute(c0, 0)
                issue(c0 + 2, 0)
                wait(1)
                compute(c0 + 1, 1)
                return carry2

            lax.fori_loop(0, (cpb - 1) // 2, pair_body, 0)
            wait(0)
            compute(cpb - 1, 0)
            pltpu.sync_copy(out_b, out_hbm.at[pl.ds(bbase, B)])
            return carry

        lax.fori_loop(0, e_per_w // B, block_body, 0)

    return k(src_idx, dst_idx, z)


def kernel(z, edge_index):
    idx = edge_index.astype(jnp.int32)
    return _run(idx[0], idx[1], z, idx.shape[1])

# --- scband reference (transcript-rebuilt; emitter-appended) ---
"""Pipeline reference for scband-inner-product-decoder-48971217109553 (READ-ONLY COPY).

The authoritative reference and input builder live on the scoring server;
editing this copy changes nothing except your own understanding.
"""

import jax, jax.numpy as jnp
import numpy as np


def setup_inputs(seed: int = 0) -> dict:
    key = jax.random.key(seed)
    k1, k2 = jax.random.split(key)
    z = jax.random.normal(k1, (10000, 128), dtype=jnp.float32)
    edge_index = jax.random.randint(k2, (2, 320000), 0, 10000, dtype=jnp.int64)
    return {"z": z, "edge_index": edge_index}


def reference(z, edge_index):
    # value = (z[edge_index[0]] * z[edge_index[1]]).sum(dim=1)
    src = jnp.take(z, edge_index[0], axis=0)
    dst = jnp.take(z, edge_index[1], axis=0)
    value = (src * dst).sum(axis=1)
    return jax.nn.sigmoid(value)

if __name__ == "__main__":
    import jax
    _d = setup_inputs()
    print(jax.jit(kernel)(*tuple(_d.values())))

</pallas_src>

<mosaic_0001>
#map = affine_map<(d0, d1) -> (0)>
#map1 = affine_map<(d0, d1) -> (0, 0)>
module attributes {stable_mosaic.version = 14 : i64} {
  func.func @k(%arg0: i32, %arg1: i32, %arg2: memref<320000xi32, #tpu.memory_space<hbm>>, %arg3: memref<320000xi32, #tpu.memory_space<hbm>>, %arg4: memref<10000x128xf32, #tpu.memory_space<hbm>>, %arg5: memref<320000xf32, #tpu.memory_space<hbm>>, %arg6: memref<10000x128xf32, #tpu.memory_space<vmem_shared>>, %arg7: memref<2000xi32, #tpu.memory_space<vmem>>, %arg8: memref<2000xi32, #tpu.memory_space<vmem>>, %arg9: memref<80x128xf32, #tpu.memory_space<vmem>>, %arg10: memref<80x128xf32, #tpu.memory_space<vmem>>, %arg11: memref<80x128xf32, #tpu.memory_space<vmem>>, %arg12: memref<80x128xf32, #tpu.memory_space<vmem>>, %arg13: memref<2000xf32, #tpu.memory_space<vmem>>, %arg14: memref<!tpu.dma_semaphore, #tpu.memory_space<semaphore_mem>>, %arg15: memref<!tpu.dma_semaphore, #tpu.memory_space<semaphore_mem>>) attributes {dimension_semantics = [#tpu.dimension_semantics<core_parallel>, #tpu.dimension_semantics<subcore_parallel>], iteration_bounds = array<i64: 2, 16>, scalar_prefetch = 0 : i64, scratch_operands = 10 : i64, tpu.core_type = #tpu.core_type<sc_vector_subcore>, window_params = [{transform_indices = #map}, {transform_indices = #map}, {transform_indices = #map1}, {transform_indices = #map}]} {
    %mul3A = arith.constant 2 : i32
    %mul3A_0 = arith.muli %arg1, %mul3A : i32
    %add3A = arith.addi %mul3A_0, %arg0 : i32
    %mul3A_1 = arith.constant 10000 : i32
    %mul3A_2 = arith.muli %add3A, %mul3A_1 : i32
    %mul3A_3 = arith.constant 624 : i32
    %mul3A_4 = arith.muli %arg1, %mul3A_3 : i32
    %mul3A_5 = arith.constant 624 : i32
    %mul3A_6 = arith.muli %arg1, %mul3A_5 : i32
    "tpu.region"() ({
      %run_scoped3A = tpu.sem_alloc : memref<!tpu.dma_semaphore, #tpu.memory_space<semaphore_mem>>
      %dma_start3A = arith.constant 0 : i32
      %dma_start3A_14 = tpu.memref_slice %arg6[%mul3A_6, %dma_start3A] : memref<10000x128xf32, #tpu.memory_space<vmem_shared>> -> memref<624x128xf32, #tpu.memory_space<vmem_shared>>
      %dma_start3A_15 = arith.constant 0 : i32
      %dma_start3A_16 = tpu.memref_slice %arg4[%mul3A_4, %dma_start3A_15] : memref<10000x128xf32, #tpu.memory_space<hbm>> -> memref<624x128xf32, #tpu.memory_space<hbm>>
      tpu.enqueue_dma source(%dma_start3A_16 : memref<624x128xf32, #tpu.memory_space<hbm>>) target(%dma_start3A_14 : memref<624x128xf32, #tpu.memory_space<vmem_shared>>) target_semaphore(%run_scoped3A : memref<!tpu.dma_semaphore, #tpu.memory_space<semaphore_mem>>)
      %dma_wait3A = arith.constant 0 : i32
      %dma_wait3A_17 = tpu.memref_slice %arg6[%mul3A_6, %dma_wait3A] : memref<10000x128xf32, #tpu.memory_space<vmem_shared>> -> memref<624x128xf32, #tpu.memory_space<vmem_shared>>
      %dma_wait3A_18 = arith.constant 0 : i32
      %dma_wait3A_19 = tpu.memref_slice %arg4[%mul3A_4, %dma_wait3A_18] : memref<10000x128xf32, #tpu.memory_space<hbm>> -> memref<624x128xf32, #tpu.memory_space<hbm>>
      tpu.wait_dma2 semaphore(%run_scoped3A : memref<!tpu.dma_semaphore, #tpu.memory_space<semaphore_mem>>) src(%dma_wait3A_19 : memref<624x128xf32, #tpu.memory_space<hbm>>) dst(%dma_wait3A_17 : memref<624x128xf32, #tpu.memory_space<vmem_shared>>)
      tpu.yield
    }) : () -> ()
    %eq3A = arith.constant 15 : i32
    %eq3A_7 = arith.cmpi eq, %arg1, %eq3A : i32
    %convert_element_type3A = arith.extui %eq3A_7 : i1 to i32
    %cond3A = arith.constant 0 : i32
    %cond3A_8 = arith.cmpi ne, %convert_element_type3A, %cond3A : i32
    scf.if %cond3A_8 {
      "tpu.region"() ({
        %run_scoped3A = tpu.sem_alloc : memref<!tpu.dma_semaphore, #tpu.memory_space<semaphore_mem>>
        %dma_start3A = arith.constant 9984 : i32
        %dma_start3A_14 = arith.constant 0 : i32
        %dma_start3A_15 = tpu.memref_slice %arg6[%dma_start3A, %dma_start3A_14] : memref<10000x128xf32, #tpu.memory_space<vmem_shared>> -> memref<16x128xf32, #tpu.memory_space<vmem_shared>>
        %dma_start3A_16 = arith.constant 9984 : i32
        %dma_start3A_17 = arith.constant 0 : i32
        %dma_start3A_18 = tpu.memref_slice %arg4[%dma_start3A_16, %dma_start3A_17] : memref<10000x128xf32, #tpu.memory_space<hbm>> -> memref<16x128xf32, #tpu.memory_space<hbm>>
        tpu.enqueue_dma source(%dma_start3A_18 : memref<16x128xf32, #tpu.memory_space<hbm>>) target(%dma_start3A_15 : memref<16x128xf32, #tpu.memory_space<vmem_shared>>) target_semaphore(%run_scoped3A : memref<!tpu.dma_semaphore, #tpu.memory_space<semaphore_mem>>)
        %dma_wait3A = arith.constant 9984 : i32
        %dma_wait3A_19 = arith.constant 0 : i32
        %dma_wait3A_20 = tpu.memref_slice %arg6[%dma_wait3A, %dma_wait3A_19] : memref<10000x128xf32, #tpu.memory_space<vmem_shared>> -> memref<16x128xf32, #tpu.memory_space<vmem_shared>>
        %dma_wait3A_21 = arith.constant 9984 : i32
        %dma_wait3A_22 = arith.constant 0 : i32
        %dma_wait3A_23 = tpu.memref_slice %arg4[%dma_wait3A_21, %dma_wait3A_22] : memref<10000x128xf32, #tpu.memory_space<hbm>> -> memref<16x128xf32, #tpu.memory_space<hbm>>
        tpu.wait_dma2 semaphore(%run_scoped3A : memref<!tpu.dma_semaphore, #tpu.memory_space<semaphore_mem>>) src(%dma_wait3A_23 : memref<16x128xf32, #tpu.memory_space<hbm>>) dst(%dma_wait3A_20 : memref<16x128xf32, #tpu.memory_space<vmem_shared>>)
        tpu.yield
      }) : () -> ()
    } else {
    }
    %barrier3A = arith.constant 0 : index
    tpu.barrier barrier_id(%barrier3A)
    %iota3A = tpu.iota {dimensions = array<i32: 0>} : vector<16xi32>
    %scan3A = arith.constant 0 : i32
    %scan3A_9 = arith.constant 0 : i32
    %scan3A_10 = arith.constant 5 : i32
    %scan3A_11 = arith.addi %scan3A_9, %scan3A_10 : i32
    %scan3A_12 = arith.constant 1 : i32
    scf.for %scan3A_14 = %scan3A_9 to %scan3A_11 step %scan3A_12  : i32 {
      %mul3A_15 = arith.constant 2000 : i32
      %mul3A_16 = arith.muli %scan3A_14, %mul3A_15 : i32
      %add3A_17 = arith.addi %mul3A_2, %mul3A_16 : i32
      "tpu.region"() ({
        %run_scoped3A = tpu.sem_alloc : memref<!tpu.dma_semaphore, #tpu.memory_space<semaphore_mem>>
        %dma_start3A_48 = tpu.memref_slice %arg2[%add3A_17] : memref<320000xi32, #tpu.memory_space<hbm>> -> memref<2000xi32, #tpu.memory_space<hbm>>
        %dma_start3A_49 = tpu.memref_slice %arg2[%add3A_17] : memref<320000xi32, #tpu.memory_space<hbm>> -> memref<2000xi32, #tpu.memory_space<hbm>>
        tpu.enqueue_dma source(%dma_start3A_49 : memref<2000xi32, #tpu.memory_space<hbm>>) target(%arg7 : memref<2000xi32, #tpu.memory_space<vmem>>) target_semaphore(%run_scoped3A : memref<!tpu.dma_semaphore, #tpu.memory_space<semaphore_mem>>)
        %dma_wait3A_50 = tpu.memref_slice %arg2[%add3A_17] : memref<320000xi32, #tpu.memory_space<hbm>> -> memref<2000xi32, #tpu.memory_space<hbm>>
        %dma_wait3A_51 = tpu.memref_slice %arg2[%add3A_17] : memref<320000xi32, #tpu.memory_space<hbm>> -> memref<2000xi32, #tpu.memory_space<hbm>>
        tpu.wait_dma2 semaphore(%run_scoped3A : memref<!tpu.dma_semaphore, #tpu.memory_space<semaphore_mem>>) src(%dma_wait3A_51 : memref<2000xi32, #tpu.memory_space<hbm>>) dst(%arg7 : memref<2000xi32, #tpu.memory_space<vmem>>)
        tpu.yield
      }) : () -> ()
      "tpu.region"() ({
        %run_scoped3A = tpu.sem_alloc : memref<!tpu.dma_semaphore, #tpu.memory_space<semaphore_mem>>
        %dma_start3A_48 = tpu.memref_slice %arg3[%add3A_17] : memref<320000xi32, #tpu.memory_space<hbm>> -> memref<2000xi32, #tpu.memory_space<hbm>>
        %dma_start3A_49 = tpu.memref_slice %arg3[%add3A_17] : memref<320000xi32, #tpu.memory_space<hbm>> -> memref<2000xi32, #tpu.memory_space<hbm>>
        tpu.enqueue_dma source(%dma_start3A_49 : memref<2000xi32, #tpu.memory_space<hbm>>) target(%arg8 : memref<2000xi32, #tpu.memory_space<vmem>>) target_semaphore(%run_scoped3A : memref<!tpu.dma_semaphore, #tpu.memory_space<semaphore_mem>>)
        %dma_wait3A_50 = tpu.memref_slice %arg3[%add3A_17] : memref<320000xi32, #tpu.memory_space<hbm>> -> memref<2000xi32, #tpu.memory_space<hbm>>
        %dma_wait3A_51 = tpu.memref_slice %arg3[%add3A_17] : memref<320000xi32, #tpu.memory_space<hbm>> -> memref<2000xi32, #tpu.memory_space<hbm>>
        tpu.wait_dma2 semaphore(%run_scoped3A : memref<!tpu.dma_semaphore, #tpu.memory_space<semaphore_mem>>) src(%dma_wait3A_51 : memref<2000xi32, #tpu.memory_space<hbm>>) dst(%arg8 : memref<2000xi32, #tpu.memory_space<vmem>>)
        tpu.yield
      }) : () -> ()
      %dma_start3A = arith.constant 0 : i32
      %dma_start3A_18 = tpu.memref_slice %arg7[%dma_start3A] : memref<2000xi32, #tpu.memory_space<vmem>> -> memref<80xi32, #tpu.memory_space<vmem>>
      %dma_start3A_19 = arith.constant 0 : i32
      %dma_start3A_20 = arith.constant 0 : i32
      %dma_start3A_21 = tpu.memref_slice %arg6[%dma_start3A_19, %dma_start3A_20] : memref<10000x128xf32, #tpu.memory_space<vmem_shared>> -> memref<10000x128xf32, #tpu.memory_space<vmem_shared>>
      tpu.enqueue_indirect_dma source(%dma_start3A_21 : memref<10000x128xf32, #tpu.memory_space<vmem_shared>>) target(%arg9 : memref<80x128xf32, #tpu.memory_space<vmem>>) offsets(%dma_start3A_18 : memref<80xi32, #tpu.memory_space<vmem>>) semaphore(%arg14 : memref<!tpu.dma_semaphore, #tpu.memory_space<semaphore_mem>>)
      %dma_start3A_22 = arith.constant 0 : i32
      %dma_start3A_23 = tpu.memref_slice %arg8[%dma_start3A_22] : memref<2000xi32, #tpu.memory_space<vmem>> -> memref<80xi32, #tpu.memory_space<vmem>>
      %dma_start3A_24 = arith.constant 0 : i32
      %dma_start3A_25 = arith.constant 0 : i32
      %dma_start3A_26 = tpu.memref_slice %arg6[%dma_start3A_24, %dma_start3A_25] : memref<10000x128xf32, #tpu.memory_space<vmem_shared>> -> memref<10000x128xf32, #tpu.memory_space<vmem_shared>>
      tpu.enqueue_indirect_dma source(%dma_start3A_26 : memref<10000x128xf32, #tpu.memory_space<vmem_shared>>) target(%arg10 : memref<80x128xf32, #tpu.memory_space<vmem>>) offsets(%dma_start3A_23 : memref<80xi32, #tpu.memory_space<vmem>>) semaphore(%arg14 : memref<!tpu.dma_semaphore, #tpu.memory_space<semaphore_mem>>)
      %scan3A_27 = arith.constant 0 : i32
      %scan3A_28 = arith.constant 0 : i32
      %scan3A_29 = arith.constant 12 : i32
      %scan3A_30 = arith.addi %scan3A_28, %scan3A_29 : i32
      %scan3A_31 = arith.constant 1 : i32
      scf.for %scan3A_48 = %scan3A_28 to %scan3A_30 step %scan3A_31  : i32 {
        %mul3A_49 = arith.constant 2 : i32
        %mul3A_50 = arith.muli %scan3A_48, %mul3A_49 : i32
        %add3A_51 = arith.constant 1 : i32
        %add3A_52 = arith.addi %mul3A_50, %add3A_51 : i32
        %mul3A_53 = arith.constant 80 : i32
        %mul3A_54 = arith.muli %add3A_52, %mul3A_53 : i32
        %dma_start3A_55 = tpu.memref_slice %arg7[%mul3A_54] : memref<2000xi32, #tpu.memory_space<vmem>> -> memref<80xi32, #tpu.memory_space<vmem>>
        %dma_start3A_56 = arith.constant 0 : i32
        %dma_start3A_57 = arith.constant 0 : i32
        %dma_start3A_58 = tpu.memref_slice %arg6[%dma_start3A_56, %dma_start3A_57] : memref<10000x128xf32, #tpu.memory_space<vmem_shared>> -> memref<10000x128xf32, #tpu.memory_space<vmem_shared>>
        tpu.enqueue_indirect_dma source(%dma_start3A_58 : memref<10000x128xf32, #tpu.memory_space<vmem_shared>>) target(%arg11 : memref<80x128xf32, #tpu.memory_space<vmem>>) offsets(%dma_start3A_55 : memref<80xi32, #tpu.memory_space<vmem>>) semaphore(%arg15 : memref<!tpu.dma_semaphore, #tpu.memory_space<semaphore_mem>>)
        %dma_start3A_59 = tpu.memref_slice %arg8[%mul3A_54] : memref<2000xi32, #tpu.memory_space<vmem>> -> memref<80xi32, #tpu.memory_space<vmem>>
        %dma_start3A_60 = arith.constant 0 : i32
        %dma_start3A_61 = arith.constant 0 : i32
        %dma_start3A_62 = tpu.memref_slice %arg6[%dma_start3A_60, %dma_start3A_61] : memref<10000x128xf32, #tpu.memory_space<vmem_shared>> -> memref<10000x128xf32, #tpu.memory_space<vmem_shared>>
        tpu.enqueue_indirect_dma source(%dma_start3A_62 : memref<10000x128xf32, #tpu.memory_space<vmem_shared>>) target(%arg12 : memref<80x128xf32, #tpu.memory_space<vmem>>) offsets(%dma_start3A_59 : memref<80xi32, #tpu.memory_space<vmem>>) semaphore(%arg15 : memref<!tpu.dma_semaphore, #tpu.memory_space<semaphore_mem>>)
        %dma_wait3A_63 = arith.constant 0 : i32
        %dma_wait3A_64 = tpu.memref_slice %arg7[%dma_wait3A_63] : memref<2000xi32, #tpu.memory_space<vmem>> -> memref<80xi32, #tpu.memory_space<vmem>>
        %dma_wait3A_65 = arith.constant 0 : i32
        %dma_wait3A_66 = arith.constant 0 : i32
        %dma_wait3A_67 = tpu.memref_slice %arg4[%dma_wait3A_65, %dma_wait3A_66] : memref<10000x128xf32, #tpu.memory_space<hbm>> -> memref<10000x128xf32, #tpu.memory_space<hbm>>
        tpu.wait_indirect_dma semaphore(%arg14 : memref<!tpu.dma_semaphore, #tpu.memory_space<semaphore_mem>>) src(%dma_wait3A_67 : memref<10000x128xf32, #tpu.memory_space<hbm>>) dst(%arg9 : memref<80x128xf32, #tpu.memory_space<vmem>>)
        %dma_wait3A_68 = arith.constant 0 : i32
        %dma_wait3A_69 = tpu.memref_slice %arg8[%dma_wait3A_68] : memref<2000xi32, #tpu.memory_space<vmem>> -> memref<80xi32, #tpu.memory_space<vmem>>
        %dma_wait3A_70 = arith.constant 0 : i32
        %dma_wait3A_71 = arith.constant 0 : i32
        %dma_wait3A_72 = tpu.memref_slice %arg4[%dma_wait3A_70, %dma_wait3A_71] : memref<10000x128xf32, #tpu.memory_space<hbm>> -> memref<10000x128xf32, #tpu.memory_space<hbm>>
        tpu.wait_indirect_dma semaphore(%arg14 : memref<!tpu.dma_semaphore, #tpu.memory_space<semaphore_mem>>) src(%dma_wait3A_72 : memref<10000x128xf32, #tpu.memory_space<hbm>>) dst(%arg10 : memref<80x128xf32, #tpu.memory_space<vmem>>)
        %mul3A_73 = arith.constant 80 : i32
        %mul3A_74 = arith.muli %mul3A_50, %mul3A_73 : i32
        %scan3A_75 = arith.constant 0 : i32
        %scan3A_76 = arith.constant 0 : i32
        %scan3A_77 = arith.constant 5 : i32
        %scan3A_78 = arith.addi %scan3A_76, %scan3A_77 : i32
        %scan3A_79 = arith.constant 1 : i32
        scf.for %scan3A_113 = %scan3A_76 to %scan3A_78 step %scan3A_79  : i32 {
          %mul3A_114 = arith.constant 16 : i32
          %mul3A_115 = arith.muli %scan3A_113, %mul3A_114 : i32
          %broadcast_in_dim3A = arith.constant 0.000000e+00 : f32
          %broadcast_in_dim3A_116 = vector.broadcast %broadcast_in_dim3A : f32 to vector<16xf32>
          %scan3A_117 = arith.constant 0 : i32
          %scan3A_118 = arith.constant 16 : i32
          %scan3A_119 = arith.addi %scan3A_117, %scan3A_118 : i32
          %scan3A_120 = arith.constant 8 : i32
          %scan3A_121 = scf.for %scan3A_134 = %scan3A_117 to %scan3A_119 step %scan3A_120 iter_args(%scan3A_135 = %broadcast_in_dim3A_116) -> (vector<16xf32>)  : i32 {
            %add3A_136 = arith.addi %mul3A_115, %scan3A_134 : i32
            %broadcast_in_dim3A_137 = arith.constant 0.000000e+00 : f32
            %broadcast_in_dim3A_138 = vector.broadcast %broadcast_in_dim3A_137 : f32 to vector<16xf32>
            %get3A = arith.index_cast %add3A_136 : i32 to index
            %get3A_139 = arith.constant 0 : index
            %get3A_140 = tpu.vector_load %arg9[%get3A, %get3A_139] {strides = array<i32>} : memref<80x128xf32, #tpu.memory_space<vmem>>, vector<16xf32>,
            %get3A_141 = arith.index_cast %add3A_136 : i32 to index
            %get3A_142 = arith.constant 0 : index
            %get3A_143 = tpu.vector_load %arg10[%get3A_141, %get3A_142] {strides = array<i32>} : memref<80x128xf32, #tpu.memory_space<vmem>>, vector<16xf32>,
            %mul3A_144 = arith.mulf %get3A_140, %get3A_143 : vector<16xf32>
            %add3A_145 = arith.addf %broadcast_in_dim3A_138, %mul3A_144 : vector<16xf32>
            %get3A_146 = arith.index_cast %add3A_136 : i32 to index
            %get3A_147 = arith.constant 16 : index
            %get3A_148 = tpu.vector_load %arg9[%get3A_146, %get3A_147] {strides = array<i32>} : memref<80x128xf32, #tpu.memory_space<vmem>>, vector<16xf32>,
            %get3A_149 = arith.index_cast %add3A_136 : i32 to index
            %get3A_150 = arith.constant 16 : index
            %get3A_151 = tpu.vector_load %arg10[%get3A_149, %get3A_150] {strides = array<i32>} : memref<80x128xf32, #tpu.memory_space<vmem>>, vector<16xf32>,
            %mul3A_152 = arith.mulf %get3A_148, %get3A_151 : vector<16xf32>
            %add3A_153 = arith.addf %add3A_145, %mul3A_152 : vector<16xf32>
            %get3A_154 = arith.index_cast %add3A_136 : i32 to index
            %get3A_155 = arith.constant 32 : index
            %get3A_156 = tpu.vector_load %arg9[%get3A_154, %get3A_155] {strides = array<i32>} : memref<80x128xf32, #tpu.memory_space<vmem>>, vector<16xf32>,
            %get3A_157 = arith.index_cast %add3A_136 : i32 to index
            %get3A_158 = arith.constant 32 : index
            %get3A_159 = tpu.vector_load %arg10[%get3A_157, %get3A_158] {strides = array<i32>} : memref<80x128xf32, #tpu.memory_space<vmem>>, vector<16xf32>,
            %mul3A_160 = arith.mulf %get3A_156, %get3A_159 : vector<16xf32>
            %add3A_161 = arith.addf %add3A_153, %mul3A_160 : vector<16xf32>
            %get3A_162 = arith.index_cast %add3A_136 : i32 to index
            %get3A_163 = arith.constant 48 : index
            %get3A_164 = tpu.vector_load %arg9[%get3A_162, %get3A_163] {strides = array<i32>} : memref<80x128xf32, #tpu.memory_space<vmem>>, vector<16xf32>,
            %get3A_165 = arith.index_cast %add3A_136 : i32 to index
            %get3A_166 = arith.constant 48 : index
            %get3A_167 = tpu.vector_load %arg10[%get3A_165, %get3A_166] {strides = array<i32>} : memref<80x128xf32, #tpu.memory_space<vmem>>, vector<16xf32>,
            %mul3A_168 = arith.mulf %get3A_164, %get3A_167 : vector<16xf32>
            %add3A_169 = arith.addf %add3A_161, %mul3A_168 : vector<16xf32>
            %get3A_170 = arith.index_cast %add3A_136 : i32 to index
            %get3A_171 = arith.constant 64 : index
            %get3A_172 = tpu.vector_load %arg9[%get3A_170, %get3A_171] {strides = array<i32>} : memref<80x128xf32, #tpu.memory_space<vmem>>, vector<16xf32>,
            %get3A_173 = arith.index_cast %add3A_136 : i32 to index
            %get3A_174 = arith.constant 64 : index
            %get3A_175 = tpu.vector_load %arg10[%get3A_173, %get3A_174] {strides = array<i32>} : memref<80x128xf32, #tpu.memory_space<vmem>>, vector<16xf32>,
            %mul3A_176 = arith.mulf %get3A_172, %get3A_175 : vector<16xf32>
            %add3A_177 = arith.addf %add3A_169, %mul3A_176 : vector<16xf32>
            %get3A_178 = arith.index_cast %add3A_136 : i32 to index
            %get3A_179 = arith.constant 80 : index
            %get3A_180 = tpu.vector_load %arg9[%get3A_178, %get3A_179] {strides = array<i32>} : memref<80x128xf32, #tpu.memory_space<vmem>>, vector<16xf32>,
            %get3A_181 = arith.index_cast %add3A_136 : i32 to index
            %get3A_182 = arith.constant 80 : index
            %get3A_183 = tpu.vector_load %arg10[%get3A_181, %get3A_182] {strides = array<i32>} : memref<80x128xf32, #tpu.memory_space<vmem>>, vector<16xf32>,
            %mul3A_184 = arith.mulf %get3A_180, %get3A_183 : vector<16xf32>
            %add3A_185 = arith.addf %add3A_177, %mul3A_184 : vector<16xf32>
            %get3A_186 = arith.index_cast %add3A_136 : i32 to index
            %get3A_187 = arith.constant 96 : index
            %get3A_188 = tpu.vector_load %arg9[%get3A_186, %get3A_187] {strides = array<i32>} : memref<80x128xf32, #tpu.memory_space<vmem>>, vector<16xf32>,
            %get3A_189 = arith.index_cast %add3A_136 : i32 to index
            %get3A_190 = arith.constant 96 : index
            %get3A_191 = tpu.vector_load %arg10[%get3A_189, %get3A_190] {strides = array<i32>} : memref<80x128xf32, #tpu.memory_space<vmem>>, vector<16xf32>,
            %mul3A_192 = arith.mulf %get3A_188, %get3A_191 : vector<16xf32>
            %add3A_193 = arith.addf %add3A_185, %mul3A_192 : vector<16xf32>
            %get3A_194 = arith.index_cast %add3A_136 : i32 to index
            %get3A_195 = arith.constant 112 : index
            %get3A_196 = tpu.vector_load %arg9[%get3A_194, %get3A_195] {strides = array<i32>} : memref<80x128xf32, #tpu.memory_space<vmem>>, vector<16xf32>,
            %get3A_197 = arith.index_cast %add3A_136 : i32 to index
            %get3A_198 = arith.constant 112 : index
            %get3A_199 = tpu.vector_load %arg10[%get3A_197, %get3A_198] {strides = array<i32>} : memref<80x128xf32, #tpu.memory_space<vmem>>, vector<16xf32>,
            %mul3A_200 = arith.mulf %get3A_196, %get3A_199 : vector<16xf32>
            %add3A_201 = arith.addf %add3A_193, %mul3A_200 : vector<16xf32>
            %reduce_sum3A = arith.constant true
            %reduce_sum3A_202 = vector.broadcast %reduce_sum3A : i1 to vector<16xi1>
            %reduce_sum3A_203 = tpu.scan <sum>, %add3A_201 masked %reduce_sum3A_202 : vector<16xf32>, vector<16xi1> -> vector<16xf32>
            %reduce_sum3A_204 = vector.extract %reduce_sum3A_203[15] : f32 from vector<16xf32>
            %eq3A_205 = vector.broadcast %scan3A_134 : i32 to vector<16xi32>
            %eq3A_206 = arith.cmpi eq, %iota3A, %eq3A_205 : vector<16xi32>
            %broadcast_in_dim3A_207 = vector.broadcast %reduce_sum3A_204 : f32 to vector<16xf32>
            %select_n3A = arith.select %eq3A_206, %broadcast_in_dim3A_207, %scan3A_135 : vector<16xi1>, vector<16xf32>
            %scan3A_208 = arith.constant 1 : i32
            %scan3A_209 = arith.addi %scan3A_134, %scan3A_208 : i32
            %add3A_210 = arith.addi %mul3A_115, %scan3A_209 : i32
            %broadcast_in_dim3A_211 = arith.constant 0.000000e+00 : f32
            %broadcast_in_dim3A_212 = vector.broadcast %broadcast_in_dim3A_211 : f32 to vector<16xf32>
            %get3A_213 = arith.index_cast %add3A_210 : i32 to index
            %get3A_214 = arith.constant 0 : index
            %get3A_215 = tpu.vector_load %arg9[%get3A_213, %get3A_214] {strides = array<i32>} : memref<80x128xf32, #tpu.memory_space<vmem>>, vector<16xf32>,
            %get3A_216 = arith.index_cast %add3A_210 : i32 to index
            %get3A_217 = arith.constant 0 : index
            %get3A_218 = tpu.vector_load %arg10[%get3A_216, %get3A_217] {strides = array<i32>} : memref<80x128xf32, #tpu.memory_space<vmem>>, vector<16xf32>,
            %mul3A_219 = arith.mulf %get3A_215, %get3A_218 : vector<16xf32>
            %add3A_220 = arith.addf %broadcast_in_dim3A_212, %mul3A_219 : vector<16xf32>
            %get3A_221 = arith.index_cast %add3A_210 : i32 to index
            %get3A_222 = arith.constant 16 : index
            %get3A_223 = tpu.vector_load %arg9[%get3A_221, %get3A_222] {strides = array<i32>} : memref<80x128xf32, #tpu.memory_space<vmem>>, vector<16xf32>,
            %get3A_224 = arith.index_cast %add3A_210 : i32 to index
            %get3A_225 = arith.constant 16 : index
            %get3A_226 = tpu.vector_load %arg10[%get3A_224, %get3A_225] {strides = array<i32>} : memref<80x128xf32, #tpu.memory_space<vmem>>, vector<16xf32>,
            %mul3A_227 = arith.mulf %get3A_223, %get3A_226 : vector<16xf32>
            %add3A_228 = arith.addf %add3A_220, %mul3A_227 : vector<16xf32>
            %get3A_229 = arith.index_cast %add3A_210 : i32 to index
            %get3A_230 = arith.constant 32 : index
            %get3A_231 = tpu.vector_load %arg9[%get3A_229, %get3A_230] {strides = array<i32>} : memref<80x128xf32, #tpu.memory_space<vmem>>, vector<16xf32>,
            %get3A_232 = arith.index_cast %add3A_210 : i32 to index
            %get3A_233 = arith.constant 32 : index
            %get3A_234 = tpu.vector_load %arg10[%get3A_232, %get3A_233] {strides = array<i32>} : memref<80x128xf32, #tpu.memory_space<vmem>>, vector<16xf32>,
            %mul3A_235 = arith.mulf %get3A_231, %get3A_234 : vector<16xf32>
            %add3A_236 = arith.addf %add3A_228, %mul3A_235 : vector<16xf32>
            %get3A_237 = arith.index_cast %add3A_210 : i32 to index
            %get3A_238 = arith.constant 48 : index
            %get3A_239 = tpu.vector_load %arg9[%get3A_237, %get3A_238] {strides = array<i32>} : memref<80x128xf32, #tpu.memory_space<vmem>>, vector<16xf32>,
            %get3A_240 = arith.index_cast %add3A_210 : i32 to index
            %get3A_241 = arith.constant 48 : index
            %get3A_242 = tpu.vector_load %arg10[%get3A_240, %get3A_241] {strides = array<i32>} : memref<80x128xf32, #tpu.memory_space<vmem>>, vector<16xf32>,
            %mul3A_243 = arith.mulf %get3A_239, %get3A_242 : vector<16xf32>
            %add3A_244 = arith.addf %add3A_236, %mul3A_243 : vector<16xf32>
            %get3A_245 = arith.index_cast %add3A_210 : i32 to index
            %get3A_246 = arith.constant 64 : index
            %get3A_247 = tpu.vector_load %arg9[%get3A_245, %get3A_246] {strides = array<i32>} : memref<80x128xf32, #tpu.memory_space<vmem>>, vector<16xf32>,
            %get3A_248 = arith.index_cast %add3A_210 : i32 to index
            %get3A_249 = arith.constant 64 : index
            %get3A_250 = tpu.vector_load %arg10[%get3A_248, %get3A_249] {strides = array<i32>} : memref<80x128xf32, #tpu.memory_space<vmem>>, vector<16xf32>,
            %mul3A_251 = arith.mulf %get3A_247, %get3A_250 : vector<16xf32>
            %add3A_252 = arith.addf %add3A_244, %mul3A_251 : vector<16xf32>
            %get3A_253 = arith.index_cast %add3A_210 : i32 to index
            %get3A_254 = arith.constant 80 : index
            %get3A_255 = tpu.vector_load %arg9[%get3A_253, %get3A_254] {strides = array<i32>} : memref<80x128xf32, #tpu.memory_space<vmem>>, vector<16xf32>,
            %get3A_256 = arith.index_cast %add3A_210 : i32 to index
            %get3A_257 = arith.constant 80 : index
            %get3A_258 = tpu.vector_load %arg10[%get3A_256, %get3A_257] {strides = array<i32>} : memref<80x128xf32, #tpu.memory_space<vmem>>, vector<16xf32>,
            %mul3A_259 = arith.mulf %get3A_255, %get3A_258 : vector<16xf32>
            %add3A_260 = arith.addf %add3A_252, %mul3A_259 : vector<16xf32>
            %get3A_261 = arith.index_cast %add3A_210 : i32 to index
            %get3A_262 = arith.constant 96 : index
            %get3A_263 = tpu.vector_load %arg9[%get3A_261, %get3A_262] {strides = array<i32>} : memref<80x128xf32, #tpu.memory_space<vmem>>, vector<16xf32>,
            %get3A_264 = arith.index_cast %add3A_210 : i32 to index
            %get3A_265 = arith.constant 96 : index
            %get3A_266 = tpu.vector_load %arg10[%get3A_264, %get3A_265] {strides = array<i32>} : memref<80x128xf32, #tpu.memory_space<vmem>>, vector<16xf32>,
            %mul3A_267 = arith.mulf %get3A_263, %get3A_266 : vector<16xf32>
            %add3A_268 = arith.addf %add3A_260, %mul3A_267 : vector<16xf32>
            %get3A_269 = arith.index_cast %add3A_210 : i32 to index
            %get3A_270 = arith.constant 112 : index
            %get3A_271 = tpu.vector_load %arg9[%get3A_269, %get3A_270] {strides = array<i32>} : memref<80x128xf32, #tpu.memory_space<vmem>>, vector<16xf32>,
            %get3A_272 = arith.index_cast %add3A_210 : i32 to index
            %get3A_273 = arith.constant 112 : index
            %get3A_274 = tpu.vector_load %arg10[%get3A_272, %get3A_273] {strides = array<i32>} : memref<80x128xf32, #tpu.memory_space<vmem>>, vector<16xf32>,
            %mul3A_275 = arith.mulf %get3A_271, %get3A_274 : vector<16xf32>
            %add3A_276 = arith.addf %add3A_268, %mul3A_275 : vector<16xf32>
            %reduce_sum3A_277 = arith.constant true
            %reduce_sum3A_278 = vector.broadcast %reduce_sum3A_277 : i1 to vector<16xi1>
            %reduce_sum3A_279 = tpu.scan <sum>, %add3A_276 masked %reduce_sum3A_278 : vector<16xf32>, vector<16xi1> -> vector<16xf32>
            %reduce_sum3A_280 = vector.extract %reduce_sum3A_279[15] : f32 from vector<16xf32>
            %eq3A_281 = vector.broadcast %scan3A_209 : i32 to vector<16xi32>
            %eq3A_282 = arith.cmpi eq, %iota3A, %eq3A_281 : vector<16xi32>
            %broadcast_in_dim3A_283 = vector.broadcast %reduce_sum3A_280 : f32 to vector<16xf32>
            %select_n3A_284 = arith.select %eq3A_282, %broadcast_in_dim3A_283, %select_n3A : vector<16xi1>, vector<16xf32>
            %scan3A_285 = arith.constant 2 : i32
            %scan3A_286 = arith.addi %scan3A_134, %scan3A_285 : i32
            %add3A_287 = arith.addi %mul3A_115, %scan3A_286 : i32
            %broadcast_in_dim3A_288 = arith.constant 0.000000e+00 : f32
            %broadcast_in_dim3A_289 = vector.broadcast %broadcast_in_dim3A_288 : f32 to vector<16xf32>
            %get3A_290 = arith.index_cast %add3A_287 : i32 to index
            %get3A_291 = arith.constant 0 : index
            %get3A_292 = tpu.vector_load %arg9[%get3A_290, %get3A_291] {strides = array<i32>} : memref<80x128xf32, #tpu.memory_space<vmem>>, vector<16xf32>,
            %get3A_293 = arith.index_cast %add3A_287 : i32 to index
            %get3A_294 = arith.constant 0 : index
            %get3A_295 = tpu.vector_load %arg10[%get3A_293, %get3A_294] {strides = array<i32>} : memref<80x128xf32, #tpu.memory_space<vmem>>, vector<16xf32>,
            %mul3A_296 = arith.mulf %get3A_292, %get3A_295 : vector<16xf32>
            %add3A_297 = arith.addf %broadcast_in_dim3A_289, %mul3A_296 : vector<16xf32>
            %get3A_298 = arith.index_cast %add3A_287 : i32 to index
            %get3A_299 = arith.constant 16 : index
            %get3A_300 = tpu.vector_load %arg9[%get3A_298, %get3A_299] {strides = array<i32>} : memref<80x128xf32, #tpu.memory_space<vmem>>, vector<16xf32>,
            %get3A_301 = arith.index_cast %add3A_287 : i32 to index
            %get3A_302 = arith.constant 16 : index
            %get3A_303 = tpu.vector_load %arg10[%get3A_301, %get3A_302] {strides = array<i32>} : memref<80x128xf32, #tpu.memory_space<vmem>>, vector<16xf32>,
            %mul3A_304 = arith.mulf %get3A_300, %get3A_303 : vector<16xf32>
            %add3A_305 = arith.addf %add3A_297, %mul3A_304 : vector<16xf32>
            %get3A_306 = arith.index_cast %add3A_287 : i32 to index
            %get3A_307 = arith.constant 32 : index
            %get3A_308 = tpu.vector_load %arg9[%get3A_306, %get3A_307] {strides = array<i32>} : memref<80x128xf32, #tpu.memory_space<vmem>>, vector<16xf32>,
            %get3A_309 = arith.index_cast %add3A_287 : i32 to index
            %get3A_310 = arith.constant 32 : index
            %get3A_311 = tpu.vector_load %arg10[%get3A_309, %get3A_310] {strides = array<i32>} : memref<80x128xf32, #tpu.memory_space<vmem>>, vector<16xf32>,
            %mul3A_312 = arith.mulf %get3A_308, %get3A_311 : vector<16xf32>
            %add3A_313 = arith.addf %add3A_305, %mul3A_312 : vector<16xf32>
            %get3A_314 = arith.index_cast %add3A_287 : i32 to index
            %get3A_315 = arith.constant 48 : index
            %get3A_316 = tpu.vector_load %arg9[%get3A_314, %get3A_315] {strides = array<i32>} : memref<80x128xf32, #tpu.memory_space<vmem>>, vector<16xf32>,
            %get3A_317 = arith.index_cast %add3A_287 : i32 to index
            %get3A_318 = arith.constant 48 : index
            %get3A_319 = tpu.vector_load %arg10[%get3A_317, %get3A_318] {strides = array<i32>} : memref<80x128xf32, #tpu.memory_space<vmem>>, vector<16xf32>,
            %mul3A_320 = arith.mulf %get3A_316, %get3A_319 : vector<16xf32>
            %add3A_321 = arith.addf %add3A_313, %mul3A_320 : vector<16xf32>
            %get3A_322 = arith.index_cast %add3A_287 : i32 to index
            %get3A_323 = arith.constant 64 : index
            %get3A_324 = tpu.vector_load %arg9[%get3A_322, %get3A_323] {strides = array<i32>} : memref<80x128xf32, #tpu.memory_space<vmem>>, vector<16xf32>,
            %get3A_325 = arith.index_cast %add3A_287 : i32 to index
            %get3A_326 = arith.constant 64 : index
            %get3A_327 = tpu.vector_load %arg10[%get3A_325, %get3A_326] {strides = array<i32>} : memref<80x128xf32, #tpu.memory_space<vmem>>, vector<16xf32>,
            %mul3A_328 = arith.mulf %get3A_324, %get3A_327 : vector<16xf32>
            %add3A_329 = arith.addf %add3A_321, %mul3A_328 : vector<16xf32>
            %get3A_330 = arith.index_cast %add3A_287 : i32 to index
            %get3A_331 = arith.constant 80 : index
            %get3A_332 = tpu.vector_load %arg9[%get3A_330, %get3A_331] {strides = array<i32>} : memref<80x128xf32, #tpu.memory_space<vmem>>, vector<16xf32>,
            %get3A_333 = arith.index_cast %add3A_287 : i32 to index
            %get3A_334 = arith.constant 80 : index
            %get3A_335 = tpu.vector_load %arg10[%get3A_333, %get3A_334] {strides = array<i32>} : memref<80x128xf32, #tpu.memory_space<vmem>>, vector<16xf32>,
            %mul3A_336 = arith.mulf %get3A_332, %get3A_335 : vector<16xf32>
            %add3A_337 = arith.addf %add3A_329, %mul3A_336 : vector<16xf32>
            %get3A_338 = arith.index_cast %add3A_287 : i32 to index
            %get3A_339 = arith.constant 96 : index
            %get3A_340 = tpu.vector_load %arg9[%get3A_338, %get3A_339] {strides = array<i32>} : memref<80x128xf32, #tpu.memory_space<vmem>>, vector<16xf32>,
            %get3A_341 = arith.index_cast %add3A_287 : i32 to index
            %get3A_342 = arith.constant 96 : index
            %get3A_343 = tpu.vector_load %arg10[%get3A_341, %get3A_342] {strides = array<i32>} : memref<80x128xf32, #tpu.memory_space<vmem>>, vector<16xf32>,
            %mul3A_344 = arith.mulf %get3A_340, %get3A_343 : vector<16xf32>
            %add3A_345 = arith.addf %add3A_337, %mul3A_344 : vector<16xf32>
            %get3A_346 = arith.index_cast %add3A_287 : i32 to index
            %get3A_347 = arith.constant 112 : index
            %get3A_348 = tpu.vector_load %arg9[%get3A_346, %get3A_347] {strides = array<i32>} : memref<80x128xf32, #tpu.memory_space<vmem>>, vector<16xf32>,
            %get3A_349 = arith.index_cast %add3A_287 : i32 to index
            %get3A_350 = arith.constant 112 : index
            %get3A_351 = tpu.vector_load %arg10[%get3A_349, %get3A_350] {strides = array<i32>} : memref<80x128xf32, #tpu.memory_space<vmem>>, vector<16xf32>,
            %mul3A_352 = arith.mulf %get3A_348, %get3A_351 : vector<16xf32>
            %add3A_353 = arith.addf %add3A_345, %mul3A_352 : vector<16xf32>
            %reduce_sum3A_354 = arith.constant true
            %reduce_sum3A_355 = vector.broadcast %reduce_sum3A_354 : i1 to vector<16xi1>
            %reduce_sum3A_356 = tpu.scan <sum>, %add3A_353 masked %reduce_sum3A_355 : vector<16xf32>, vector<16xi1> -> vector<16xf32>
            %reduce_sum3A_357 = vector.extract %reduce_sum3A_356[15] : f32 from vector<16xf32>
            %eq3A_358 = vector.broadcast %scan3A_286 : i32 to vector<16xi32>
            %eq3A_359 = arith.cmpi eq, %iota3A, %eq3A_358 : vector<16xi32>
            %broadcast_in_dim3A_360 = vector.broadcast %reduce_sum3A_357 : f32 to vector<16xf32>
            %select_n3A_361 = arith.select %eq3A_359, %broadcast_in_dim3A_360, %select_n3A_284 : vector<16xi1>, vector<16xf32>
            %scan3A_362 = arith.constant 3 : i32
            %scan3A_363 = arith.addi %scan3A_134, %scan3A_362 : i32
            %add3A_364 = arith.addi %mul3A_115, %scan3A_363 : i32
            %broadcast_in_dim3A_365 = arith.constant 0.000000e+00 : f32
            %broadcast_in_dim3A_366 = vector.broadcast %broadcast_in_dim3A_365 : f32 to vector<16xf32>
            %get3A_367 = arith.index_cast %add3A_364 : i32 to index
            %get3A_368 = arith.constant 0 : index
            %get3A_369 = tpu.vector_load %arg9[%get3A_367, %get3A_368] {strides = array<i32>} : memref<80x128xf32, #tpu.memory_space<vmem>>, vector<16xf32>,
            %get3A_370 = arith.index_cast %add3A_364 : i32 to index
            %get3A_371 = arith.constant 0 : index
            %get3A_372 = tpu.vector_load %arg10[%get3A_370, %get3A_371] {strides = array<i32>} : memref<80x128xf32, #tpu.memory_space<vmem>>, vector<16xf32>,
            %mul3A_373 = arith.mulf %get3A_369, %get3A_372 : vector<16xf32>
            %add3A_374 = arith.addf %broadcast_in_dim3A_366, %mul3A_373 : vector<16xf32>
            %get3A_375 = arith.index_cast %add3A_364 : i32 to index
            %get3A_376 = arith.constant 16 : index
            %get3A_377 = tpu.vector_load %arg9[%get3A_375, %get3A_376] {strides = array<i32>} : memref<80x128xf32, #tpu.memory_space<vmem>>, vector<16xf32>,
            %get3A_378 = arith.index_cast %add3A_364 : i32 to index
            %get3A_379 = arith.constant 16 : index
            %get3A_380 = tpu.vector_load %arg10[%get3A_378, %get3A_379] {strides = array<i32>} : memref<80x128xf32, #tpu.memory_space<vmem>>, vector<16xf32>,
            %mul3A_381 = arith.mulf %get3A_377, %get3A_380 : vector<16xf32>
            %add3A_382 = arith.addf %add3A_374, %mul3A_381 : vector<16xf32>
            %get3A_383 = arith.index_cast %add3A_364 : i32 to index
            %get3A_384 = arith.constant 32 : index
            %get3A_385 = tpu.vector_load %arg9[%get3A_383, %get3A_384] {strides = array<i32>} : memref<80x128xf32, #tpu.memory_space<vmem>>, vector<16xf32>,
            %get3A_386 = arith.index_cast %add3A_364 : i32 to index
            %get3A_387 = arith.constant 32 : index
            %get3A_388 = tpu.vector_load %arg10[%get3A_386, %get3A_387] {strides = array<i32>} : memref<80x128xf32, #tpu.memory_space<vmem>>, vector<16xf32>,
            %mul3A_389 = arith.mulf %get3A_385, %get3A_388 : vector<16xf32>
            %add3A_390 = arith.addf %add3A_382, %mul3A_389 : vector<16xf32>
            %get3A_391 = arith.index_cast %add3A_364 : i32 to index
            %get3A_392 = arith.constant 48 : index
            %get3A_393 = tpu.vector_load %arg9[%get3A_391, %get3A_392] {strides = array<i32>} : memref<80x128xf32, #tpu.memory_space<vmem>>, vector<16xf32>,
            %get3A_394 = arith.index_cast %add3A_364 : i32 to index
            %get3A_395 = arith.constant 48 : index
            %get3A_396 = tpu.vector_load %arg10[%get3A_394, %get3A_395] {strides = array<i32>} : memref<80x128xf32, #tpu.memory_space<vmem>>, vector<16xf32>,
            %mul3A_397 = arith.mulf %get3A_393, %get3A_396 : vector<16xf32>
            %add3A_398 = arith.addf %add3A_390, %mul3A_397 : vector<16xf32>
            %get3A_399 = arith.index_cast %add3A_364 : i32 to index
            %get3A_400 = arith.constant 64 : index
            %get3A_401 = tpu.vector_load %arg9[%get3A_399, %get3A_400] {strides = array<i32>} : memref<80x128xf32, #tpu.memory_space<vmem>>, vector<16xf32>,
            %get3A_402 = arith.index_cast %add3A_364 : i32 to index
            %get3A_403 = arith.constant 64 : index
            %get3A_404 = tpu.vector_load %arg10[%get3A_402, %get3A_403] {strides = array<i32>} : memref<80x128xf32, #tpu.memory_space<vmem>>, vector<16xf32>,
            %mul3A_405 = arith.mulf %get3A_401, %get3A_404 : vector<16xf32>
            %add3A_406 = arith.addf %add3A_398, %mul3A_405 : vector<16xf32>
            %get3A_407 = arith.index_cast %add3A_364 : i32 to index
            %get3A_408 = arith.constant 80 : index
            %get3A_409 = tpu.vector_load %arg9[%get3A_407, %get3A_408] {strides = array<i32>} : memref<80x128xf32, #tpu.memory_space<vmem>>, vector<16xf32>,
            %get3A_410 = arith.index_cast %add3A_364 : i32 to index
            %get3A_411 = arith.constant 80 : index
            %get3A_412 = tpu.vector_load %arg10[%get3A_410, %get3A_411] {strides = array<i32>} : memref<80x128xf32, #tpu.memory_space<vmem>>, vector<16xf32>,
            %mul3A_413 = arith.mulf %get3A_409, %get3A_412 : vector<16xf32>
            %add3A_414 = arith.addf %add3A_406, %mul3A_413 : vector<16xf32>
            %get3A_415 = arith.index_cast %add3A_364 : i32 to index
            %get3A_416 = arith.constant 96 : index
            %get3A_417 = tpu.vector_load %arg9[%get3A_415, %get3A_416] {strides = array<i32>} : memref<80x128xf32, #tpu.memory_space<vmem>>, vector<16xf32>,
            %get3A_418 = arith.index_cast %add3A_364 : i32 to index
            %get3A_419 = arith.constant 96 : index
            %get3A_420 = tpu.vector_load %arg10[%get3A_418, %get3A_419] {strides = array<i32>} : memref<80x128xf32, #tpu.memory_space<vmem>>, vector<16xf32>,
            %mul3A_421 = arith.mulf %get3A_417, %get3A_420 : vector<16xf32>
            %add3A_422 = arith.addf %add3A_414, %mul3A_421 : vector<16xf32>
            %get3A_423 = arith.index_cast %add3A_364 : i32 to index
            %get3A_424 = arith.constant 112 : index
            %get3A_425 = tpu.vector_load %arg9[%get3A_423, %get3A_424] {strides = array<i32>} : memref<80x128xf32, #tpu.memory_space<vmem>>, vector<16xf32>,
            %get3A_426 = arith.index_cast %add3A_364 : i32 to index
            %get3A_427 = arith.constant 112 : index
            %get3A_428 = tpu.vector_load %arg10[%get3A_426, %get3A_427] {strides = array<i32>} : memref<80x128xf32, #tpu.memory_space<vmem>>, vector<16xf32>,
            %mul3A_429 = arith.mulf %get3A_425, %get3A_428 : vector<16xf32>
            %add3A_430 = arith.addf %add3A_422, %mul3A_429 : vector<16xf32>
            %reduce_sum3A_431 = arith.constant true
            %reduce_sum3A_432 = vector.broadcast %reduce_sum3A_431 : i1 to vector<16xi1>
            %reduce_sum3A_433 = tpu.scan <sum>, %add3A_430 masked %reduce_sum3A_432 : vector<16xf32>, vector<16xi1> -> vector<16xf32>
            %reduce_sum3A_434 = vector.extract %reduce_sum3A_433[15] : f32 from vector<16xf32>
            %eq3A_435 = vector.broadcast %scan3A_363 : i32 to vector<16xi32>
            %eq3A_436 = arith.cmpi eq, %iota3A, %eq3A_435 : vector<16xi32>
            %broadcast_in_dim3A_437 = vector.broadcast %reduce_sum3A_434 : f32 to vector<16xf32>
            %select_n3A_438 = arith.select %eq3A_436, %broadcast_in_dim3A_437, %select_n3A_361 : vector<16xi1>, vector<16xf32>
            %scan3A_439 = arith.constant 4 : i32
            %scan3A_440 = arith.addi %scan3A_134, %scan3A_439 : i32
            %add3A_441 = arith.addi %mul3A_115, %scan3A_440 : i32
            %broadcast_in_dim3A_442 = arith.constant 0.000000e+00 : f32
            %broadcast_in_dim3A_443 = vector.broadcast %broadcast_in_dim3A_442 : f32 to vector<16xf32>
            %get3A_444 = arith.index_cast %add3A_441 : i32 to index
            %get3A_445 = arith.constant 0 : index
            %get3A_446 = tpu.vector_load %arg9[%get3A_444, %get3A_445] {strides = array<i32>} : memref<80x128xf32, #tpu.memory_space<vmem>>, vector<16xf32>,
            %get3A_447 = arith.index_cast %add3A_441 : i32 to index
            %get3A_448 = arith.constant 0 : index
            %get3A_449 = tpu.vector_load %arg10[%get3A_447, %get3A_448] {strides = array<i32>} : memref<80x128xf32, #tpu.memory_space<vmem>>, vector<16xf32>,
            %mul3A_450 = arith.mulf %get3A_446, %get3A_449 : vector<16xf32>
            %add3A_451 = arith.addf %broadcast_in_dim3A_443, %mul3A_450 : vector<16xf32>
            %get3A_452 = arith.index_cast %add3A_441 : i32 to index
            %get3A_453 = arith.constant 16 : index
            %get3A_454 = tpu.vector_load %arg9[%get3A_452, %get3A_453] {strides = array<i32>} : memref<80x128xf32, #tpu.memory_space<vmem>>, vector<16xf32>,
            %get3A_455 = arith.index_cast %add3A_441 : i32 to index
            %get3A_456 = arith.constant 16 : index
            %get3A_457 = tpu.vector_load %arg10[%get3A_455, %get3A_456] {strides = array<i32>} : memref<80x128xf32, #tpu.memory_space<vmem>>, vector<16xf32>,
            %mul3A_458 = arith.mulf %get3A_454, %get3A_457 : vector<16xf32>
            %add3A_459 = arith.addf %add3A_451, %mul3A_458 : vector<16xf32>
            %get3A_460 = arith.index_cast %add3A_441 : i32 to index
            %get3A_461 = arith.constant 32 : index
            %get3A_462 = tpu.vector_load %arg9[%get3A_460, %get3A_461] {strides = array<i32>} : memref<80x128xf32, #tpu.memory_space<vmem>>, vector<16xf32>,
            %get3A_463 = arith.index_cast %add3A_441 : i32 to index
            %get3A_464 = arith.constant 32 : index
            %get3A_465 = tpu.vector_load %arg10[%get3A_463, %get3A_464] {strides = array<i32>} : memref<80x128xf32, #tpu.memory_space<vmem>>, vector<16xf32>,
            %mul3A_466 = arith.mulf %get3A_462, %get3A_465 : vector<16xf32>
            %add3A_467 = arith.addf %add3A_459, %mul3A_466 : vector<16xf32>
            %get3A_468 = arith.index_cast %add3A_441 : i32 to index
            %get3A_469 = arith.constant 48 : index
            %get3A_470 = tpu.vector_load %arg9[%get3A_468, %get3A_469] {strides = array<i32>} : memref<80x128xf32, #tpu.memory_space<vmem>>, vector<16xf32>,
            %get3A_471 = arith.index_cast %add3A_441 : i32 to index
            %get3A_472 = arith.constant 48 : index
            %get3A_473 = tpu.vector_load %arg10[%get3A_471, %get3A_472] {strides = array<i32>} : memref<80x128xf32, #tpu.memory_space<vmem>>, vector<16xf32>,
            %mul3A_474 = arith.mulf %get3A_470, %get3A_473 : vector<16xf32>
            %add3A_475 = arith.addf %add3A_467, %mul3A_474 : vector<16xf32>
            %get3A_476 = arith.index_cast %add3A_441 : i32 to index
            %get3A_477 = arith.constant 64 : index
            %get3A_478 = tpu.vector_load %arg9[%get3A_476, %get3A_477] {strides = array<i32>} : memref<80x128xf32, #tpu.memory_space<vmem>>, vector<16xf32>,
            %get3A_479 = arith.index_cast %add3A_441 : i32 to index
            %get3A_480 = arith.constant 64 : index
            %get3A_481 = tpu.vector_load %arg10[%get3A_479, %get3A_480] {strides = array<i32>} : memref<80x128xf32, #tpu.memory_space<vmem>>, vector<16xf32>,
            %mul3A_482 = arith.mulf %get3A_478, %get3A_481 : vector<16xf32>
            %add3A_483 = arith.addf %add3A_475, %mul3A_482 : vector<16xf32>
            %get3A_484 = arith.index_cast %add3A_441 : i32 to index
            %get3A_485 = arith.constant 80 : index
            %get3A_486 = tpu.vector_load %arg9[%get3A_484, %get3A_485] {strides = array<i32>} : memref<80x128xf32, #tpu.memory_space<vmem>>, vector<16xf32>,
            %get3A_487 = arith.index_cast %add3A_441 : i32 to index
            %get3A_488 = arith.constant 80 : index
            %get3A_489 = tpu.vector_load %arg10[%get3A_487, %get3A_488] {strides = array<i32>} : memref<80x128xf32, #tpu.memory_space<vmem>>, vector<16xf32>,
            %mul3A_490 = arith.mulf %get3A_486, %get3A_489 : vector<16xf32>
            %add3A_491 = arith.addf %add3A_483, %mul3A_490 : vector<16xf32>
            %get3A_492 = arith.index_cast %add3A_441 : i32 to index
            %get3A_493 = arith.constant 96 : index
            %get3A_494 = tpu.vector_load %arg9[%get3A_492, %get3A_493] {strides = array<i32>} : memref<80x128xf32, #tpu.memory_space<vmem>>, vector<16xf32>,
            %get3A_495 = arith.index_cast %add3A_441 : i32 to index
            %get3A_496 = arith.constant 96 : index
            %get3A_497 = tpu.vector_load %arg10[%get3A_495, %get3A_496] {strides = array<i32>} : memref<80x128xf32, #tpu.memory_space<vmem>>, vector<16xf32>,
            %mul3A_498 = arith.mulf %get3A_494, %get3A_497 : vector<16xf32>
            %add3A_499 = arith.addf %add3A_491, %mul3A_498 : vector<16xf32>
            %get3A_500 = arith.index_cast %add3A_441 : i32 to index
            %get3A_501 = arith.constant 112 : index
            %get3A_502 = tpu.vector_load %arg9[%get3A_500, %get3A_501] {strides = array<i32>} : memref<80x128xf32, #tpu.memory_space<vmem>>, vector<16xf32>,
            %get3A_503 = arith.index_cast %add3A_441 : i32 to index
            %get3A_504 = arith.constant 112 : index
            %get3A_505 = tpu.vector_load %arg10[%get3A_503, %get3A_504] {strides = array<i32>} : memref<80x128xf32, #tpu.memory_space<vmem>>, vector<16xf32>,
            %mul3A_506 = arith.mulf %get3A_502, %get3A_505 : vector<16xf32>
            %add3A_507 = arith.addf %add3A_499, %mul3A_506 : vector<16xf32>
            %reduce_sum3A_508 = arith.constant true
            %reduce_sum3A_509 = vector.broadcast %reduce_sum3A_508 : i1 to vector<16xi1>
            %reduce_sum3A_510 = tpu.scan <sum>, %add3A_507 masked %reduce_sum3A_509 : vector<16xf32>, vector<16xi1> -> vector<16xf32>
            %reduce_sum3A_511 = vector.extract %reduce_sum3A_510[15] : f32 from vector<16xf32>
            %eq3A_512 = vector.broadcast %scan3A_440 : i32 to vector<16xi32>
            %eq3A_513 = arith.cmpi eq, %iota3A, %eq3A_512 : vector<16xi32>
            %broadcast_in_dim3A_514 = vector.broadcast %reduce_sum3A_511 : f32 to vector<16xf32>
            %select_n3A_515 = arith.select %eq3A_513, %broadcast_in_dim3A_514, %select_n3A_438 : vector<16xi1>, vector<16xf32>
            %scan3A_516 = arith.constant 5 : i32
            %scan3A_517 = arith.addi %scan3A_134, %scan3A_516 : i32
            %add3A_518 = arith.addi %mul3A_115, %scan3A_517 : i32
            %broadcast_in_dim3A_519 = arith.constant 0.000000e+00 : f32
            %broadcast_in_dim3A_520 = vector.broadcast %broadcast_in_dim3A_519 : f32 to vector<16xf32>
            %get3A_521 = arith.index_cast %add3A_518 : i32 to index
            %get3A_522 = arith.constant 0 : index
            %get3A_523 = tpu.vector_load %arg9[%get3A_521, %get3A_522] {strides = array<i32>} : memref<80x128xf32, #tpu.memory_space<vmem>>, vector<16xf32>,
            %get3A_524 = arith.index_cast %add3A_518 : i32 to index
            %get3A_525 = arith.constant 0 : index
            %get3A_526 = tpu.vector_load %arg10[%get3A_524, %get3A_525] {strides = array<i32>} : memref<80x128xf32, #tpu.memory_space<vmem>>, vector<16xf32>,
            %mul3A_527 = arith.mulf %get3A_523, %get3A_526 : vector<16xf32>
            %add3A_528 = arith.addf %broadcast_in_dim3A_520, %mul3A_527 : vector<16xf32>
            %get3A_529 = arith.index_cast %add3A_518 : i32 to index
            %get3A_530 = arith.constant 16 : index
            %get3A_531 = tpu.vector_load %arg9[%get3A_529, %get3A_530] {strides = array<i32>} : memref<80x128xf32, #tpu.memory_space<vmem>>, vector<16xf32>,
            %get3A_532 = arith.index_cast %add3A_518 : i32 to index
            %get3A_533 = arith.constant 16 : index
            %get3A_534 = tpu.vector_load %arg10[%get3A_532, %get3A_533] {strides = array<i32>} : memref<80x128xf32, #tpu.memory_space<vmem>>, vector<16xf32>,
            %mul3A_535 = arith.mulf %get3A_531, %get3A_534 : vector<16xf32>
            %add3A_536 = arith.addf %add3A_528, %mul3A_535 : vector<16xf32>
            %get3A_537 = arith.index_cast %add3A_518 : i32 to index
            %get3A_538 = arith.constant 32 : index
            %get3A_539 = tpu.vector_load %arg9[%get3A_537, %get3A_538] {strides = array<i32>} : memref<80x128xf32, #tpu.memory_space<vmem>>, vector<16xf32>,
            %get3A_540 = arith.index_cast %add3A_518 : i32 to index
            %get3A_541 = arith.constant 32 : index
            %get3A_542 = tpu.vector_load %arg10[%get3A_540, %get3A_541] {strides = array<i32>} : memref<80x128xf32, #tpu.memory_space<vmem>>, vector<16xf32>,
            %mul3A_543 = arith.mulf %get3A_539, %get3A_542 : vector<16xf32>
            %add3A_544 = arith.addf %add3A_536, %mul3A_543 : vector<16xf32>
            %get3A_545 = arith.index_cast %add3A_518 : i32 to index
            %get3A_546 = arith.constant 48 : index
            %get3A_547 = tpu.vector_load %arg9[%get3A_545, %get3A_546] {strides = array<i32>} : memref<80x128xf32, #tpu.memory_space<vmem>>, vector<16xf32>,
            %get3A_548 = arith.index_cast %add3A_518 : i32 to index
            %get3A_549 = arith.constant 48 : index
            %get3A_550 = tpu.vector_load %arg10[%get3A_548, %get3A_549] {strides = array<i32>} : memref<80x128xf32, #tpu.memory_space<vmem>>, vector<16xf32>,
            %mul3A_551 = arith.mulf %get3A_547, %get3A_550 : vector<16xf32>
            %add3A_552 = arith.addf %add3A_544, %mul3A_551 : vector<16xf32>
            %get3A_553 = arith.index_cast %add3A_518 : i32 to index
            %get3A_554 = arith.constant 64 : index
            %get3A_555 = tpu.vector_load %arg9[%get3A_553, %get3A_554] {strides = array<i32>} : memref<80x128xf32, #tpu.memory_space<vmem>>, vector<16xf32>,
            %get3A_556 = arith.index_cast %add3A_518 : i32 to index
            %get3A_557 = arith.constant 64 : index
            %get3A_558 = tpu.vector_load %arg10[%get3A_556, %get3A_557] {strides = array<i32>} : memref<80x128xf32, #tpu.memory_space<vmem>>, vector<16xf32>,
            %mul3A_559 = arith.mulf %get3A_555, %get3A_558 : vector<16xf32>
            %add3A_560 = arith.addf %add3A_552, %mul3A_559 : vector<16xf32>
            %get3A_561 = arith.index_cast %add3A_518 : i32 to index
            %get3A_562 = arith.constant 80 : index
            %get3A_563 = tpu.vector_load %arg9[%get3A_561, %get3A_562] {strides = array<i32>} : memref<80x128xf32, #tpu.memory_space<vmem>>, vector<16xf32>,
            %get3A_564 = arith.index_cast %add3A_518 : i32 to index
            %get3A_565 = arith.constant 80 : index
            %get3A_566 = tpu.vector_load %arg10[%get3A_564, %get3A_565] {strides = array<i32>} : memref<80x128xf32, #tpu.memory_space<vmem>>, vector<16xf32>,
            %mul3A_567 = arith.mulf %get3A_563, %get3A_566 : vector<16xf32>
            %add3A_568 = arith.addf %add3A_560, %mul3A_567 : vector<16xf32>
            %get3A_569 = arith.index_cast %add3A_518 : i32 to index
            %get3A_570 = arith.constant 96 : index
            %get3A_571 = tpu.vector_load %arg9[%get3A_569, %get3A_570] {strides = array<i32>} : memref<80x128xf32, #tpu.memory_space<vmem>>, vector<16xf32>,
            %get3A_572 = arith.index_cast %add3A_518 : i32 to index
            %get3A_573 = arith.constant 96 : index
            %get3A_574 = tpu.vector_load %arg10[%get3A_572, %get3A_573] {strides = array<i32>} : memref<80x128xf32, #tpu.memory_space<vmem>>, vector<16xf32>,
            %mul3A_575 = arith.mulf %get3A_571, %get3A_574 : vector<16xf32>
            %add3A_576 = arith.addf %add3A_568, %mul3A_575 : vector<16xf32>
            %get3A_577 = arith.index_cast %add3A_518 : i32 to index
            %get3A_578 = arith.constant 112 : index
            %get3A_579 = tpu.vector_load %arg9[%get3A_577, %get3A_578] {strides = array<i32>} : memref<80x128xf32, #tpu.memory_space<vmem>>, vector<16xf32>,
            %get3A_580 = arith.index_cast %add3A_518 : i32 to index
            %get3A_581 = arith.constant 112 : index
            %get3A_582 = tpu.vector_load %arg10[%get3A_580, %get3A_581] {strides = array<i32>} : memref<80x128xf32, #tpu.memory_space<vmem>>, vector<16xf32>,
            %mul3A_583 = arith.mulf %get3A_579, %get3A_582 : vector<16xf32>
            %add3A_584 = arith.addf %add3A_576, %mul3A_583 : vector<16xf32>
            %reduce_sum3A_585 = arith.constant true
            %reduce_sum3A_586 = vector.broadcast %reduce_sum3A_585 : i1 to vector<16xi1>
            %reduce_sum3A_587 = tpu.scan <sum>, %add3A_584 masked %reduce_sum3A_586 : vector<16xf32>, vector<16xi1> -> vector<16xf32>
            %reduce_sum3A_588 = vector.extract %reduce_sum3A_587[15] : f32 from vector<16xf32>
            %eq3A_589 = vector.broadcast %scan3A_517 : i32 to vector<16xi32>
            %eq3A_590 = arith.cmpi eq, %iota3A, %eq3A_589 : vector<16xi32>
            %broadcast_in_dim3A_591 = vector.broadcast %reduce_sum3A_588 : f32 to vector<16xf32>
            %select_n3A_592 = arith.select %eq3A_590, %broadcast_in_dim3A_591, %select_n3A_515 : vector<16xi1>, vector<16xf32>
            %scan3A_593 = arith.constant 6 : i32
            %scan3A_594 = arith.addi %scan3A_134, %scan3A_593 : i32
            %add3A_595 = arith.addi %mul3A_115, %scan3A_594 : i32
            %broadcast_in_dim3A_596 = arith.constant 0.000000e+00 : f32
            %broadcast_in_dim3A_597 = vector.broadcast %broadcast_in_dim3A_596 : f32 to vector<16xf32>
            %get3A_598 = arith.index_cast %add3A_595 : i32 to index
            %get3A_599 = arith.constant 0 : index
            %get3A_600 = tpu.vector_load %arg9[%get3A_598, %get3A_599] {strides = array<i32>} : memref<80x128xf32, #tpu.memory_space<vmem>>, vector<16xf32>,
            %get3A_601 = arith.index_cast %add3A_595 : i32 to index
            %get3A_602 = arith.constant 0 : index
            %get3A_603 = tpu.vector_load %arg10[%get3A_601, %get3A_602] {strides = array<i32>} : memref<80x128xf32, #tpu.memory_space<vmem>>, vector<16xf32>,
            %mul3A_604 = arith.mulf %get3A_600, %get3A_603 : vector<16xf32>
            %add3A_605 = arith.addf %broadcast_in_dim3A_597, %mul3A_604 : vector<16xf32>
            %get3A_606 = arith.index_cast %add3A_595 : i32 to index
            %get3A_607 = arith.constant 16 : index
            %get3A_608 = tpu.vector_load %arg9[%get3A_606, %get3A_607] {strides = array<i32>} : memref<80x128xf32, #tpu.memory_space<vmem>>, vector<16xf32>,
            %get3A_609 = arith.index_cast %add3A_595 : i32 to index
            %get3A_610 = arith.constant 16 : index
            %get3A_611 = tpu.vector_load %arg10[%get3A_609, %get3A_610] {strides = array<i32>} : memref<80x128xf32, #tpu.memory_space<vmem>>, vector<16xf32>,
            %mul3A_612 = arith.mulf %get3A_608, %get3A_611 : vector<16xf32>
            %add3A_613 = arith.addf %add3A_605, %mul3A_612 : vector<16xf32>
            %get3A_614 = arith.index_cast %add3A_595 : i32 to index
            %get3A_615 = arith.constant 32 : index
            %get3A_616 = tpu.vector_load %arg9[%get3A_614, %get3A_615] {strides = array<i32>} : memref<80x128xf32, #tpu.memory_space<vmem>>, vector<16xf32>,
            %get3A_617 = arith.index_cast %add3A_595 : i32 to index
            %get3A_618 = arith.constant 32 : index
            %get3A_619 = tpu.vector_load %arg10[%get3A_617, %get3A_618] {strides = array<i32>} : memref<80x128xf32, #tpu.memory_space<vmem>>, vector<16xf32>,
            %mul3A_620 = arith.mulf %get3A_616, %get3A_619 : vector<16xf32>
            %add3A_621 = arith.addf %add3A_613, %mul3A_620 : vector<16xf32>
            %get3A_622 = arith.index_cast %add3A_595 : i32 to index
            %get3A_623 = arith.constant 48 : index
            %get3A_624 = tpu.vector_load %arg9[%get3A_622, %get3A_623] {strides = array<i32>} : memref<80x128xf32, #tpu.memory_space<vmem>>, vector<16xf32>,
            %get3A_625 = arith.index_cast %add3A_595 : i32 to index
            %get3A_626 = arith.constant 48 : index
            %get3A_627 = tpu.vector_load %arg10[%get3A_625, %get3A_626] {strides = array<i32>} : memref<80x128xf32, #tpu.memory_space<vmem>>, vector<16xf32>,
            %mul3A_628 = arith.mulf %get3A_624, %get3A_627 : vector<16xf32>
            %add3A_629 = arith.addf %add3A_621, %mul3A_628 : vector<16xf32>
            %get3A_630 = arith.index_cast %add3A_595 : i32 to index
            %get3A_631 = arith.constant 64 : index
            %get3A_632 = tpu.vector_load %arg9[%get3A_630, %get3A_631] {strides = array<i32>} : memref<80x128xf32, #tpu.memory_space<vmem>>, vector<16xf32>,
            %get3A_633 = arith.index_cast %add3A_595 : i32 to index
            %get3A_634 = arith.constant 64 : index
            %get3A_635 = tpu.vector_load %arg10[%get3A_633, %get3A_634] {strides = array<i32>} : memref<80x128xf32, #tpu.memory_space<vmem>>, vector<16xf32>,
            %mul3A_636 = arith.mulf %get3A_632, %get3A_635 : vector<16xf32>
            %add3A_637 = arith.addf %add3A_629, %mul3A_636 : vector<16xf32>
            %get3A_638 = arith.index_cast %add3A_595 : i32 to index
            %get3A_639 = arith.constant 80 : index
            %get3A_640 = tpu.vector_load %arg9[%get3A_638, %get3A_639] {strides = array<i32>} : memref<80x128xf32, #tpu.memory_space<vmem>>, vector<16xf32>,
            %get3A_641 = arith.index_cast %add3A_595 : i32 to index
            %get3A_642 = arith.constant 80 : index
            %get3A_643 = tpu.vector_load %arg10[%get3A_641, %get3A_642] {strides = array<i32>} : memref<80x128xf32, #tpu.memory_space<vmem>>, vector<16xf32>,
            %mul3A_644 = arith.mulf %get3A_640, %get3A_643 : vector<16xf32>
            %add3A_645 = arith.addf %add3A_637, %mul3A_644 : vector<16xf32>
            %get3A_646 = arith.index_cast %add3A_595 : i32 to index
            %get3A_647 = arith.constant 96 : index
            %get3A_648 = tpu.vector_load %arg9[%get3A_646, %get3A_647] {strides = array<i32>} : memref<80x128xf32, #tpu.memory_space<vmem>>, vector<16xf32>,
            %get3A_649 = arith.index_cast %add3A_595 : i32 to index
            %get3A_650 = arith.constant 96 : index
            %get3A_651 = tpu.vector_load %arg10[%get3A_649, %get3A_650] {strides = array<i32>} : memref<80x128xf32, #tpu.memory_space<vmem>>, vector<16xf32>,
            %mul3A_652 = arith.mulf %get3A_648, %get3A_651 : vector<16xf32>
            %add3A_653 = arith.addf %add3A_645, %mul3A_652 : vector<16xf32>
            %get3A_654 = arith.index_cast %add3A_595 : i32 to index
            %get3A_655 = arith.constant 112 : index
            %get3A_656 = tpu.vector_load %arg9[%get3A_654, %get3A_655] {strides = array<i32>} : memref<80x128xf32, #tpu.memory_space<vmem>>, vector<16xf32>,
            %get3A_657 = arith.index_cast %add3A_595 : i32 to index
            %get3A_658 = arith.constant 112 : index
            %get3A_659 = tpu.vector_load %arg10[%get3A_657, %get3A_658] {strides = array<i32>} : memref<80x128xf32, #tpu.memory_space<vmem>>, vector<16xf32>,
            %mul3A_660 = arith.mulf %get3A_656, %get3A_659 : vector<16xf32>
            %add3A_661 = arith.addf %add3A_653, %mul3A_660 : vector<16xf32>
            %reduce_sum3A_662 = arith.constant true
            %reduce_sum3A_663 = vector.broadcast %reduce_sum3A_662 : i1 to vector<16xi1>
            %reduce_sum3A_664 = tpu.scan <sum>, %add3A_661 masked %reduce_sum3A_663 : vector<16xf32>, vector<16xi1> -> vector<16xf32>
            %reduce_sum3A_665 = vector.extract %reduce_sum3A_664[15] : f32 from vector<16xf32>
            %eq3A_666 = vector.broadcast %scan3A_594 : i32 to vector<16xi32>
            %eq3A_667 = arith.cmpi eq, %iota3A, %eq3A_666 : vector<16xi32>
            %broadcast_in_dim3A_668 = vector.broadcast %reduce_sum3A_665 : f32 to vector<16xf32>
            %select_n3A_669 = arith.select %eq3A_667, %broadcast_in_dim3A_668, %select_n3A_592 : vector<16xi1>, vector<16xf32>
            %scan3A_670 = arith.constant 7 : i32
            %scan3A_671 = arith.addi %scan3A_134, %scan3A_670 : i32
            %add3A_672 = arith.addi %mul3A_115, %scan3A_671 : i32
            %broadcast_in_dim3A_673 = arith.constant 0.000000e+00 : f32
            %broadcast_in_dim3A_674 = vector.broadcast %broadcast_in_dim3A_673 : f32 to vector<16xf32>
            %get3A_675 = arith.index_cast %add3A_672 : i32 to index
            %get3A_676 = arith.constant 0 : index
            %get3A_677 = tpu.vector_load %arg9[%get3A_675, %get3A_676] {strides = array<i32>} : memref<80x128xf32, #tpu.memory_space<vmem>>, vector<16xf32>,
            %get3A_678 = arith.index_cast %add3A_672 : i32 to index
            %get3A_679 = arith.constant 0 : index
            %get3A_680 = tpu.vector_load %arg10[%get3A_678, %get3A_679] {strides = array<i32>} : memref<80x128xf32, #tpu.memory_space<vmem>>, vector<16xf32>,
            %mul3A_681 = arith.mulf %get3A_677, %get3A_680 : vector<16xf32>
            %add3A_682 = arith.addf %broadcast_in_dim3A_674, %mul3A_681 : vector<16xf32>
            %get3A_683 = arith.index_cast %add3A_672 : i32 to index
            %get3A_684 = arith.constant 16 : index
            %get3A_685 = tpu.vector_load %arg9[%get3A_683, %get3A_684] {strides = array<i32>} : memref<80x128xf32, #tpu.memory_space<vmem>>, vector<16xf32>,
            %get3A_686 = arith.index_cast %add3A_672 : i32 to index
            %get3A_687 = arith.constant 16 : index
            %get3A_688 = tpu.vector_load %arg10[%get3A_686, %get3A_687] {strides = array<i32>} : memref<80x128xf32, #tpu.memory_space<vmem>>, vector<16xf32>,
            %mul3A_689 = arith.mulf %get3A_685, %get3A_688 : vector<16xf32>
            %add3A_690 = arith.addf %add3A_682, %mul3A_689 : vector<16xf32>
            %get3A_691 = arith.index_cast %add3A_672 : i32 to index
            %get3A_692 = arith.constant 32 : index
            %get3A_693 = tpu.vector_load %arg9[%get3A_691, %get3A_692] {strides = array<i32>} : memref<80x128xf32, #tpu.memory_space<vmem>>, vector<16xf32>,
            %get3A_694 = arith.index_cast %add3A_672 : i32 to index
            %get3A_695 = arith.constant 32 : index
            %get3A_696 = tpu.vector_load %arg10[%get3A_694, %get3A_695] {strides = array<i32>} : memref<80x128xf32, #tpu.memory_space<vmem>>, vector<16xf32>,
            %mul3A_697 = arith.mulf %get3A_693, %get3A_696 : vector<16xf32>
            %add3A_698 = arith.addf %add3A_690, %mul3A_697 : vector<16xf32>
            %get3A_699 = arith.index_cast %add3A_672 : i32 to index
            %get3A_700 = arith.constant 48 : index
            %get3A_701 = tpu.vector_load %arg9[%get3A_699, %get3A_700] {strides = array<i32>} : memref<80x128xf32, #tpu.memory_space<vmem>>, vector<16xf32>,
            %get3A_702 = arith.index_cast %add3A_672 : i32 to index
            %get3A_703 = arith.constant 48 : index
            %get3A_704 = tpu.vector_load %arg10[%get3A_702, %get3A_703] {strides = array<i32>} : memref<80x128xf32, #tpu.memory_space<vmem>>, vector<16xf32>,
            %mul3A_705 = arith.mulf %get3A_701, %get3A_704 : vector<16xf32>
            %add3A_706 = arith.addf %add3A_698, %mul3A_705 : vector<16xf32>
            %get3A_707 = arith.index_cast %add3A_672 : i32 to index
            %get3A_708 = arith.constant 64 : index
            %get3A_709 = tpu.vector_load %arg9[%get3A_707, %get3A_708] {strides = array<i32>} : memref<80x128xf32, #tpu.memory_space<vmem>>, vector<16xf32>,
            %get3A_710 = arith.index_cast %add3A_672 : i32 to index
            %get3A_711 = arith.constant 64 : index
            %get3A_712 = tpu.vector_load %arg10[%get3A_710, %get3A_711] {strides = array<i32>} : memref<80x128xf32, #tpu.memory_space<vmem>>, vector<16xf32>,
            %mul3A_713 = arith.mulf %get3A_709, %get3A_712 : vector<16xf32>
            %add3A_714 = arith.addf %add3A_706, %mul3A_713 : vector<16xf32>
            %get3A_715 = arith.index_cast %add3A_672 : i32 to index
            %get3A_716 = arith.constant 80 : index
            %get3A_717 = tpu.vector_load %arg9[%get3A_715, %get3A_716] {strides = array<i32>} : memref<80x128xf32, #tpu.memory_space<vmem>>, vector<16xf32>,
            %get3A_718 = arith.index_cast %add3A_672 : i32 to index
            %get3A_719 = arith.constant 80 : index
            %get3A_720 = tpu.vector_load %arg10[%get3A_718, %get3A_719] {strides = array<i32>} : memref<80x128xf32, #tpu.memory_space<vmem>>, vector<16xf32>,
            %mul3A_721 = arith.mulf %get3A_717, %get3A_720 : vector<16xf32>
            %add3A_722 = arith.addf %add3A_714, %mul3A_721 : vector<16xf32>
            %get3A_723 = arith.index_cast %add3A_672 : i32 to index
            %get3A_724 = arith.constant 96 : index
            %get3A_725 = tpu.vector_load %arg9[%get3A_723, %get3A_724] {strides = array<i32>} : memref<80x128xf32, #tpu.memory_space<vmem>>, vector<16xf32>,
            %get3A_726 = arith.index_cast %add3A_672 : i32 to index
            %get3A_727 = arith.constant 96 : index
            %get3A_728 = tpu.vector_load %arg10[%get3A_726, %get3A_727] {strides = array<i32>} : memref<80x128xf32, #tpu.memory_space<vmem>>, vector<16xf32>,
            %mul3A_729 = arith.mulf %get3A_725, %get3A_728 : vector<16xf32>
            %add3A_730 = arith.addf %add3A_722, %mul3A_729 : vector<16xf32>
            %get3A_731 = arith.index_cast %add3A_672 : i32 to index
            %get3A_732 = arith.constant 112 : index
            %get3A_733 = tpu.vector_load %arg9[%get3A_731, %get3A_732] {strides = array<i32>} : memref<80x128xf32, #tpu.memory_space<vmem>>, vector<16xf32>,
            %get3A_734 = arith.index_cast %add3A_672 : i32 to index
            %get3A_735 = arith.constant 112 : index
            %get3A_736 = tpu.vector_load %arg10[%get3A_734, %get3A_735] {strides = array<i32>} : memref<80x128xf32, #tpu.memory_space<vmem>>, vector<16xf32>,
            %mul3A_737 = arith.mulf %get3A_733, %get3A_736 : vector<16xf32>
            %add3A_738 = arith.addf %add3A_730, %mul3A_737 : vector<16xf32>
            %reduce_sum3A_739 = arith.constant true
            %reduce_sum3A_740 = vector.broadcast %reduce_sum3A_739 : i1 to vector<16xi1>
            %reduce_sum3A_741 = tpu.scan <sum>, %add3A_738 masked %reduce_sum3A_740 : vector<16xf32>, vector<16xi1> -> vector<16xf32>
            %reduce_sum3A_742 = vector.extract %reduce_sum3A_741[15] : f32 from vector<16xf32>
            %eq3A_743 = vector.broadcast %scan3A_671 : i32 to vector<16xi32>
            %eq3A_744 = arith.cmpi eq, %iota3A, %eq3A_743 : vector<16xi32>
            %broadcast_in_dim3A_745 = vector.broadcast %reduce_sum3A_742 : f32 to vector<16xf32>
            %select_n3A_746 = arith.select %eq3A_744, %broadcast_in_dim3A_745, %select_n3A_669 : vector<16xi1>, vector<16xf32>
            scf.yield %select_n3A_746 : vector<16xf32>
          }
          %scan3A_122 = arith.constant 16 : i32
          %neg3A = arith.constant 0.000000e+00 : f32
          %neg3A_123 = vector.broadcast %neg3A : f32 to vector<16xf32>
          %neg3A_124 = arith.subf %neg3A_123, %scan3A_121 : vector<16xf32>
          %exp3A = math.exp %neg3A_124 : vector<16xf32>
          %add3A_125 = arith.constant 1.000000e+00 : f32
          %add3A_126 = vector.broadcast %add3A_125 : f32 to vector<16xf32>
          %add3A_127 = arith.addf %add3A_126, %exp3A : vector<16xf32>
          %div3A = arith.constant 1.000000e+00 : f32
          %div3A_128 = vector.broadcast %div3A : f32 to vector<16xf32>
          %div3A_129 = arith.divf %div3A_128, %add3A_127 : vector<16xf32>
          %mul3A_130 = arith.constant 16 : i32
          %mul3A_131 = arith.muli %scan3A_113, %mul3A_130 : i32
          %add3A_132 = arith.addi %mul3A_74, %mul3A_131 : i32
          %swap3A = arith.index_cast %add3A_132 : i32 to index
          %swap3A_133 = tpu.vector_load %arg13[%swap3A] {strides = array<i32>} : memref<2000xf32, #tpu.memory_space<vmem>>, vector<16xf32>,
          tpu.vector_store %arg13[%swap3A], %div3A_129 {strides = array<i32>} : memref<2000xf32, #tpu.memory_space<vmem>>, vector<16xf32>,
        }
        %scan3A_80 = arith.constant 5 : i32
        %add3A_81 = arith.constant 2 : i32
        %add3A_82 = arith.addi %mul3A_50, %add3A_81 : i32
        %mul3A_83 = arith.constant 80 : i32
        %mul3A_84 = arith.muli %add3A_82, %mul3A_83 : i32
        %dma_start3A_85 = tpu.memref_slice %arg7[%mul3A_84] : memref<2000xi32, #tpu.memory_space<vmem>> -> memref<80xi32, #tpu.memory_space<vmem>>
        %dma_start3A_86 = arith.constant 0 : i32
        %dma_start3A_87 = arith.constant 0 : i32
        %dma_start3A_88 = tpu.memref_slice %arg6[%dma_start3A_86, %dma_start3A_87] : memref<10000x128xf32, #tpu.memory_space<vmem_shared>> -> memref<10000x128xf32, #tpu.memory_space<vmem_shared>>
        tpu.enqueue_indirect_dma source(%dma_start3A_88 : memref<10000x128xf32, #tpu.memory_space<vmem_shared>>) target(%arg9 : memref<80x128xf32, #tpu.memory_space<vmem>>) offsets(%dma_start3A_85 : memref<80xi32, #tpu.memory_space<vmem>>) semaphore(%arg14 : memref<!tpu.dma_semaphore, #tpu.memory_space<semaphore_mem>>)
        %dma_start3A_89 = tpu.memref_slice %arg8[%mul3A_84] : memref<2000xi32, #tpu.memory_space<vmem>> -> memref<80xi32, #tpu.memory_space<vmem>>
        %dma_start3A_90 = arith.constant 0 : i32
        %dma_start3A_91 = arith.constant 0 : i32
        %dma_start3A_92 = tpu.memref_slice %arg6[%dma_start3A_90, %dma_start3A_91] : memref<10000x128xf32, #tpu.memory_space<vmem_shared>> -> memref<10000x128xf32, #tpu.memory_space<vmem_shared>>
        tpu.enqueue_indirect_dma source(%dma_start3A_92 : memref<10000x128xf32, #tpu.memory_space<vmem_shared>>) target(%arg10 : memref<80x128xf32, #tpu.memory_space<vmem>>) offsets(%dma_start3A_89 : memref<80xi32, #tpu.memory_space<vmem>>) semaphore(%arg14 : memref<!tpu.dma_semaphore, #tpu.memory_space<semaphore_mem>>)
        %dma_wait3A_93 = arith.constant 0 : i32
        %dma_wait3A_94 = tpu.memref_slice %arg7[%dma_wait3A_93] : memref<2000xi32, #tpu.memory_space<vmem>> -> memref<80xi32, #tpu.memory_space<vmem>>
        %dma_wait3A_95 = arith.constant 0 : i32
        %dma_wait3A_96 = arith.constant 0 : i32
        %dma_wait3A_97 = tpu.memref_slice %arg4[%dma_wait3A_95, %dma_wait3A_96] : memref<10000x128xf32, #tpu.memory_space<hbm>> -> memref<10000x128xf32, #tpu.memory_space<hbm>>
        tpu.wait_indirect_dma semaphore(%arg15 : memref<!tpu.dma_semaphore, #tpu.memory_space<semaphore_mem>>) src(%dma_wait3A_97 : memref<10000x128xf32, #tpu.memory_space<hbm>>) dst(%arg11 : memref<80x128xf32, #tpu.memory_space<vmem>>)
        %dma_wait3A_98 = arith.constant 0 : i32
        %dma_wait3A_99 = tpu.memref_slice %arg8[%dma_wait3A_98] : memref<2000xi32, #tpu.memory_space<vmem>> -> memref<80xi32, #tpu.memory_space<vmem>>
        %dma_wait3A_100 = arith.constant 0 : i32
        %dma_wait3A_101 = arith.constant 0 : i32
        %dma_wait3A_102 = tpu.memref_slice %arg4[%dma_wait3A_100, %dma_wait3A_101] : memref<10000x128xf32, #tpu.memory_space<hbm>> -> memref<10000x128xf32, #tpu.memory_space<hbm>>
        tpu.wait_indirect_dma semaphore(%arg15 : memref<!tpu.dma_semaphore, #tpu.memory_space<semaphore_mem>>) src(%dma_wait3A_102 : memref<10000x128xf32, #tpu.memory_space<hbm>>) dst(%arg12 : memref<80x128xf32, #tpu.memory_space<vmem>>)
        %add3A_103 = arith.constant 1 : i32
        %add3A_104 = arith.addi %mul3A_50, %add3A_103 : i32
        %mul3A_105 = arith.constant 80 : i32
        %mul3A_106 = arith.muli %add3A_104, %mul3A_105 : i32
        %scan3A_107 = arith.constant 0 : i32
        %scan3A_108 = arith.constant 0 : i32
        %scan3A_109 = arith.constant 5 : i32
        %scan3A_110 = arith.addi %scan3A_108, %scan3A_109 : i32
        %scan3A_111 = arith.constant 1 : i32
        scf.for %scan3A_113 = %scan3A_108 to %scan3A_110 step %scan3A_111  : i32 {
          %mul3A_114 = arith.constant 16 : i32
          %mul3A_115 = arith.muli %scan3A_113, %mul3A_114 : i32
          %broadcast_in_dim3A = arith.constant 0.000000e+00 : f32
          %broadcast_in_dim3A_116 = vector.broadcast %broadcast_in_dim3A : f32 to vector<16xf32>
          %scan3A_117 = arith.constant 0 : i32
          %scan3A_118 = arith.constant 16 : i32
          %scan3A_119 = arith.addi %scan3A_117, %scan3A_118 : i32
          %scan3A_120 = arith.constant 8 : i32
          %scan3A_121 = scf.for %scan3A_134 = %scan3A_117 to %scan3A_119 step %scan3A_120 iter_args(%scan3A_135 = %broadcast_in_dim3A_116) -> (vector<16xf32>)  : i32 {
            %add3A_136 = arith.addi %mul3A_115, %scan3A_134 : i32
            %broadcast_in_dim3A_137 = arith.constant 0.000000e+00 : f32
            %broadcast_in_dim3A_138 = vector.broadcast %broadcast_in_dim3A_137 : f32 to vector<16xf32>
            %get3A = arith.index_cast %add3A_136 : i32 to index
            %get3A_139 = arith.constant 0 : index
            %get3A_140 = tpu.vector_load %arg11[%get3A, %get3A_139] {strides = array<i32>} : memref<80x128xf32, #tpu.memory_space<vmem>>, vector<16xf32>,
            %get3A_141 = arith.index_cast %add3A_136 : i32 to index
            %get3A_142 = arith.constant 0 : index
            %get3A_143 = tpu.vector_load %arg12[%get3A_141, %get3A_142] {strides = array<i32>} : memref<80x128xf32, #tpu.memory_space<vmem>>, vector<16xf32>,
            %mul3A_144 = arith.mulf %get3A_140, %get3A_143 : vector<16xf32>
            %add3A_145 = arith.addf %broadcast_in_dim3A_138, %mul3A_144 : vector<16xf32>
            %get3A_146 = arith.index_cast %add3A_136 : i32 to index
            %get3A_147 = arith.constant 16 : index
            %get3A_148 = tpu.vector_load %arg11[%get3A_146, %get3A_147] {strides = array<i32>} : memref<80x128xf32, #tpu.memory_space<vmem>>, vector<16xf32>,
            %get3A_149 = arith.index_cast %add3A_136 : i32 to index
            %get3A_150 = arith.constant 16 : index
            %get3A_151 = tpu.vector_load %arg12[%get3A_149, %get3A_150] {strides = array<i32>} : memref<80x128xf32, #tpu.memory_space<vmem>>, vector<16xf32>,
            %mul3A_152 = arith.mulf %get3A_148, %get3A_151 : vector<16xf32>
            %add3A_153 = arith.addf %add3A_145, %mul3A_152 : vector<16xf32>
            %get3A_154 = arith.index_cast %add3A_136 : i32 to index
            %get3A_155 = arith.constant 32 : index
            %get3A_156 = tpu.vector_load %arg11[%get3A_154, %get3A_155] {strides = array<i32>} : memref<80x128xf32, #tpu.memory_space<vmem>>, vector<16xf32>,
            %get3A_157 = arith.index_cast %add3A_136 : i32 to index
            %get3A_158 = arith.constant 32 : index
            %get3A_159 = tpu.vector_load %arg12[%get3A_157, %get3A_158] {strides = array<i32>} : memref<80x128xf32, #tpu.memory_space<vmem>>, vector<16xf32>,
            %mul3A_160 = arith.mulf %get3A_156, %get3A_159 : vector<16xf32>
            %add3A_161 = arith.addf %add3A_153, %mul3A_160 : vector<16xf32>
            %get3A_162 = arith.index_cast %add3A_136 : i32 to index
            %get3A_163 = arith.constant 48 : index
            %get3A_164 = tpu.vector_load %arg11[%get3A_162, %get3A_163] {strides = array<i32>} : memref<80x128xf32, #tpu.memory_space<vmem>>, vector<16xf32>,
            %get3A_165 = arith.index_cast %add3A_136 : i32 to index
            %get3A_166 = arith.constant 48 : index
            %get3A_167 = tpu.vector_load %arg12[%get3A_165, %get3A_166] {strides = array<i32>} : memref<80x128xf32, #tpu.memory_space<vmem>>, vector<16xf32>,
            %mul3A_168 = arith.mulf %get3A_164, %get3A_167 : vector<16xf32>
            %add3A_169 = arith.addf %add3A_161, %mul3A_168 : vector<16xf32>
            %get3A_170 = arith.index_cast %add3A_136 : i32 to index
            %get3A_171 = arith.constant 64 : index
            %get3A_172 = tpu.vector_load %arg11[%get3A_170, %get3A_171] {strides = array<i32>} : memref<80x128xf32, #tpu.memory_space<vmem>>, vector<16xf32>,
            %get3A_173 = arith.index_cast %add3A_136 : i32 to index
            %get3A_174 = arith.constant 64 : index
            %get3A_175 = tpu.vector_load %arg12[%get3A_173, %get3A_174] {strides = array<i32>} : memref<80x128xf32, #tpu.memory_space<vmem>>, vector<16xf32>,
            %mul3A_176 = arith.mulf %get3A_172, %get3A_175 : vector<16xf32>
            %add3A_177 = arith.addf %add3A_169, %mul3A_176 : vector<16xf32>
            %get3A_178 = arith.index_cast %add3A_136 : i32 to index
            %get3A_179 = arith.constant 80 : index
            %get3A_180 = tpu.vector_load %arg11[%get3A_178, %get3A_179] {strides = array<i32>} : memref<80x128xf32, #tpu.memory_space<vmem>>, vector<16xf32>,
            %get3A_181 = arith.index_cast %add3A_136 : i32 to index
            %get3A_182 = arith.constant 80 : index
            %get3A_183 = tpu.vector_load %arg12[%get3A_181, %get3A_182] {strides = array<i32>} : memref<80x128xf32, #tpu.memory_space<vmem>>, vector<16xf32>,
            %mul3A_184 = arith.mulf %get3A_180, %get3A_183 : vector<16xf32>
            %add3A_185 = arith.addf %add3A_177, %mul3A_184 : vector<16xf32>
            %get3A_186 = arith.index_cast %add3A_136 : i32 to index
            %get3A_187 = arith.constant 96 : index
            %get3A_188 = tpu.vector_load %arg11[%get3A_186, %get3A_187] {strides = array<i32>} : memref<80x128xf32, #tpu.memory_space<vmem>>, vector<16xf32>,
            %get3A_189 = arith.index_cast %add3A_136 : i32 to index
            %get3A_190 = arith.constant 96 : index
            %get3A_191 = tpu.vector_load %arg12[%get3A_189, %get3A_190] {strides = array<i32>} : memref<80x128xf32, #tpu.memory_space<vmem>>, vector<16xf32>,
            %mul3A_192 = arith.mulf %get3A_188, %get3A_191 : vector<16xf32>
            %add3A_193 = arith.addf %add3A_185, %mul3A_192 : vector<16xf32>
            %get3A_194 = arith.index_cast %add3A_136 : i32 to index
            %get3A_195 = arith.constant 112 : index
            %get3A_196 = tpu.vector_load %arg11[%get3A_194, %get3A_195] {strides = array<i32>} : memref<80x128xf32, #tpu.memory_space<vmem>>, vector<16xf32>,
            %get3A_197 = arith.index_cast %add3A_136 : i32 to index
            %get3A_198 = arith.constant 112 : index
            %get3A_199 = tpu.vector_load %arg12[%get3A_197, %get3A_198] {strides = array<i32>} : memref<80x128xf32, #tpu.memory_space<vmem>>, vector<16xf32>,
            %mul3A_200 = arith.mulf %get3A_196, %get3A_199 : vector<16xf32>
            %add3A_201 = arith.addf %add3A_193, %mul3A_200 : vector<16xf32>
            %reduce_sum3A = arith.constant true
            %reduce_sum3A_202 = vector.broadcast %reduce_sum3A : i1 to vector<16xi1>
            %reduce_sum3A_203 = tpu.scan <sum>, %add3A_201 masked %reduce_sum3A_202 : vector<16xf32>, vector<16xi1> -> vector<16xf32>
            %reduce_sum3A_204 = vector.extract %reduce_sum3A_203[15] : f32 from vector<16xf32>
            %eq3A_205 = vector.broadcast %scan3A_134 : i32 to vector<16xi32>
            %eq3A_206 = arith.cmpi eq, %iota3A, %eq3A_205 : vector<16xi32>
            %broadcast_in_dim3A_207 = vector.broadcast %reduce_sum3A_204 : f32 to vector<16xf32>
            %select_n3A = arith.select %eq3A_206, %broadcast_in_dim3A_207, %scan3A_135 : vector<16xi1>, vector<16xf32>
            %scan3A_208 = arith.constant 1 : i32
            %scan3A_209 = arith.addi %scan3A_134, %scan3A_208 : i32
            %add3A_210 = arith.addi %mul3A_115, %scan3A_209 : i32
            %broadcast_in_dim3A_211 = arith.constant 0.000000e+00 : f32
            %broadcast_in_dim3A_212 = vector.broadcast %broadcast_in_dim3A_211 : f32 to vector<16xf32>
            %get3A_213 = arith.index_cast %add3A_210 : i32 to index
            %get3A_214 = arith.constant 0 : index
            %get3A_215 = tpu.vector_load %arg11[%get3A_213, %get3A_214] {strides = array<i32>} : memref<80x128xf32, #tpu.memory_space<vmem>>, vector<16xf32>,
            %get3A_216 = arith.index_cast %add3A_210 : i32 to index
            %get3A_217 = arith.constant 0 : index
            %get3A_218 = tpu.vector_load %arg12[%get3A_216, %get3A_217] {strides = array<i32>} : memref<80x128xf32, #tpu.memory_space<vmem>>, vector<16xf32>,
            %mul3A_219 = arith.mulf %get3A_215, %get3A_218 : vector<16xf32>
            %add3A_220 = arith.addf %broadcast_in_dim3A_212, %mul3A_219 : vector<16xf32>
            %get3A_221 = arith.index_cast %add3A_210 : i32 to index
            %get3A_222 = arith.constant 16 : index
            %get3A_223 = tpu.vector_load %arg11[%get3A_221, %get3A_222] {strides = array<i32>} : memref<80x128xf32, #tpu.memory_space<vmem>>, vector<16xf32>,
            %get3A_224 = arith.index_cast %add3A_210 : i32 to index
            %get3A_225 = arith.constant 16 : index
            %get3A_226 = tpu.vector_load %arg12[%get3A_224, %get3A_225] {strides = array<i32>} : memref<80x128xf32, #tpu.memory_space<vmem>>, vector<16xf32>,
            %mul3A_227 = arith.mulf %get3A_223, %get3A_226 : vector<16xf32>
            %add3A_228 = arith.addf %add3A_220, %mul3A_227 : vector<16xf32>
            %get3A_229 = arith.index_cast %add3A_210 : i32 to index
            %get3A_230 = arith.constant 32 : index
            %get3A_231 = tpu.vector_load %arg11[%get3A_229, %get3A_230] {strides = array<i32>} : memref<80x128xf32, #tpu.memory_space<vmem>>, vector<16xf32>,
            %get3A_232 = arith.index_cast %add3A_210 : i32 to index
            %get3A_233 = arith.constant 32 : index
            %get3A_234 = tpu.vector_load %arg12[%get3A_232, %get3A_233] {strides = array<i32>} : memref<80x128xf32, #tpu.memory_space<vmem>>, vector<16xf32>,
            %mul3A_235 = arith.mulf %get3A_231, %get3A_234 : vector<16xf32>
            %add3A_236 = arith.addf %add3A_228, %mul3A_235 : vector<16xf32>
            %get3A_237 = arith.index_cast %add3A_210 : i32 to index
            %get3A_238 = arith.constant 48 : index
            %get3A_239 = tpu.vector_load %arg11[%get3A_237, %get3A_238] {strides = array<i32>} : memref<80x128xf32, #tpu.memory_space<vmem>>, vector<16xf32>,
            %get3A_240 = arith.index_cast %add3A_210 : i32 to index
            %get3A_241 = arith.constant 48 : index
            %get3A_242 = tpu.vector_load %arg12[%get3A_240, %get3A_241] {strides = array<i32>} : memref<80x128xf32, #tpu.memory_space<vmem>>, vector<16xf32>,
            %mul3A_243 = arith.mulf %get3A_239, %get3A_242 : vector<16xf32>
            %add3A_244 = arith.addf %add3A_236, %mul3A_243 : vector<16xf32>
            %get3A_245 = arith.index_cast %add3A_210 : i32 to index
            %get3A_246 = arith.constant 64 : index
            %get3A_247 = tpu.vector_load %arg11[%get3A_245, %get3A_246] {strides = array<i32>} : memref<80x128xf32, #tpu.memory_space<vmem>>, vector<16xf32>,
            %get3A_248 = arith.index_cast %add3A_210 : i32 to index
            %get3A_249 = arith.constant 64 : index
            %get3A_250 = tpu.vector_load %arg12[%get3A_248, %get3A_249] {strides = array<i32>} : memref<80x128xf32, #tpu.memory_space<vmem>>, vector<16xf32>,
            %mul3A_251 = arith.mulf %get3A_247, %get3A_250 : vector<16xf32>
            %add3A_252 = arith.addf %add3A_244, %mul3A_251 : vector<16xf32>
            %get3A_253 = arith.index_cast %add3A_210 : i32 to index
            %get3A_254 = arith.constant 80 : index
            %get3A_255 = tpu.vector_load %arg11[%get3A_253, %get3A_254] {strides = array<i32>} : memref<80x128xf32, #tpu.memory_space<vmem>>, vector<16xf32>,
            %get3A_256 = arith.index_cast %add3A_210 : i32 to index
            %get3A_257 = arith.constant 80 : index
            %get3A_258 = tpu.vector_load %arg12[%get3A_256, %get3A_257] {strides = array<i32>} : memref<80x128xf32, #tpu.memory_space<vmem>>, vector<16xf32>,
            %mul3A_259 = arith.mulf %get3A_255, %get3A_258 : vector<16xf32>
            %add3A_260 = arith.addf %add3A_252, %mul3A_259 : vector<16xf32>
            %get3A_261 = arith.index_cast %add3A_210 : i32 to index
            %get3A_262 = arith.constant 96 : index
            %get3A_263 = tpu.vector_load %arg11[%get3A_261, %get3A_262] {strides = array<i32>} : memref<80x128xf32, #tpu.memory_space<vmem>>, vector<16xf32>,
            %get3A_264 = arith.index_cast %add3A_210 : i32 to index
            %get3A_265 = arith.constant 96 : index
            %get3A_266 = tpu.vector_load %arg12[%get3A_264, %get3A_265] {strides = array<i32>} : memref<80x128xf32, #tpu.memory_space<vmem>>, vector<16xf32>,
            %mul3A_267 = arith.mulf %get3A_263, %get3A_266 : vector<16xf32>
            %add3A_268 = arith.addf %add3A_260, %mul3A_267 : vector<16xf32>
            %get3A_269 = arith.index_cast %add3A_210 : i32 to index
            %get3A_270 = arith.constant 112 : index
            %get3A_271 = tpu.vector_load %arg11[%get3A_269, %get3A_270] {strides = array<i32>} : memref<80x128xf32, #tpu.memory_space<vmem>>, vector<16xf32>,
            %get3A_272 = arith.index_cast %add3A_210 : i32 to index
            %get3A_273 = arith.constant 112 : index
            %get3A_274 = tpu.vector_load %arg12[%get3A_272, %get3A_273] {strides = array<i32>} : memref<80x128xf32, #tpu.memory_space<vmem>>, vector<16xf32>,
            %mul3A_275 = arith.mulf %get3A_271, %get3A_274 : vector<16xf32>
            %add3A_276 = arith.addf %add3A_268, %mul3A_275 : vector<16xf32>
            %reduce_sum3A_277 = arith.constant true
            %reduce_sum3A_278 = vector.broadcast %reduce_sum3A_277 : i1 to vector<16xi1>
            %reduce_sum3A_279 = tpu.scan <sum>, %add3A_276 masked %reduce_sum3A_278 : vector<16xf32>, vector<16xi1> -> vector<16xf32>
            %reduce_sum3A_280 = vector.extract %reduce_sum3A_279[15] : f32 from vector<16xf32>
            %eq3A_281 = vector.broadcast %scan3A_209 : i32 to vector<16xi32>
            %eq3A_282 = arith.cmpi eq, %iota3A, %eq3A_281 : vector<16xi32>
            %broadcast_in_dim3A_283 = vector.broadcast %reduce_sum3A_280 : f32 to vector<16xf32>
            %select_n3A_284 = arith.select %eq3A_282, %broadcast_in_dim3A_283, %select_n3A : vector<16xi1>, vector<16xf32>
            %scan3A_285 = arith.constant 2 : i32
            %scan3A_286 = arith.addi %scan3A_134, %scan3A_285 : i32
            %add3A_287 = arith.addi %mul3A_115, %scan3A_286 : i32
            %broadcast_in_dim3A_288 = arith.constant 0.000000e+00 : f32
            %broadcast_in_dim3A_289 = vector.broadcast %broadcast_in_dim3A_288 : f32 to vector<16xf32>
            %get3A_290 = arith.index_cast %add3A_287 : i32 to index
            %get3A_291 = arith.constant 0 : index
            %get3A_292 = tpu.vector_load %arg11[%get3A_290, %get3A_291] {strides = array<i32>} : memref<80x128xf32, #tpu.memory_space<vmem>>, vector<16xf32>,
            %get3A_293 = arith.index_cast %add3A_287 : i32 to index
            %get3A_294 = arith.constant 0 : index
            %get3A_295 = tpu.vector_load %arg12[%get3A_293, %get3A_294] {strides = array<i32>} : memref<80x128xf32, #tpu.memory_space<vmem>>, vector<16xf32>,
            %mul3A_296 = arith.mulf %get3A_292, %get3A_295 : vector<16xf32>
            %add3A_297 = arith.addf %broadcast_in_dim3A_289, %mul3A_296 : vector<16xf32>
            %get3A_298 = arith.index_cast %add3A_287 : i32 to index
            %get3A_299 = arith.constant 16 : index
            %get3A_300 = tpu.vector_load %arg11[%get3A_298, %get3A_299] {strides = array<i32>} : memref<80x128xf32, #tpu.memory_space<vmem>>, vector<16xf32>,
            %get3A_301 = arith.index_cast %add3A_287 : i32 to index
            %get3A_302 = arith.constant 16 : index
            %get3A_303 = tpu.vector_load %arg12[%get3A_301, %get3A_302] {strides = array<i32>} : memref<80x128xf32, #tpu.memory_space<vmem>>, vector<16xf32>,
            %mul3A_304 = arith.mulf %get3A_300, %get3A_303 : vector<16xf32>
            %add3A_305 = arith.addf %add3A_297, %mul3A_304 : vector<16xf32>
            %get3A_306 = arith.index_cast %add3A_287 : i32 to index
            %get3A_307 = arith.constant 32 : index
            %get3A_308 = tpu.vector_load %arg11[%get3A_306, %get3A_307] {strides = array<i32>} : memref<80x128xf32, #tpu.memory_space<vmem>>, vector<16xf32>,
            %get3A_309 = arith.index_cast %add3A_287 : i32 to index
            %get3A_310 = arith.constant 32 : index
            %get3A_311 = tpu.vector_load %arg12[%get3A_309, %get3A_310] {strides = array<i32>} : memref<80x128xf32, #tpu.memory_space<vmem>>, vector<16xf32>,
            %mul3A_312 = arith.mulf %get3A_308, %get3A_311 : vector<16xf32>
            %add3A_313 = arith.addf %add3A_305, %mul3A_312 : vector<16xf32>
            %get3A_314 = arith.index_cast %add3A_287 : i32 to index
            %get3A_315 = arith.constant 48 : index
            %get3A_316 = tpu.vector_load %arg11[%get3A_314, %get3A_315] {strides = array<i32>} : memref<80x128xf32, #tpu.memory_space<vmem>>, vector<16xf32>,
            %get3A_317 = arith.index_cast %add3A_287 : i32 to index
            %get3A_318 = arith.constant 48 : index
            %get3A_319 = tpu.vector_load %arg12[%get3A_317, %get3A_318] {strides = array<i32>} : memref<80x128xf32, #tpu.memory_space<vmem>>, vector<16xf32>,
            %mul3A_320 = arith.mulf %get3A_316, %get3A_319 : vector<16xf32>
            %add3A_321 = arith.addf %add3A_313, %mul3A_320 : vector<16xf32>
            %get3A_322 = arith.index_cast %add3A_287 : i32 to index
            %get3A_323 = arith.constant 64 : index
            %get3A_324 = tpu.vector_load %arg11[%get3A_322, %get3A_323] {strides = array<i32>} : memref<80x128xf32, #tpu.memory_space<vmem>>, vector<16xf32>,
            %get3A_325 = arith.index_cast %add3A_287 : i32 to index
            %get3A_326 = arith.constant 64 : index
            %get3A_327 = tpu.vector_load %arg12[%get3A_325, %get3A_326] {strides = array<i32>} : memref<80x128xf32, #tpu.memory_space<vmem>>, vector<16xf32>,
            %mul3A_328 = arith.mulf %get3A_324, %get3A_327 : vector<16xf32>
            %add3A_329 = arith.addf %add3A_321, %mul3A_328 : vector<16xf32>
            %get3A_330 = arith.index_cast %add3A_287 : i32 to index
            %get3A_331 = arith.constant 80 : index
            %get3A_332 = tpu.vector_load %arg11[%get3A_330, %get3A_331] {strides = array<i32>} : memref<80x128xf32, #tpu.memory_space<vmem>>, vector<16xf32>,
            %get3A_333 = arith.index_cast %add3A_287 : i32 to index
            %get3A_334 = arith.constant 80 : index
            %get3A_335 = tpu.vector_load %arg12[%get3A_333, %get3A_334] {strides = array<i32>} : memref<80x128xf32, #tpu.memory_space<vmem>>, vector<16xf32>,
            %mul3A_336 = arith.mulf %get3A_332, %get3A_335 : vector<16xf32>
            %add3A_337 = arith.addf %add3A_329, %mul3A_336 : vector<16xf32>
            %get3A_338 = arith.index_cast %add3A_287 : i32 to index
            %get3A_339 = arith.constant 96 : index
            %get3A_340 = tpu.vector_load %arg11[%get3A_338, %get3A_339] {strides = array<i32>} : memref<80x128xf32, #tpu.memory_space<vmem>>, vector<16xf32>,
            %get3A_341 = arith.index_cast %add3A_287 : i32 to index
            %get3A_342 = arith.constant 96 : index
            %get3A_343 = tpu.vector_load %arg12[%get3A_341, %get3A_342] {strides = array<i32>} : memref<80x128xf32, #tpu.memory_space<vmem>>, vector<16xf32>,
            %mul3A_344 = arith.mulf %get3A_340, %get3A_343 : vector<16xf32>
            %add3A_345 = arith.addf %add3A_337, %mul3A_344 : vector<16xf32>
            %get3A_346 = arith.index_cast %add3A_287 : i32 to index
            %get3A_347 = arith.constant 112 : index
            %get3A_348 = tpu.vector_load %arg11[%get3A_346, %get3A_347] {strides = array<i32>} : memref<80x128xf32, #tpu.memory_space<vmem>>, vector<16xf32>,
            %get3A_349 = arith.index_cast %add3A_287 : i32 to index
            %get3A_350 = arith.constant 112 : index
            %get3A_351 = tpu.vector_load %arg12[%get3A_349, %get3A_350] {strides = array<i32>} : memref<80x128xf32, #tpu.memory_space<vmem>>, vector<16xf32>,
            %mul3A_352 = arith.mulf %get3A_348, %get3A_351 : vector<16xf32>
            %add3A_353 = arith.addf %add3A_345, %mul3A_352 : vector<16xf32>
            %reduce_sum3A_354 = arith.constant true
            %reduce_sum3A_355 = vector.broadcast %reduce_sum3A_354 : i1 to vector<16xi1>
            %reduce_sum3A_356 = tpu.scan <sum>, %add3A_353 masked %reduce_sum3A_355 : vector<16xf32>, vector<16xi1> -> vector<16xf32>
            %reduce_sum3A_357 = vector.extract %reduce_sum3A_356[15] : f32 from vector<16xf32>
            %eq3A_358 = vector.broadcast %scan3A_286 : i32 to vector<16xi32>
            %eq3A_359 = arith.cmpi eq, %iota3A, %eq3A_358 : vector<16xi32>
            %broadcast_in_dim3A_360 = vector.broadcast %reduce_sum3A_357 : f32 to vector<16xf32>
            %select_n3A_361 = arith.select %eq3A_359, %broadcast_in_dim3A_360, %select_n3A_284 : vector<16xi1>, vector<16xf32>
            %scan3A_362 = arith.constant 3 : i32
            %scan3A_363 = arith.addi %scan3A_134, %scan3A_362 : i32
            %add3A_364 = arith.addi %mul3A_115, %scan3A_363 : i32
            %broadcast_in_dim3A_365 = arith.constant 0.000000e+00 : f32
            %broadcast_in_dim3A_366 = vector.broadcast %broadcast_in_dim3A_365 : f32 to vector<16xf32>
            %get3A_367 = arith.index_cast %add3A_364 : i32 to index
            %get3A_368 = arith.constant 0 : index
            %get3A_369 = tpu.vector_load %arg11[%get3A_367, %get3A_368] {strides = array<i32>} : memref<80x128xf32, #tpu.memory_space<vmem>>, vector<16xf32>,
            %get3A_370 = arith.index_cast %add3A_364 : i32 to index
            %get3A_371 = arith.constant 0 : index
            %get3A_372 = tpu.vector_load %arg12[%get3A_370, %get3A_371] {strides = array<i32>} : memref<80x128xf32, #tpu.memory_space<vmem>>, vector<16xf32>,
            %mul3A_373 = arith.mulf %get3A_369, %get3A_372 : vector<16xf32>
            %add3A_374 = arith.addf %broadcast_in_dim3A_366, %mul3A_373 : vector<16xf32>
            %get3A_375 = arith.index_cast %add3A_364 : i32 to index
            %get3A_376 = arith.constant 16 : index
            %get3A_377 = tpu.vector_load %arg11[%get3A_375, %get3A_376] {strides = array<i32>} : memref<80x128xf32, #tpu.memory_space<vmem>>, vector<16xf32>,
            %get3A_378 = arith.index_cast %add3A_364 : i32 to index
            %get3A_379 = arith.constant 16 : index
            %get3A_380 = tpu.vector_load %arg12[%get3A_378, %get3A_379] {strides = array<i32>} : memref<80x128xf32, #tpu.memory_space<vmem>>, vector<16xf32>,
            %mul3A_381 = arith.mulf %get3A_377, %get3A_380 : vector<16xf32>
            %add3A_382 = arith.addf %add3A_374, %mul3A_381 : vector<16xf32>
            %get3A_383 = arith.index_cast %add3A_364 : i32 to index
            %get3A_384 = arith.constant 32 : index
            %get3A_385 = tpu.vector_load %arg11[%get3A_383, %get3A_384] {strides = array<i32>} : memref<80x128xf32, #tpu.memory_space<vmem>>, vector<16xf32>,
            %get3A_386 = arith.index_cast %add3A_364 : i32 to index
            %get3A_387 = arith.constant 32 : index
            %get3A_388 = tpu.vector_load %arg12[%get3A_386, %get3A_387] {strides = array<i32>} : memref<80x128xf32, #tpu.memory_space<vmem>>, vector<16xf32>,
            %mul3A_389 = arith.mulf %get3A_385, %get3A_388 : vector<16xf32>
            %add3A_390 = arith.addf %add3A_382, %mul3A_389 : vector<16xf32>
            %get3A_391 = arith.index_cast %add3A_364 : i32 to index
            %get3A_392 = arith.constant 48 : index
            %get3A_393 = tpu.vector_load %arg11[%get3A_391, %get3A_392] {strides = array<i32>} : memref<80x128xf32, #tpu.memory_space<vmem>>, vector<16xf32>,
            %get3A_394 = arith.index_cast %add3A_364 : i32 to index
            %get3A_395 = arith.constant 48 : index
            %get3A_396 = tpu.vector_load %arg12[%get3A_394, %get3A_395] {strides = array<i32>} : memref<80x128xf32, #tpu.memory_space<vmem>>, vector<16xf32>,
            %mul3A_397 = arith.mulf %get3A_393, %get3A_396 : vector<16xf32>
            %add3A_398 = arith.addf %add3A_390, %mul3A_397 : vector<16xf32>
            %get3A_399 = arith.index_cast %add3A_364 : i32 to index
            %get3A_400 = arith.constant 64 : index
            %get3A_401 = tpu.vector_load %arg11[%get3A_399, %get3A_400] {strides = array<i32>} : memref<80x128xf32, #tpu.memory_space<vmem>>, vector<16xf32>,
            %get3A_402 = arith.index_cast %add3A_364 : i32 to index
            %get3A_403 = arith.constant 64 : index
            %get3A_404 = tpu.vector_load %arg12[%get3A_402, %get3A_403] {strides = array<i32>} : memref<80x128xf32, #tpu.memory_space<vmem>>, vector<16xf32>,
            %mul3A_405 = arith.mulf %get3A_401, %get3A_404 : vector<16xf32>
            %add3A_406 = arith.addf %add3A_398, %mul3A_405 : vector<16xf32>
            %get3A_407 = arith.index_cast %add3A_364 : i32 to index
            %get3A_408 = arith.constant 80 : index
            %get3A_409 = tpu.vector_load %arg11[%get3A_407, %get3A_408] {strides = array<i32>} : memref<80x128xf32, #tpu.memory_space<vmem>>, vector<16xf32>,
            %get3A_410 = arith.index_cast %add3A_364 : i32 to index
            %get3A_411 = arith.constant 80 : index
            %get3A_412 = tpu.vector_load %arg12[%get3A_410, %get3A_411] {strides = array<i32>} : memref<80x128xf32, #tpu.memory_space<vmem>>, vector<16xf32>,
            %mul3A_413 = arith.mulf %get3A_409, %get3A_412 : vector<16xf32>
            %add3A_414 = arith.addf %add3A_406, %mul3A_413 : vector<16xf32>
            %get3A_415 = arith.index_cast %add3A_364 : i32 to index
            %get3A_416 = arith.constant 96 : index
            %get3A_417 = tpu.vector_load %arg11[%get3A_415, %get3A_416] {strides = array<i32>} : memref<80x128xf32, #tpu.memory_space<vmem>>, vector<16xf32>,
            %get3A_418 = arith.index_cast %add3A_364 : i32 to index
            %get3A_419 = arith.constant 96 : index
            %get3A_420 = tpu.vector_load %arg12[%get3A_418, %get3A_419] {strides = array<i32>} : memref<80x128xf32, #tpu.memory_space<vmem>>, vector<16xf32>,
            %mul3A_421 = arith.mulf %get3A_417, %get3A_420 : vector<16xf32>
            %add3A_422 = arith.addf %add3A_414, %mul3A_421 : vector<16xf32>
            %get3A_423 = arith.index_cast %add3A_364 : i32 to index
            %get3A_424 = arith.constant 112 : index
            %get3A_425 = tpu.vector_load %arg11[%get3A_423, %get3A_424] {strides = array<i32>} : memref<80x128xf32, #tpu.memory_space<vmem>>, vector<16xf32>,
            %get3A_426 = arith.index_cast %add3A_364 : i32 to index
            %get3A_427 = arith.constant 112 : index
            %get3A_428 = tpu.vector_load %arg12[%get3A_426, %get3A_427] {strides = array<i32>} : memref<80x128xf32, #tpu.memory_space<vmem>>, vector<16xf32>,
            %mul3A_429 = arith.mulf %get3A_425, %get3A_428 : vector<16xf32>
            %add3A_430 = arith.addf %add3A_422, %mul3A_429 : vector<16xf32>
            %reduce_sum3A_431 = arith.constant true
            %reduce_sum3A_432 = vector.broadcast %reduce_sum3A_431 : i1 to vector<16xi1>
            %reduce_sum3A_433 = tpu.scan <sum>, %add3A_430 masked %reduce_sum3A_432 : vector<16xf32>, vector<16xi1> -> vector<16xf32>
            %reduce_sum3A_434 = vector.extract %reduce_sum3A_433[15] : f32 from vector<16xf32>
            %eq3A_435 = vector.broadcast %scan3A_363 : i32 to vector<16xi32>
            %eq3A_436 = arith.cmpi eq, %iota3A, %eq3A_435 : vector<16xi32>
            %broadcast_in_dim3A_437 = vector.broadcast %reduce_sum3A_434 : f32 to vector<16xf32>
            %select_n3A_438 = arith.select %eq3A_436, %broadcast_in_dim3A_437, %select_n3A_361 : vector<16xi1>, vector<16xf32>
            %scan3A_439 = arith.constant 4 : i32
            %scan3A_440 = arith.addi %scan3A_134, %scan3A_439 : i32
            %add3A_441 = arith.addi %mul3A_115, %scan3A_440 : i32
            %broadcast_in_dim3A_442 = arith.constant 0.000000e+00 : f32
            %broadcast_in_dim3A_443 = vector.broadcast %broadcast_in_dim3A_442 : f32 to vector<16xf32>
            %get3A_444 = arith.index_cast %add3A_441 : i32 to index
            %get3A_445 = arith.constant 0 : index
            %get3A_446 = tpu.vector_load %arg11[%get3A_444, %get3A_445] {strides = array<i32>} : memref<80x128xf32, #tpu.memory_space<vmem>>, vector<16xf32>,
            %get3A_447 = arith.index_cast %add3A_441 : i32 to index
            %get3A_448 = arith.constant 0 : index
            %get3A_449 = tpu.vector_load %arg12[%get3A_447, %get3A_448] {strides = array<i32>} : memref<80x128xf32, #tpu.memory_space<vmem>>, vector<16xf32>,
            %mul3A_450 = arith.mulf %get3A_446, %get3A_449 : vector<16xf32>
            %add3A_451 = arith.addf %broadcast_in_dim3A_443, %mul3A_450 : vector<16xf32>
            %get3A_452 = arith.index_cast %add3A_441 : i32 to index
            %get3A_453 = arith.constant 16 : index
            %get3A_454 = tpu.vector_load %arg11[%get3A_452, %get3A_453] {strides = array<i32>} : memref<80x128xf32, #tpu.memory_space<vmem>>, vector<16xf32>,
            %get3A_455 = arith.index_cast %add3A_441 : i32 to index
            %get3A_456 = arith.constant 16 : index
            %get3A_457 = tpu.vector_load %arg12[%get3A_455, %get3A_456] {strides = array<i32>} : memref<80x128xf32, #tpu.memory_space<vmem>>, vector<16xf32>,
            %mul3A_458 = arith.mulf %get3A_454, %get3A_457 : vector<16xf32>
            %add3A_459 = arith.addf %add3A_451, %mul3A_458 : vector<16xf32>
            %get3A_460 = arith.index_cast %add3A_441 : i32 to index
            %get3A_461 = arith.constant 32 : index
            %get3A_462 = tpu.vector_load %arg11[%get3A_460, %get3A_461] {strides = array<i32>} : memref<80x128xf32, #tpu.memory_space<vmem>>, vector<16xf32>,
            %get3A_463 = arith.index_cast %add3A_441 : i32 to index
            %get3A_464 = arith.constant 32 : index
            %get3A_465 = tpu.vector_load %arg12[%get3A_463, %get3A_464] {strides = array<i32>} : memref<80x128xf32, #tpu.memory_space<vmem>>, vector<16xf32>,
            %mul3A_466 = arith.mulf %get3A_462, %get3A_465 : vector<16xf32>
            %add3A_467 = arith.addf %add3A_459, %mul3A_466 : vector<16xf32>
            %get3A_468 = arith.index_cast %add3A_441 : i32 to index
            %get3A_469 = arith.constant 48 : index
            %get3A_470 = tpu.vector_load %arg11[%get3A_468, %get3A_469] {strides = array<i32>} : memref<80x128xf32, #tpu.memory_space<vmem>>, vector<16xf32>,
            %get3A_471 = arith.index_cast %add3A_441 : i32 to index
            %get3A_472 = arith.constant 48 : index
            %get3A_473 = tpu.vector_load %arg12[%get3A_471, %get3A_472] {strides = array<i32>} : memref<80x128xf32, #tpu.memory_space<vmem>>, vector<16xf32>,
            %mul3A_474 = arith.mulf %get3A_470, %get3A_473 : vector<16xf32>
            %add3A_475 = arith.addf %add3A_467, %mul3A_474 : vector<16xf32>
            %get3A_476 = arith.index_cast %add3A_441 : i32 to index
            %get3A_477 = arith.constant 64 : index
            %get3A_478 = tpu.vector_load %arg11[%get3A_476, %get3A_477] {strides = array<i32>} : memref<80x128xf32, #tpu.memory_space<vmem>>, vector<16xf32>,
            %get3A_479 = arith.index_cast %add3A_441 : i32 to index
            %get3A_480 = arith.constant 64 : index
            %get3A_481 = tpu.vector_load %arg12[%get3A_479, %get3A_480] {strides = array<i32>} : memref<80x128xf32, #tpu.memory_space<vmem>>, vector<16xf32>,
            %mul3A_482 = arith.mulf %get3A_478, %get3A_481 : vector<16xf32>
            %add3A_483 = arith.addf %add3A_475, %mul3A_482 : vector<16xf32>
            %get3A_484 = arith.index_cast %add3A_441 : i32 to index
            %get3A_485 = arith.constant 80 : index
            %get3A_486 = tpu.vector_load %arg11[%get3A_484, %get3A_485] {strides = array<i32>} : memref<80x128xf32, #tpu.memory_space<vmem>>, vector<16xf32>,
            %get3A_487 = arith.index_cast %add3A_441 : i32 to index
            %get3A_488 = arith.constant 80 : index
            %get3A_489 = tpu.vector_load %arg12[%get3A_487, %get3A_488] {strides = array<i32>} : memref<80x128xf32, #tpu.memory_space<vmem>>, vector<16xf32>,
            %mul3A_490 = arith.mulf %get3A_486, %get3A_489 : vector<16xf32>
            %add3A_491 = arith.addf %add3A_483, %mul3A_490 : vector<16xf32>
            %get3A_492 = arith.index_cast %add3A_441 : i32 to index
            %get3A_493 = arith.constant 96 : index
            %get3A_494 = tpu.vector_load %arg11[%get3A_492, %get3A_493] {strides = array<i32>} : memref<80x128xf32, #tpu.memory_space<vmem>>, vector<16xf32>,
            %get3A_495 = arith.index_cast %add3A_441 : i32 to index
            %get3A_496 = arith.constant 96 : index
            %get3A_497 = tpu.vector_load %arg12[%get3A_495, %get3A_496] {strides = array<i32>} : memref<80x128xf32, #tpu.memory_space<vmem>>, vector<16xf32>,
            %mul3A_498 = arith.mulf %get3A_494, %get3A_497 : vector<16xf32>
            %add3A_499 = arith.addf %add3A_491, %mul3A_498 : vector<16xf32>
            %get3A_500 = arith.index_cast %add3A_441 : i32 to index
            %get3A_501 = arith.constant 112 : index
            %get3A_502 = tpu.vector_load %arg11[%get3A_500, %get3A_501] {strides = array<i32>} : memref<80x128xf32, #tpu.memory_space<vmem>>, vector<16xf32>,
            %get3A_503 = arith.index_cast %add3A_441 : i32 to index
            %get3A_504 = arith.constant 112 : index
            %get3A_505 = tpu.vector_load %arg12[%get3A_503, %get3A_504] {strides = array<i32>} : memref<80x128xf32, #tpu.memory_space<vmem>>, vector<16xf32>,
            %mul3A_506 = arith.mulf %get3A_502, %get3A_505 : vector<16xf32>
            %add3A_507 = arith.addf %add3A_499, %mul3A_506 : vector<16xf32>
            %reduce_sum3A_508 = arith.constant true
            %reduce_sum3A_509 = vector.broadcast %reduce_sum3A_508 : i1 to vector<16xi1>
            %reduce_sum3A_510 = tpu.scan <sum>, %add3A_507 masked %reduce_sum3A_509 : vector<16xf32>, vector<16xi1> -> vector<16xf32>
            %reduce_sum3A_511 = vector.extract %reduce_sum3A_510[15] : f32 from vector<16xf32>
            %eq3A_512 = vector.broadcast %scan3A_440 : i32 to vector<16xi32>
            %eq3A_513 = arith.cmpi eq, %iota3A, %eq3A_512 : vector<16xi32>
            %broadcast_in_dim3A_514 = vector.broadcast %reduce_sum3A_511 : f32 to vector<16xf32>
            %select_n3A_515 = arith.select %eq3A_513, %broadcast_in_dim3A_514, %select_n3A_438 : vector<16xi1>, vector<16xf32>
            %scan3A_516 = arith.constant 5 : i32
            %scan3A_517 = arith.addi %scan3A_134, %scan3A_516 : i32
            %add3A_518 = arith.addi %mul3A_115, %scan3A_517 : i32
            %broadcast_in_dim3A_519 = arith.constant 0.000000e+00 : f32
            %broadcast_in_dim3A_520 = vector.broadcast %broadcast_in_dim3A_519 : f32 to vector<16xf32>
            %get3A_521 = arith.index_cast %add3A_518 : i32 to index
            %get3A_522 = arith.constant 0 : index
            %get3A_523 = tpu.vector_load %arg11[%get3A_521, %get3A_522] {strides = array<i32>} : memref<80x128xf32, #tpu.memory_space<vmem>>, vector<16xf32>,
            %get3A_524 = arith.index_cast %add3A_518 : i32 to index
            %get3A_525 = arith.constant 0 : index
            %get3A_526 = tpu.vector_load %arg12[%get3A_524, %get3A_525] {strides = array<i32>} : memref<80x128xf32, #tpu.memory_space<vmem>>, vector<16xf32>,
            %mul3A_527 = arith.mulf %get3A_523, %get3A_526 : vector<16xf32>
            %add3A_528 = arith.addf %broadcast_in_dim3A_520, %mul3A_527 : vector<16xf32>
            %get3A_529 = arith.index_cast %add3A_518 : i32 to index
            %get3A_530 = arith.constant 16 : index
            %get3A_531 = tpu.vector_load %arg11[%get3A_529, %get3A_530] {strides = array<i32>} : memref<80x128xf32, #tpu.memory_space<vmem>>, vector<16xf32>,
            %get3A_532 = arith.index_cast %add3A_518 : i32 to index
            %get3A_533 = arith.constant 16 : index
            %get3A_534 = tpu.vector_load %arg12[%get3A_532, %get3A_533] {strides = array<i32>} : memref<80x128xf32, #tpu.memory_space<vmem>>, vector<16xf32>,
            %mul3A_535 = arith.mulf %get3A_531, %get3A_534 : vector<16xf32>
            %add3A_536 = arith.addf %add3A_528, %mul3A_535 : vector<16xf32>
            %get3A_537 = arith.index_cast %add3A_518 : i32 to index
            %get3A_538 = arith.constant 32 : index
            %get3A_539 = tpu.vector_load %arg11[%get3A_537, %get3A_538] {strides = array<i32>} : memref<80x128xf32, #tpu.memory_space<vmem>>, vector<16xf32>,
            %get3A_540 = arith.index_cast %add3A_518 : i32 to index
            %get3A_541 = arith.constant 32 : index
            %get3A_542 = tpu.vector_load %arg12[%get3A_540, %get3A_541] {strides = array<i32>} : memref<80x128xf32, #tpu.memory_space<vmem>>, vector<16xf32>,
            %mul3A_543 = arith.mulf %get3A_539, %get3A_542 : vector<16xf32>
            %add3A_544 = arith.addf %add3A_536, %mul3A_543 : vector<16xf32>
            %get3A_545 = arith.index_cast %add3A_518 : i32 to index
            %get3A_546 = arith.constant 48 : index
            %get3A_547 = tpu.vector_load %arg11[%get3A_545, %get3A_546] {strides = array<i32>} : memref<80x128xf32, #tpu.memory_space<vmem>>, vector<16xf32>,
            %get3A_548 = arith.index_cast %add3A_518 : i32 to index
            %get3A_549 = arith.constant 48 : index
            %get3A_550 = tpu.vector_load %arg12[%get3A_548, %get3A_549] {strides = array<i32>} : memref<80x128xf32, #tpu.memory_space<vmem>>, vector<16xf32>,
            %mul3A_551 = arith.mulf %get3A_547, %get3A_550 : vector<16xf32>
            %add3A_552 = arith.addf %add3A_544, %mul3A_551 : vector<16xf32>
            %get3A_553 = arith.index_cast %add3A_518 : i32 to index
            %get3A_554 = arith.constant 64 : index
            %get3A_555 = tpu.vector_load %arg11[%get3A_553, %get3A_554] {strides = array<i32>} : memref<80x128xf32, #tpu.memory_space<vmem>>, vector<16xf32>,
            %get3A_556 = arith.index_cast %add3A_518 : i32 to index
            %get3A_557 = arith.constant 64 : index
            %get3A_558 = tpu.vector_load %arg12[%get3A_556, %get3A_557] {strides = array<i32>} : memref<80x128xf32, #tpu.memory_space<vmem>>, vector<16xf32>,
            %mul3A_559 = arith.mulf %get3A_555, %get3A_558 : vector<16xf32>
            %add3A_560 = arith.addf %add3A_552, %mul3A_559 : vector<16xf32>
            %get3A_561 = arith.index_cast %add3A_518 : i32 to index
            %get3A_562 = arith.constant 80 : index
            %get3A_563 = tpu.vector_load %arg11[%get3A_561, %get3A_562] {strides = array<i32>} : memref<80x128xf32, #tpu.memory_space<vmem>>, vector<16xf32>,
            %get3A_564 = arith.index_cast %add3A_518 : i32 to index
            %get3A_565 = arith.constant 80 : index
            %get3A_566 = tpu.vector_load %arg12[%get3A_564, %get3A_565] {strides = array<i32>} : memref<80x128xf32, #tpu.memory_space<vmem>>, vector<16xf32>,
            %mul3A_567 = arith.mulf %get3A_563, %get3A_566 : vector<16xf32>
            %add3A_568 = arith.addf %add3A_560, %mul3A_567 : vector<16xf32>
            %get3A_569 = arith.index_cast %add3A_518 : i32 to index
            %get3A_570 = arith.constant 96 : index
            %get3A_571 = tpu.vector_load %arg11[%get3A_569, %get3A_570] {strides = array<i32>} : memref<80x128xf32, #tpu.memory_space<vmem>>, vector<16xf32>,
            %get3A_572 = arith.index_cast %add3A_518 : i32 to index
            %get3A_573 = arith.constant 96 : index
            %get3A_574 = tpu.vector_load %arg12[%get3A_572, %get3A_573] {strides = array<i32>} : memref<80x128xf32, #tpu.memory_space<vmem>>, vector<16xf32>,
            %mul3A_575 = arith.mulf %get3A_571, %get3A_574 : vector<16xf32>
            %add3A_576 = arith.addf %add3A_568, %mul3A_575 : vector<16xf32>
            %get3A_577 = arith.index_cast %add3A_518 : i32 to index
            %get3A_578 = arith.constant 112 : index
            %get3A_579 = tpu.vector_load %arg11[%get3A_577, %get3A_578] {strides = array<i32>} : memref<80x128xf32, #tpu.memory_space<vmem>>, vector<16xf32>,
            %get3A_580 = arith.index_cast %add3A_518 : i32 to index
            %get3A_581 = arith.constant 112 : index
            %get3A_582 = tpu.vector_load %arg12[%get3A_580, %get3A_581] {strides = array<i32>} : memref<80x128xf32, #tpu.memory_space<vmem>>, vector<16xf32>,
            %mul3A_583 = arith.mulf %get3A_579, %get3A_582 : vector<16xf32>
            %add3A_584 = arith.addf %add3A_576, %mul3A_583 : vector<16xf32>
            %reduce_sum3A_585 = arith.constant true
            %reduce_sum3A_586 = vector.broadcast %reduce_sum3A_585 : i1 to vector<16xi1>
            %reduce_sum3A_587 = tpu.scan <sum>, %add3A_584 masked %reduce_sum3A_586 : vector<16xf32>, vector<16xi1> -> vector<16xf32>
            %reduce_sum3A_588 = vector.extract %reduce_sum3A_587[15] : f32 from vector<16xf32>
            %eq3A_589 = vector.broadcast %scan3A_517 : i32 to vector<16xi32>
            %eq3A_590 = arith.cmpi eq, %iota3A, %eq3A_589 : vector<16xi32>
            %broadcast_in_dim3A_591 = vector.broadcast %reduce_sum3A_588 : f32 to vector<16xf32>
            %select_n3A_592 = arith.select %eq3A_590, %broadcast_in_dim3A_591, %select_n3A_515 : vector<16xi1>, vector<16xf32>
            %scan3A_593 = arith.constant 6 : i32
            %scan3A_594 = arith.addi %scan3A_134, %scan3A_593 : i32
            %add3A_595 = arith.addi %mul3A_115, %scan3A_594 : i32
            %broadcast_in_dim3A_596 = arith.constant 0.000000e+00 : f32
            %broadcast_in_dim3A_597 = vector.broadcast %broadcast_in_dim3A_596 : f32 to vector<16xf32>
            %get3A_598 = arith.index_cast %add3A_595 : i32 to index
            %get3A_599 = arith.constant 0 : index
            %get3A_600 = tpu.vector_load %arg11[%get3A_598, %get3A_599] {strides = array<i32>} : memref<80x128xf32, #tpu.memory_space<vmem>>, vector<16xf32>,
            %get3A_601 = arith.index_cast %add3A_595 : i32 to index
            %get3A_602 = arith.constant 0 : index
            %get3A_603 = tpu.vector_load %arg12[%get3A_601, %get3A_602] {strides = array<i32>} : memref<80x128xf32, #tpu.memory_space<vmem>>, vector<16xf32>,
            %mul3A_604 = arith.mulf %get3A_600, %get3A_603 : vector<16xf32>
            %add3A_605 = arith.addf %broadcast_in_dim3A_597, %mul3A_604 : vector<16xf32>
            %get3A_606 = arith.index_cast %add3A_595 : i32 to index
            %get3A_607 = arith.constant 16 : index
            %get3A_608 = tpu.vector_load %arg11[%get3A_606, %get3A_607] {strides = array<i32>} : memref<80x128xf32, #tpu.memory_space<vmem>>, vector<16xf32>,
            %get3A_609 = arith.index_cast %add3A_595 : i32 to index
            %get3A_610 = arith.constant 16 : index
            %get3A_611 = tpu.vector_load %arg12[%get3A_609, %get3A_610] {strides = array<i32>} : memref<80x128xf32, #tpu.memory_space<vmem>>, vector<16xf32>,
            %mul3A_612 = arith.mulf %get3A_608, %get3A_611 : vector<16xf32>
            %add3A_613 = arith.addf %add3A_605, %mul3A_612 : vector<16xf32>
            %get3A_614 = arith.index_cast %add3A_595 : i32 to index
            %get3A_615 = arith.constant 32 : index
            %get3A_616 = tpu.vector_load %arg11[%get3A_614, %get3A_615] {strides = array<i32>} : memref<80x128xf32, #tpu.memory_space<vmem>>, vector<16xf32>,
            %get3A_617 = arith.index_cast %add3A_595 : i32 to index
            %get3A_618 = arith.constant 32 : index
            %get3A_619 = tpu.vector_load %arg12[%get3A_617, %get3A_618] {strides = array<i32>} : memref<80x128xf32, #tpu.memory_space<vmem>>, vector<16xf32>,
            %mul3A_620 = arith.mulf %get3A_616, %get3A_619 : vector<16xf32>
            %add3A_621 = arith.addf %add3A_613, %mul3A_620 : vector<16xf32>
            %get3A_622 = arith.index_cast %add3A_595 : i32 to index
            %get3A_623 = arith.constant 48 : index
            %get3A_624 = tpu.vector_load %arg11[%get3A_622, %get3A_623] {strides = array<i32>} : memref<80x128xf32, #tpu.memory_space<vmem>>, vector<16xf32>,
            %get3A_625 = arith.index_cast %add3A_595 : i32 to index
            %get3A_626 = arith.constant 48 : index
            %get3A_627 = tpu.vector_load %arg12[%get3A_625, %get3A_626] {strides = array<i32>} : memref<80x128xf32, #tpu.memory_space<vmem>>, vector<16xf32>,
            %mul3A_628 = arith.mulf %get3A_624, %get3A_627 : vector<16xf32>
            %add3A_629 = arith.addf %add3A_621, %mul3A_628 : vector<16xf32>
            %get3A_630 = arith.index_cast %add3A_595 : i32 to index
            %get3A_631 = arith.constant 64 : index
            %get3A_632 = tpu.vector_load %arg11[%get3A_630, %get3A_631] {strides = array<i32>} : memref<80x128xf32, #tpu.memory_space<vmem>>, vector<16xf32>,
            %get3A_633 = arith.index_cast %add3A_595 : i32 to index
            %get3A_634 = arith.constant 64 : index
            %get3A_635 = tpu.vector_load %arg12[%get3A_633, %get3A_634] {strides = array<i32>} : memref<80x128xf32, #tpu.memory_space<vmem>>, vector<16xf32>,
            %mul3A_636 = arith.mulf %get3A_632, %get3A_635 : vector<16xf32>
            %add3A_637 = arith.addf %add3A_629, %mul3A_636 : vector<16xf32>
            %get3A_638 = arith.index_cast %add3A_595 : i32 to index
            %get3A_639 = arith.constant 80 : index
            %get3A_640 = tpu.vector_load %arg11[%get3A_638, %get3A_639] {strides = array<i32>} : memref<80x128xf32, #tpu.memory_space<vmem>>, vector<16xf32>,
            %get3A_641 = arith.index_cast %add3A_595 : i32 to index
            %get3A_642 = arith.constant 80 : index
            %get3A_643 = tpu.vector_load %arg12[%get3A_641, %get3A_642] {strides = array<i32>} : memref<80x128xf32, #tpu.memory_space<vmem>>, vector<16xf32>,
            %mul3A_644 = arith.mulf %get3A_640, %get3A_643 : vector<16xf32>
            %add3A_645 = arith.addf %add3A_637, %mul3A_644 : vector<16xf32>
            %get3A_646 = arith.index_cast %add3A_595 : i32 to index
            %get3A_647 = arith.constant 96 : index
            %get3A_648 = tpu.vector_load %arg11[%get3A_646, %get3A_647] {strides = array<i32>} : memref<80x128xf32, #tpu.memory_space<vmem>>, vector<16xf32>,
            %get3A_649 = arith.index_cast %add3A_595 : i32 to index
            %get3A_650 = arith.constant 96 : index
            %get3A_651 = tpu.vector_load %arg12[%get3A_649, %get3A_650] {strides = array<i32>} : memref<80x128xf32, #tpu.memory_space<vmem>>, vector<16xf32>,
            %mul3A_652 = arith.mulf %get3A_648, %get3A_651 : vector<16xf32>
            %add3A_653 = arith.addf %add3A_645, %mul3A_652 : vector<16xf32>
            %get3A_654 = arith.index_cast %add3A_595 : i32 to index
            %get3A_655 = arith.constant 112 : index
            %get3A_656 = tpu.vector_load %arg11[%get3A_654, %get3A_655] {strides = array<i32>} : memref<80x128xf32, #tpu.memory_space<vmem>>, vector<16xf32>,
            %get3A_657 = arith.index_cast %add3A_595 : i32 to index
            %get3A_658 = arith.constant 112 : index
            %get3A_659 = tpu.vector_load %arg12[%get3A_657, %get3A_658] {strides = array<i32>} : memref<80x128xf32, #tpu.memory_space<vmem>>, vector<16xf32>,
            %mul3A_660 = arith.mulf %get3A_656, %get3A_659 : vector<16xf32>
            %add3A_661 = arith.addf %add3A_653, %mul3A_660 : vector<16xf32>
            %reduce_sum3A_662 = arith.constant true
            %reduce_sum3A_663 = vector.broadcast %reduce_sum3A_662 : i1 to vector<16xi1>
            %reduce_sum3A_664 = tpu.scan <sum>, %add3A_661 masked %reduce_sum3A_663 : vector<16xf32>, vector<16xi1> -> vector<16xf32>
            %reduce_sum3A_665 = vector.extract %reduce_sum3A_664[15] : f32 from vector<16xf32>
            %eq3A_666 = vector.broadcast %scan3A_594 : i32 to vector<16xi32>
            %eq3A_667 = arith.cmpi eq, %iota3A, %eq3A_666 : vector<16xi32>
            %broadcast_in_dim3A_668 = vector.broadcast %reduce_sum3A_665 : f32 to vector<16xf32>
            %select_n3A_669 = arith.select %eq3A_667, %broadcast_in_dim3A_668, %select_n3A_592 : vector<16xi1>, vector<16xf32>
            %scan3A_670 = arith.constant 7 : i32
            %scan3A_671 = arith.addi %scan3A_134, %scan3A_670 : i32
            %add3A_672 = arith.addi %mul3A_115, %scan3A_671 : i32
            %broadcast_in_dim3A_673 = arith.constant 0.000000e+00 : f32
            %broadcast_in_dim3A_674 = vector.broadcast %broadcast_in_dim3A_673 : f32 to vector<16xf32>
            %get3A_675 = arith.index_cast %add3A_672 : i32 to index
            %get3A_676 = arith.constant 0 : index
            %get3A_677 = tpu.vector_load %arg11[%get3A_675, %get3A_676] {strides = array<i32>} : memref<80x128xf32, #tpu.memory_space<vmem>>, vector<16xf32>,
            %get3A_678 = arith.index_cast %add3A_672 : i32 to index
            %get3A_679 = arith.constant 0 : index
            %get3A_680 = tpu.vector_load %arg12[%get3A_678, %get3A_679] {strides = array<i32>} : memref<80x128xf32, #tpu.memory_space<vmem>>, vector<16xf32>,
            %mul3A_681 = arith.mulf %get3A_677, %get3A_680 : vector<16xf32>
            %add3A_682 = arith.addf %broadcast_in_dim3A_674, %mul3A_681 : vector<16xf32>
            %get3A_683 = arith.index_cast %add3A_672 : i32 to index
            %get3A_684 = arith.constant 16 : index
            %get3A_685 = tpu.vector_load %arg11[%get3A_683, %get3A_684] {strides = array<i32>} : memref<80x128xf32, #tpu.memory_space<vmem>>, vector<16xf32>,
            %get3A_686 = arith.index_cast %add3A_672 : i32 to index
            %get3A_687 = arith.constant 16 : index
            %get3A_688 = tpu.vector_load %arg12[%get3A_686, %get3A_687] {strides = array<i32>} : memref<80x128xf32, #tpu.memory_space<vmem>>, vector<16xf32>,
            %mul3A_689 = arith.mulf %get3A_685, %get3A_688 : vector<16xf32>
            %add3A_690 = arith.addf %add3A_682, %mul3A_689 : vector<16xf32>
            %get3A_691 = arith.index_cast %add3A_672 : i32 to index
            %get3A_692 = arith.constant 32 : index
            %get3A_693 = tpu.vector_load %arg11[%get3A_691, %get3A_692] {strides = array<i32>} : memref<80x128xf32, #tpu.memory_space<vmem>>, vector<16xf32>,
            %get3A_694 = arith.index_cast %add3A_672 : i32 to index
            %get3A_695 = arith.constant 32 : index
            %get3A_696 = tpu.vector_load %arg12[%get3A_694, %get3A_695] {strides = array<i32>} : memref<80x128xf32, #tpu.memory_space<vmem>>, vector<16xf32>,
            %mul3A_697 = arith.mulf %get3A_693, %get3A_696 : vector<16xf32>
            %add3A_698 = arith.addf %add3A_690, %mul3A_697 : vector<16xf32>
            %get3A_699 = arith.index_cast %add3A_672 : i32 to index
            %get3A_700 = arith.constant 48 : index
            %get3A_701 = tpu.vector_load %arg11[%get3A_699, %get3A_700] {strides = array<i32>} : memref<80x128xf32, #tpu.memory_space<vmem>>, vector<16xf32>,
            %get3A_702 = arith.index_cast %add3A_672 : i32 to index
            %get3A_703 = arith.constant 48 : index
            %get3A_704 = tpu.vector_load %arg12[%get3A_702, %get3A_703] {strides = array<i32>} : memref<80x128xf32, #tpu.memory_space<vmem>>, vector<16xf32>,
            %mul3A_705 = arith.mulf %get3A_701, %get3A_704 : vector<16xf32>
            %add3A_706 = arith.addf %add3A_698, %mul3A_705 : vector<16xf32>
            %get3A_707 = arith.index_cast %add3A_672 : i32 to index
            %get3A_708 = arith.constant 64 : index
            %get3A_709 = tpu.vector_load %arg11[%get3A_707, %get3A_708] {strides = array<i32>} : memref<80x128xf32, #tpu.memory_space<vmem>>, vector<16xf32>,
            %get3A_710 = arith.index_cast %add3A_672 : i32 to index
            %get3A_711 = arith.constant 64 : index
            %get3A_712 = tpu.vector_load %arg12[%get3A_710, %get3A_711] {strides = array<i32>} : memref<80x128xf32, #tpu.memory_space<vmem>>, vector<16xf32>,
            %mul3A_713 = arith.mulf %get3A_709, %get3A_712 : vector<16xf32>
            %add3A_714 = arith.addf %add3A_706, %mul3A_713 : vector<16xf32>
            %get3A_715 = arith.index_cast %add3A_672 : i32 to index
            %get3A_716 = arith.constant 80 : index
            %get3A_717 = tpu.vector_load %arg11[%get3A_715, %get3A_716] {strides = array<i32>} : memref<80x128xf32, #tpu.memory_space<vmem>>, vector<16xf32>,
            %get3A_718 = arith.index_cast %add3A_672 : i32 to index
            %get3A_719 = arith.constant 80 : index
            %get3A_720 = tpu.vector_load %arg12[%get3A_718, %get3A_719] {strides = array<i32>} : memref<80x128xf32, #tpu.memory_space<vmem>>, vector<16xf32>,
            %mul3A_721 = arith.mulf %get3A_717, %get3A_720 : vector<16xf32>
            %add3A_722 = arith.addf %add3A_714, %mul3A_721 : vector<16xf32>
            %get3A_723 = arith.index_cast %add3A_672 : i32 to index
            %get3A_724 = arith.constant 96 : index
            %get3A_725 = tpu.vector_load %arg11[%get3A_723, %get3A_724] {strides = array<i32>} : memref<80x128xf32, #tpu.memory_space<vmem>>, vector<16xf32>,
            %get3A_726 = arith.index_cast %add3A_672 : i32 to index
            %get3A_727 = arith.constant 96 : index
            %get3A_728 = tpu.vector_load %arg12[%get3A_726, %get3A_727] {strides = array<i32>} : memref<80x128xf32, #tpu.memory_space<vmem>>, vector<16xf32>,
            %mul3A_729 = arith.mulf %get3A_725, %get3A_728 : vector<16xf32>
            %add3A_730 = arith.addf %add3A_722, %mul3A_729 : vector<16xf32>
            %get3A_731 = arith.index_cast %add3A_672 : i32 to index
            %get3A_732 = arith.constant 112 : index
            %get3A_733 = tpu.vector_load %arg11[%get3A_731, %get3A_732] {strides = array<i32>} : memref<80x128xf32, #tpu.memory_space<vmem>>, vector<16xf32>,
            %get3A_734 = arith.index_cast %add3A_672 : i32 to index
            %get3A_735 = arith.constant 112 : index
            %get3A_736 = tpu.vector_load %arg12[%get3A_734, %get3A_735] {strides = array<i32>} : memref<80x128xf32, #tpu.memory_space<vmem>>, vector<16xf32>,
            %mul3A_737 = arith.mulf %get3A_733, %get3A_736 : vector<16xf32>
            %add3A_738 = arith.addf %add3A_730, %mul3A_737 : vector<16xf32>
            %reduce_sum3A_739 = arith.constant true
            %reduce_sum3A_740 = vector.broadcast %reduce_sum3A_739 : i1 to vector<16xi1>
            %reduce_sum3A_741 = tpu.scan <sum>, %add3A_738 masked %reduce_sum3A_740 : vector<16xf32>, vector<16xi1> -> vector<16xf32>
            %reduce_sum3A_742 = vector.extract %reduce_sum3A_741[15] : f32 from vector<16xf32>
            %eq3A_743 = vector.broadcast %scan3A_671 : i32 to vector<16xi32>
            %eq3A_744 = arith.cmpi eq, %iota3A, %eq3A_743 : vector<16xi32>
            %broadcast_in_dim3A_745 = vector.broadcast %reduce_sum3A_742 : f32 to vector<16xf32>
            %select_n3A_746 = arith.select %eq3A_744, %broadcast_in_dim3A_745, %select_n3A_669 : vector<16xi1>, vector<16xf32>
            scf.yield %select_n3A_746 : vector<16xf32>
          }
          %scan3A_122 = arith.constant 16 : i32
          %neg3A = arith.constant 0.000000e+00 : f32
          %neg3A_123 = vector.broadcast %neg3A : f32 to vector<16xf32>
          %neg3A_124 = arith.subf %neg3A_123, %scan3A_121 : vector<16xf32>
          %exp3A = math.exp %neg3A_124 : vector<16xf32>
          %add3A_125 = arith.constant 1.000000e+00 : f32
          %add3A_126 = vector.broadcast %add3A_125 : f32 to vector<16xf32>
          %add3A_127 = arith.addf %add3A_126, %exp3A : vector<16xf32>
          %div3A = arith.constant 1.000000e+00 : f32
          %div3A_128 = vector.broadcast %div3A : f32 to vector<16xf32>
          %div3A_129 = arith.divf %div3A_128, %add3A_127 : vector<16xf32>
          %mul3A_130 = arith.constant 16 : i32
          %mul3A_131 = arith.muli %scan3A_113, %mul3A_130 : i32
          %add3A_132 = arith.addi %mul3A_106, %mul3A_131 : i32
          %swap3A = arith.index_cast %add3A_132 : i32 to index
          %swap3A_133 = tpu.vector_load %arg13[%swap3A] {strides = array<i32>} : memref<2000xf32, #tpu.memory_space<vmem>>, vector<16xf32>,
          tpu.vector_store %arg13[%swap3A], %div3A_129 {strides = array<i32>} : memref<2000xf32, #tpu.memory_space<vmem>>, vector<16xf32>,
        }
        %scan3A_112 = arith.constant 5 : i32
      }
      %scan3A_32 = arith.constant 12 : i32
      %dma_wait3A = arith.constant 0 : i32
      %dma_wait3A_33 = tpu.memref_slice %arg7[%dma_wait3A] : memref<2000xi32, #tpu.memory_space<vmem>> -> memref<80xi32, #tpu.memory_space<vmem>>
      %dma_wait3A_34 = arith.constant 0 : i32
      %dma_wait3A_35 = arith.constant 0 : i32
      %dma_wait3A_36 = tpu.memref_slice %arg4[%dma_wait3A_34, %dma_wait3A_35] : memref<10000x128xf32, #tpu.memory_space<hbm>> -> memref<10000x128xf32, #tpu.memory_space<hbm>>
      tpu.wait_indirect_dma semaphore(%arg14 : memref<!tpu.dma_semaphore, #tpu.memory_space<semaphore_mem>>) src(%dma_wait3A_36 : memref<10000x128xf32, #tpu.memory_space<hbm>>) dst(%arg9 : memref<80x128xf32, #tpu.memory_space<vmem>>)
      %dma_wait3A_37 = arith.constant 0 : i32
      %dma_wait3A_38 = tpu.memref_slice %arg8[%dma_wait3A_37] : memref<2000xi32, #tpu.memory_space<vmem>> -> memref<80xi32, #tpu.memory_space<vmem>>
      %dma_wait3A_39 = arith.constant 0 : i32
      %dma_wait3A_40 = arith.constant 0 : i32
      %dma_wait3A_41 = tpu.memref_slice %arg4[%dma_wait3A_39, %dma_wait3A_40] : memref<10000x128xf32, #tpu.memory_space<hbm>> -> memref<10000x128xf32, #tpu.memory_space<hbm>>
      tpu.wait_indirect_dma semaphore(%arg14 : memref<!tpu.dma_semaphore, #tpu.memory_space<semaphore_mem>>) src(%dma_wait3A_41 : memref<10000x128xf32, #tpu.memory_space<hbm>>) dst(%arg10 : memref<80x128xf32, #tpu.memory_space<vmem>>)
      %scan3A_42 = arith.constant 0 : i32
      %scan3A_43 = arith.constant 0 : i32
      %scan3A_44 = arith.constant 5 : i32
      %scan3A_45 = arith.addi %scan3A_43, %scan3A_44 : i32
      %scan3A_46 = arith.constant 1 : i32
      scf.for %scan3A_48 = %scan3A_43 to %scan3A_45 step %scan3A_46  : i32 {
        %mul3A_49 = arith.constant 16 : i32
        %mul3A_50 = arith.muli %scan3A_48, %mul3A_49 : i32
        %broadcast_in_dim3A = arith.constant 0.000000e+00 : f32
        %broadcast_in_dim3A_51 = vector.broadcast %broadcast_in_dim3A : f32 to vector<16xf32>
        %scan3A_52 = arith.constant 0 : i32
        %scan3A_53 = arith.constant 16 : i32
        %scan3A_54 = arith.addi %scan3A_52, %scan3A_53 : i32
        %scan3A_55 = arith.constant 8 : i32
        %scan3A_56 = scf.for %scan3A_70 = %scan3A_52 to %scan3A_54 step %scan3A_55 iter_args(%scan3A_71 = %broadcast_in_dim3A_51) -> (vector<16xf32>)  : i32 {
          %add3A_72 = arith.addi %mul3A_50, %scan3A_70 : i32
          %broadcast_in_dim3A_73 = arith.constant 0.000000e+00 : f32
          %broadcast_in_dim3A_74 = vector.broadcast %broadcast_in_dim3A_73 : f32 to vector<16xf32>
          %get3A = arith.index_cast %add3A_72 : i32 to index
          %get3A_75 = arith.constant 0 : index
          %get3A_76 = tpu.vector_load %arg9[%get3A, %get3A_75] {strides = array<i32>} : memref<80x128xf32, #tpu.memory_space<vmem>>, vector<16xf32>,
          %get3A_77 = arith.index_cast %add3A_72 : i32 to index
          %get3A_78 = arith.constant 0 : index
          %get3A_79 = tpu.vector_load %arg10[%get3A_77, %get3A_78] {strides = array<i32>} : memref<80x128xf32, #tpu.memory_space<vmem>>, vector<16xf32>,
          %mul3A_80 = arith.mulf %get3A_76, %get3A_79 : vector<16xf32>
          %add3A_81 = arith.addf %broadcast_in_dim3A_74, %mul3A_80 : vector<16xf32>
          %get3A_82 = arith.index_cast %add3A_72 : i32 to index
          %get3A_83 = arith.constant 16 : index
          %get3A_84 = tpu.vector_load %arg9[%get3A_82, %get3A_83] {strides = array<i32>} : memref<80x128xf32, #tpu.memory_space<vmem>>, vector<16xf32>,
          %get3A_85 = arith.index_cast %add3A_72 : i32 to index
          %get3A_86 = arith.constant 16 : index
          %get3A_87 = tpu.vector_load %arg10[%get3A_85, %get3A_86] {strides = array<i32>} : memref<80x128xf32, #tpu.memory_space<vmem>>, vector<16xf32>,
          %mul3A_88 = arith.mulf %get3A_84, %get3A_87 : vector<16xf32>
          %add3A_89 = arith.addf %add3A_81, %mul3A_88 : vector<16xf32>
          %get3A_90 = arith.index_cast %add3A_72 : i32 to index
          %get3A_91 = arith.constant 32 : index
          %get3A_92 = tpu.vector_load %arg9[%get3A_90, %get3A_91] {strides = array<i32>} : memref<80x128xf32, #tpu.memory_space<vmem>>, vector<16xf32>,
          %get3A_93 = arith.index_cast %add3A_72 : i32 to index
          %get3A_94 = arith.constant 32 : index
          %get3A_95 = tpu.vector_load %arg10[%get3A_93, %get3A_94] {strides = array<i32>} : memref<80x128xf32, #tpu.memory_space<vmem>>, vector<16xf32>,
          %mul3A_96 = arith.mulf %get3A_92, %get3A_95 : vector<16xf32>
          %add3A_97 = arith.addf %add3A_89, %mul3A_96 : vector<16xf32>
          %get3A_98 = arith.index_cast %add3A_72 : i32 to index
          %get3A_99 = arith.constant 48 : index
          %get3A_100 = tpu.vector_load %arg9[%get3A_98, %get3A_99] {strides = array<i32>} : memref<80x128xf32, #tpu.memory_space<vmem>>, vector<16xf32>,
          %get3A_101 = arith.index_cast %add3A_72 : i32 to index
          %get3A_102 = arith.constant 48 : index
          %get3A_103 = tpu.vector_load %arg10[%get3A_101, %get3A_102] {strides = array<i32>} : memref<80x128xf32, #tpu.memory_space<vmem>>, vector<16xf32>,
          %mul3A_104 = arith.mulf %get3A_100, %get3A_103 : vector<16xf32>
          %add3A_105 = arith.addf %add3A_97, %mul3A_104 : vector<16xf32>
          %get3A_106 = arith.index_cast %add3A_72 : i32 to index
          %get3A_107 = arith.constant 64 : index
          %get3A_108 = tpu.vector_load %arg9[%get3A_106, %get3A_107] {strides = array<i32>} : memref<80x128xf32, #tpu.memory_space<vmem>>, vector<16xf32>,
          %get3A_109 = arith.index_cast %add3A_72 : i32 to index
          %get3A_110 = arith.constant 64 : index
          %get3A_111 = tpu.vector_load %arg10[%get3A_109, %get3A_110] {strides = array<i32>} : memref<80x128xf32, #tpu.memory_space<vmem>>, vector<16xf32>,
          %mul3A_112 = arith.mulf %get3A_108, %get3A_111 : vector<16xf32>
          %add3A_113 = arith.addf %add3A_105, %mul3A_112 : vector<16xf32>
          %get3A_114 = arith.index_cast %add3A_72 : i32 to index
          %get3A_115 = arith.constant 80 : index
          %get3A_116 = tpu.vector_load %arg9[%get3A_114, %get3A_115] {strides = array<i32>} : memref<80x128xf32, #tpu.memory_space<vmem>>, vector<16xf32>,
          %get3A_117 = arith.index_cast %add3A_72 : i32 to index
          %get3A_118 = arith.constant 80 : index
          %get3A_119 = tpu.vector_load %arg10[%get3A_117, %get3A_118] {strides = array<i32>} : memref<80x128xf32, #tpu.memory_space<vmem>>, vector<16xf32>,
          %mul3A_120 = arith.mulf %get3A_116, %get3A_119 : vector<16xf32>
          %add3A_121 = arith.addf %add3A_113, %mul3A_120 : vector<16xf32>
          %get3A_122 = arith.index_cast %add3A_72 : i32 to index
          %get3A_123 = arith.constant 96 : index
          %get3A_124 = tpu.vector_load %arg9[%get3A_122, %get3A_123] {strides = array<i32>} : memref<80x128xf32, #tpu.memory_space<vmem>>, vector<16xf32>,
          %get3A_125 = arith.index_cast %add3A_72 : i32 to index
          %get3A_126 = arith.constant 96 : index
          %get3A_127 = tpu.vector_load %arg10[%get3A_125, %get3A_126] {strides = array<i32>} : memref<80x128xf32, #tpu.memory_space<vmem>>, vector<16xf32>,
          %mul3A_128 = arith.mulf %get3A_124, %get3A_127 : vector<16xf32>
          %add3A_129 = arith.addf %add3A_121, %mul3A_128 : vector<16xf32>
          %get3A_130 = arith.index_cast %add3A_72 : i32 to index
          %get3A_131 = arith.constant 112 : index
          %get3A_132 = tpu.vector_load %arg9[%get3A_130, %get3A_131] {strides = array<i32>} : memref<80x128xf32, #tpu.memory_space<vmem>>, vector<16xf32>,
          %get3A_133 = arith.index_cast %add3A_72 : i32 to index
          %get3A_134 = arith.constant 112 : index
          %get3A_135 = tpu.vector_load %arg10[%get3A_133, %get3A_134] {strides = array<i32>} : memref<80x128xf32, #tpu.memory_space<vmem>>, vector<16xf32>,
          %mul3A_136 = arith.mulf %get3A_132, %get3A_135 : vector<16xf32>
          %add3A_137 = arith.addf %add3A_129, %mul3A_136 : vector<16xf32>
          %reduce_sum3A = arith.constant true
          %reduce_sum3A_138 = vector.broadcast %reduce_sum3A : i1 to vector<16xi1>
          %reduce_sum3A_139 = tpu.scan <sum>, %add3A_137 masked %reduce_sum3A_138 : vector<16xf32>, vector<16xi1> -> vector<16xf32>
          %reduce_sum3A_140 = vector.extract %reduce_sum3A_139[15] : f32 from vector<16xf32>
          %eq3A_141 = vector.broadcast %scan3A_70 : i32 to vector<16xi32>
          %eq3A_142 = arith.cmpi eq, %iota3A, %eq3A_141 : vector<16xi32>
          %broadcast_in_dim3A_143 = vector.broadcast %reduce_sum3A_140 : f32 to vector<16xf32>
          %select_n3A = arith.select %eq3A_142, %broadcast_in_dim3A_143, %scan3A_71 : vector<16xi1>, vector<16xf32>
          %scan3A_144 = arith.constant 1 : i32
          %scan3A_145 = arith.addi %scan3A_70, %scan3A_144 : i32
          %add3A_146 = arith.addi %mul3A_50, %scan3A_145 : i32
          %broadcast_in_dim3A_147 = arith.constant 0.000000e+00 : f32
          %broadcast_in_dim3A_148 = vector.broadcast %broadcast_in_dim3A_147 : f32 to vector<16xf32>
          %get3A_149 = arith.index_cast %add3A_146 : i32 to index
          %get3A_150 = arith.constant 0 : index
          %get3A_151 = tpu.vector_load %arg9[%get3A_149, %get3A_150] {strides = array<i32>} : memref<80x128xf32, #tpu.memory_space<vmem>>, vector<16xf32>,
          %get3A_152 = arith.index_cast %add3A_146 : i32 to index
          %get3A_153 = arith.constant 0 : index
          %get3A_154 = tpu.vector_load %arg10[%get3A_152, %get3A_153] {strides = array<i32>} : memref<80x128xf32, #tpu.memory_space<vmem>>, vector<16xf32>,
          %mul3A_155 = arith.mulf %get3A_151, %get3A_154 : vector<16xf32>
          %add3A_156 = arith.addf %broadcast_in_dim3A_148, %mul3A_155 : vector<16xf32>
          %get3A_157 = arith.index_cast %add3A_146 : i32 to index
          %get3A_158 = arith.constant 16 : index
          %get3A_159 = tpu.vector_load %arg9[%get3A_157, %get3A_158] {strides = array<i32>} : memref<80x128xf32, #tpu.memory_space<vmem>>, vector<16xf32>,
          %get3A_160 = arith.index_cast %add3A_146 : i32 to index
          %get3A_161 = arith.constant 16 : index
          %get3A_162 = tpu.vector_load %arg10[%get3A_160, %get3A_161] {strides = array<i32>} : memref<80x128xf32, #tpu.memory_space<vmem>>, vector<16xf32>,
          %mul3A_163 = arith.mulf %get3A_159, %get3A_162 : vector<16xf32>
          %add3A_164 = arith.addf %add3A_156, %mul3A_163 : vector<16xf32>
          %get3A_165 = arith.index_cast %add3A_146 : i32 to index
          %get3A_166 = arith.constant 32 : index
          %get3A_167 = tpu.vector_load %arg9[%get3A_165, %get3A_166] {strides = array<i32>} : memref<80x128xf32, #tpu.memory_space<vmem>>, vector<16xf32>,
          %get3A_168 = arith.index_cast %add3A_146 : i32 to index
          %get3A_169 = arith.constant 32 : index
          %get3A_170 = tpu.vector_load %arg10[%get3A_168, %get3A_169] {strides = array<i32>} : memref<80x128xf32, #tpu.memory_space<vmem>>, vector<16xf32>,
          %mul3A_171 = arith.mulf %get3A_167, %get3A_170 : vector<16xf32>
          %add3A_172 = arith.addf %add3A_164, %mul3A_171 : vector<16xf32>
          %get3A_173 = arith.index_cast %add3A_146 : i32 to index
          %get3A_174 = arith.constant 48 : index
          %get3A_175 = tpu.vector_load %arg9[%get3A_173, %get3A_174] {strides = array<i32>} : memref<80x128xf32, #tpu.memory_space<vmem>>, vector<16xf32>,
          %get3A_176 = arith.index_cast %add3A_146 : i32 to index
          %get3A_177 = arith.constant 48 : index
          %get3A_178 = tpu.vector_load %arg10[%get3A_176, %get3A_177] {strides = array<i32>} : memref<80x128xf32, #tpu.memory_space<vmem>>, vector<16xf32>,
          %mul3A_179 = arith.mulf %get3A_175, %get3A_178 : vector<16xf32>
          %add3A_180 = arith.addf %add3A_172, %mul3A_179 : vector<16xf32>
          %get3A_181 = arith.index_cast %add3A_146 : i32 to index
          %get3A_182 = arith.constant 64 : index
          %get3A_183 = tpu.vector_load %arg9[%get3A_181, %get3A_182] {strides = array<i32>} : memref<80x128xf32, #tpu.memory_space<vmem>>, vector<16xf32>,
          %get3A_184 = arith.index_cast %add3A_146 : i32 to index
          %get3A_185 = arith.constant 64 : index
          %get3A_186 = tpu.vector_load %arg10[%get3A_184, %get3A_185] {strides = array<i32>} : memref<80x128xf32, #tpu.memory_space<vmem>>, vector<16xf32>,
          %mul3A_187 = arith.mulf %get3A_183, %get3A_186 : vector<16xf32>
          %add3A_188 = arith.addf %add3A_180, %mul3A_187 : vector<16xf32>
          %get3A_189 = arith.index_cast %add3A_146 : i32 to index
          %get3A_190 = arith.constant 80 : index
          %get3A_191 = tpu.vector_load %arg9[%get3A_189, %get3A_190] {strides = array<i32>} : memref<80x128xf32, #tpu.memory_space<vmem>>, vector<16xf32>,
          %get3A_192 = arith.index_cast %add3A_146 : i32 to index
          %get3A_193 = arith.constant 80 : index
          %get3A_194 = tpu.vector_load %arg10[%get3A_192, %get3A_193] {strides = array<i32>} : memref<80x128xf32, #tpu.memory_space<vmem>>, vector<16xf32>,
          %mul3A_195 = arith.mulf %get3A_191, %get3A_194 : vector<16xf32>
          %add3A_196 = arith.addf %add3A_188, %mul3A_195 : vector<16xf32>
          %get3A_197 = arith.index_cast %add3A_146 : i32 to index
          %get3A_198 = arith.constant 96 : index
          %get3A_199 = tpu.vector_load %arg9[%get3A_197, %get3A_198] {strides = array<i32>} : memref<80x128xf32, #tpu.memory_space<vmem>>, vector<16xf32>,
          %get3A_200 = arith.index_cast %add3A_146 : i32 to index
          %get3A_201 = arith.constant 96 : index
          %get3A_202 = tpu.vector_load %arg10[%get3A_200, %get3A_201] {strides = array<i32>} : memref<80x128xf32, #tpu.memory_space<vmem>>, vector<16xf32>,
          %mul3A_203 = arith.mulf %get3A_199, %get3A_202 : vector<16xf32>
          %add3A_204 = arith.addf %add3A_196, %mul3A_203 : vector<16xf32>
          %get3A_205 = arith.index_cast %add3A_146 : i32 to index
          %get3A_206 = arith.constant 112 : index
          %get3A_207 = tpu.vector_load %arg9[%get3A_205, %get3A_206] {strides = array<i32>} : memref<80x128xf32, #tpu.memory_space<vmem>>, vector<16xf32>,
          %get3A_208 = arith.index_cast %add3A_146 : i32 to index
          %get3A_209 = arith.constant 112 : index
          %get3A_210 = tpu.vector_load %arg10[%get3A_208, %get3A_209] {strides = array<i32>} : memref<80x128xf32, #tpu.memory_space<vmem>>, vector<16xf32>,
          %mul3A_211 = arith.mulf %get3A_207, %get3A_210 : vector<16xf32>
          %add3A_212 = arith.addf %add3A_204, %mul3A_211 : vector<16xf32>
          %reduce_sum3A_213 = arith.constant true
          %reduce_sum3A_214 = vector.broadcast %reduce_sum3A_213 : i1 to vector<16xi1>
          %reduce_sum3A_215 = tpu.scan <sum>, %add3A_212 masked %reduce_sum3A_214 : vector<16xf32>, vector<16xi1> -> vector<16xf32>
          %reduce_sum3A_216 = vector.extract %reduce_sum3A_215[15] : f32 from vector<16xf32>
          %eq3A_217 = vector.broadcast %scan3A_145 : i32 to vector<16xi32>
          %eq3A_218 = arith.cmpi eq, %iota3A, %eq3A_217 : vector<16xi32>
          %broadcast_in_dim3A_219 = vector.broadcast %reduce_sum3A_216 : f32 to vector<16xf32>
          %select_n3A_220 = arith.select %eq3A_218, %broadcast_in_dim3A_219, %select_n3A : vector<16xi1>, vector<16xf32>
          %scan3A_221 = arith.constant 2 : i32
          %scan3A_222 = arith.addi %scan3A_70, %scan3A_221 : i32
          %add3A_223 = arith.addi %mul3A_50, %scan3A_222 : i32
          %broadcast_in_dim3A_224 = arith.constant 0.000000e+00 : f32
          %broadcast_in_dim3A_225 = vector.broadcast %broadcast_in_dim3A_224 : f32 to vector<16xf32>
          %get3A_226 = arith.index_cast %add3A_223 : i32 to index
          %get3A_227 = arith.constant 0 : index
          %get3A_228 = tpu.vector_load %arg9[%get3A_226, %get3A_227] {strides = array<i32>} : memref<80x128xf32, #tpu.memory_space<vmem>>, vector<16xf32>,
          %get3A_229 = arith.index_cast %add3A_223 : i32 to index
          %get3A_230 = arith.constant 0 : index
          %get3A_231 = tpu.vector_load %arg10[%get3A_229, %get3A_230] {strides = array<i32>} : memref<80x128xf32, #tpu.memory_space<vmem>>, vector<16xf32>,
          %mul3A_232 = arith.mulf %get3A_228, %get3A_231 : vector<16xf32>
          %add3A_233 = arith.addf %broadcast_in_dim3A_225, %mul3A_232 : vector<16xf32>
          %get3A_234 = arith.index_cast %add3A_223 : i32 to index
          %get3A_235 = arith.constant 16 : index
          %get3A_236 = tpu.vector_load %arg9[%get3A_234, %get3A_235] {strides = array<i32>} : memref<80x128xf32, #tpu.memory_space<vmem>>, vector<16xf32>,
          %get3A_237 = arith.index_cast %add3A_223 : i32 to index
          %get3A_238 = arith.constant 16 : index
          %get3A_239 = tpu.vector_load %arg10[%get3A_237, %get3A_238] {strides = array<i32>} : memref<80x128xf32, #tpu.memory_space<vmem>>, vector<16xf32>,
          %mul3A_240 = arith.mulf %get3A_236, %get3A_239 : vector<16xf32>
          %add3A_241 = arith.addf %add3A_233, %mul3A_240 : vector<16xf32>
          %get3A_242 = arith.index_cast %add3A_223 : i32 to index
          %get3A_243 = arith.constant 32 : index
          %get3A_244 = tpu.vector_load %arg9[%get3A_242, %get3A_243] {strides = array<i32>} : memref<80x128xf32, #tpu.memory_space<vmem>>, vector<16xf32>,
          %get3A_245 = arith.index_cast %add3A_223 : i32 to index
          %get3A_246 = arith.constant 32 : index
          %get3A_247 = tpu.vector_load %arg10[%get3A_245, %get3A_246] {strides = array<i32>} : memref<80x128xf32, #tpu.memory_space<vmem>>, vector<16xf32>,
          %mul3A_248 = arith.mulf %get3A_244, %get3A_247 : vector<16xf32>
          %add3A_249 = arith.addf %add3A_241, %mul3A_248 : vector<16xf32>
          %get3A_250 = arith.index_cast %add3A_223 : i32 to index
          %get3A_251 = arith.constant 48 : index
          %get3A_252 = tpu.vector_load %arg9[%get3A_250, %get3A_251] {strides = array<i32>} : memref<80x128xf32, #tpu.memory_space<vmem>>, vector<16xf32>,
          %get3A_253 = arith.index_cast %add3A_223 : i32 to index
          %get3A_254 = arith.constant 48 : index
          %get3A_255 = tpu.vector_load %arg10[%get3A_253, %get3A_254] {strides = array<i32>} : memref<80x128xf32, #tpu.memory_space<vmem>>, vector<16xf32>,
          %mul3A_256 = arith.mulf %get3A_252, %get3A_255 : vector<16xf32>
          %add3A_257 = arith.addf %add3A_249, %mul3A_256 : vector<16xf32>
          %get3A_258 = arith.index_cast %add3A_223 : i32 to index
          %get3A_259 = arith.constant 64 : index
          %get3A_260 = tpu.vector_load %arg9[%get3A_258, %get3A_259] {strides = array<i32>} : memref<80x128xf32, #tpu.memory_space<vmem>>, vector<16xf32>,
          %get3A_261 = arith.index_cast %add3A_223 : i32 to index
          %get3A_262 = arith.constant 64 : index
          %get3A_263 = tpu.vector_load %arg10[%get3A_261, %get3A_262] {strides = array<i32>} : memref<80x128xf32, #tpu.memory_space<vmem>>, vector<16xf32>,
          %mul3A_264 = arith.mulf %get3A_260, %get3A_263 : vector<16xf32>
          %add3A_265 = arith.addf %add3A_257, %mul3A_264 : vector<16xf32>
          %get3A_266 = arith.index_cast %add3A_223 : i32 to index
          %get3A_267 = arith.constant 80 : index
          %get3A_268 = tpu.vector_load %arg9[%get3A_266, %get3A_267] {strides = array<i32>} : memref<80x128xf32, #tpu.memory_space<vmem>>, vector<16xf32>,
          %get3A_269 = arith.index_cast %add3A_223 : i32 to index
          %get3A_270 = arith.constant 80 : index
          %get3A_271 = tpu.vector_load %arg10[%get3A_269, %get3A_270] {strides = array<i32>} : memref<80x128xf32, #tpu.memory_space<vmem>>, vector<16xf32>,
          %mul3A_272 = arith.mulf %get3A_268, %get3A_271 : vector<16xf32>
          %add3A_273 = arith.addf %add3A_265, %mul3A_272 : vector<16xf32>
          %get3A_274 = arith.index_cast %add3A_223 : i32 to index
          %get3A_275 = arith.constant 96 : index
          %get3A_276 = tpu.vector_load %arg9[%get3A_274, %get3A_275] {strides = array<i32>} : memref<80x128xf32, #tpu.memory_space<vmem>>, vector<16xf32>,
          %get3A_277 = arith.index_cast %add3A_223 : i32 to index
          %get3A_278 = arith.constant 96 : index
          %get3A_279 = tpu.vector_load %arg10[%get3A_277, %get3A_278] {strides = array<i32>} : memref<80x128xf32, #tpu.memory_space<vmem>>, vector<16xf32>,
          %mul3A_280 = arith.mulf %get3A_276, %get3A_279 : vector<16xf32>
          %add3A_281 = arith.addf %add3A_273, %mul3A_280 : vector<16xf32>
          %get3A_282 = arith.index_cast %add3A_223 : i32 to index
          %get3A_283 = arith.constant 112 : index
          %get3A_284 = tpu.vector_load %arg9[%get3A_282, %get3A_283] {strides = array<i32>} : memref<80x128xf32, #tpu.memory_space<vmem>>, vector<16xf32>,
          %get3A_285 = arith.index_cast %add3A_223 : i32 to index
          %get3A_286 = arith.constant 112 : index
          %get3A_287 = tpu.vector_load %arg10[%get3A_285, %get3A_286] {strides = array<i32>} : memref<80x128xf32, #tpu.memory_space<vmem>>, vector<16xf32>,
          %mul3A_288 = arith.mulf %get3A_284, %get3A_287 : vector<16xf32>
          %add3A_289 = arith.addf %add3A_281, %mul3A_288 : vector<16xf32>
          %reduce_sum3A_290 = arith.constant true
          %reduce_sum3A_291 = vector.broadcast %reduce_sum3A_290 : i1 to vector<16xi1>
          %reduce_sum3A_292 = tpu.scan <sum>, %add3A_289 masked %reduce_sum3A_291 : vector<16xf32>, vector<16xi1> -> vector<16xf32>
          %reduce_sum3A_293 = vector.extract %reduce_sum3A_292[15] : f32 from vector<16xf32>
          %eq3A_294 = vector.broadcast %scan3A_222 : i32 to vector<16xi32>
          %eq3A_295 = arith.cmpi eq, %iota3A, %eq3A_294 : vector<16xi32>
          %broadcast_in_dim3A_296 = vector.broadcast %reduce_sum3A_293 : f32 to vector<16xf32>
          %select_n3A_297 = arith.select %eq3A_295, %broadcast_in_dim3A_296, %select_n3A_220 : vector<16xi1>, vector<16xf32>
          %scan3A_298 = arith.constant 3 : i32
          %scan3A_299 = arith.addi %scan3A_70, %scan3A_298 : i32
          %add3A_300 = arith.addi %mul3A_50, %scan3A_299 : i32
          %broadcast_in_dim3A_301 = arith.constant 0.000000e+00 : f32
          %broadcast_in_dim3A_302 = vector.broadcast %broadcast_in_dim3A_301 : f32 to vector<16xf32>
          %get3A_303 = arith.index_cast %add3A_300 : i32 to index
          %get3A_304 = arith.constant 0 : index
          %get3A_305 = tpu.vector_load %arg9[%get3A_303, %get3A_304] {strides = array<i32>} : memref<80x128xf32, #tpu.memory_space<vmem>>, vector<16xf32>,
          %get3A_306 = arith.index_cast %add3A_300 : i32 to index
          %get3A_307 = arith.constant 0 : index
          %get3A_308 = tpu.vector_load %arg10[%get3A_306, %get3A_307] {strides = array<i32>} : memref<80x128xf32, #tpu.memory_space<vmem>>, vector<16xf32>,
          %mul3A_309 = arith.mulf %get3A_305, %get3A_308 : vector<16xf32>
          %add3A_310 = arith.addf %broadcast_in_dim3A_302, %mul3A_309 : vector<16xf32>
          %get3A_311 = arith.index_cast %add3A_300 : i32 to index
          %get3A_312 = arith.constant 16 : index
          %get3A_313 = tpu.vector_load %arg9[%get3A_311, %get3A_312] {strides = array<i32>} : memref<80x128xf32, #tpu.memory_space<vmem>>, vector<16xf32>,
          %get3A_314 = arith.index_cast %add3A_300 : i32 to index
          %get3A_315 = arith.constant 16 : index
          %get3A_316 = tpu.vector_load %arg10[%get3A_314, %get3A_315] {strides = array<i32>} : memref<80x128xf32, #tpu.memory_space<vmem>>, vector<16xf32>,
          %mul3A_317 = arith.mulf %get3A_313, %get3A_316 : vector<16xf32>
          %add3A_318 = arith.addf %add3A_310, %mul3A_317 : vector<16xf32>
          %get3A_319 = arith.index_cast %add3A_300 : i32 to index
          %get3A_320 = arith.constant 32 : index
          %get3A_321 = tpu.vector_load %arg9[%get3A_319, %get3A_320] {strides = array<i32>} : memref<80x128xf32, #tpu.memory_space<vmem>>, vector<16xf32>,
          %get3A_322 = arith.index_cast %add3A_300 : i32 to index
          %get3A_323 = arith.constant 32 : index
          %get3A_324 = tpu.vector_load %arg10[%get3A_322, %get3A_323] {strides = array<i32>} : memref<80x128xf32, #tpu.memory_space<vmem>>, vector<16xf32>,
          %mul3A_325 = arith.mulf %get3A_321, %get3A_324 : vector<16xf32>
          %add3A_326 = arith.addf %add3A_318, %mul3A_325 : vector<16xf32>
          %get3A_327 = arith.index_cast %add3A_300 : i32 to index
          %get3A_328 = arith.constant 48 : index
          %get3A_329 = tpu.vector_load %arg9[%get3A_327, %get3A_328] {strides = array<i32>} : memref<80x128xf32, #tpu.memory_space<vmem>>, vector<16xf32>,
          %get3A_330 = arith.index_cast %add3A_300 : i32 to index
          %get3A_331 = arith.constant 48 : index
          %get3A_332 = tpu.vector_load %arg10[%get3A_330, %get3A_331] {strides = array<i32>} : memref<80x128xf32, #tpu.memory_space<vmem>>, vector<16xf32>,
          %mul3A_333 = arith.mulf %get3A_329, %get3A_332 : vector<16xf32>
          %add3A_334 = arith.addf %add3A_326, %mul3A_333 : vector<16xf32>
          %get3A_335 = arith.index_cast %add3A_300 : i32 to index
          %get3A_336 = arith.constant 64 : index
          %get3A_337 = tpu.vector_load %arg9[%get3A_335, %get3A_336] {strides = array<i32>} : memref<80x128xf32, #tpu.memory_space<vmem>>, vector<16xf32>,
          %get3A_338 = arith.index_cast %add3A_300 : i32 to index
          %get3A_339 = arith.constant 64 : index
          %get3A_340 = tpu.vector_load %arg10[%get3A_338, %get3A_339] {strides = array<i32>} : memref<80x128xf32, #tpu.memory_space<vmem>>, vector<16xf32>,
          %mul3A_341 = arith.mulf %get3A_337, %get3A_340 : vector<16xf32>
          %add3A_342 = arith.addf %add3A_334, %mul3A_341 : vector<16xf32>
          %get3A_343 = arith.index_cast %add3A_300 : i32 to index
          %get3A_344 = arith.constant 80 : index
          %get3A_345 = tpu.vector_load %arg9[%get3A_343, %get3A_344] {strides = array<i32>} : memref<80x128xf32, #tpu.memory_space<vmem>>, vector<16xf32>,
          %get3A_346 = arith.index_cast %add3A_300 : i32 to index
          %get3A_347 = arith.constant 80 : index
          %get3A_348 = tpu.vector_load %arg10[%get3A_346, %get3A_347] {strides = array<i32>} : memref<80x128xf32, #tpu.memory_space<vmem>>, vector<16xf32>,
          %mul3A_349 = arith.mulf %get3A_345, %get3A_348 : vector<16xf32>
          %add3A_350 = arith.addf %add3A_342, %mul3A_349 : vector<16xf32>
          %get3A_351 = arith.index_cast %add3A_300 : i32 to index
          %get3A_352 = arith.constant 96 : index
          %get3A_353 = tpu.vector_load %arg9[%get3A_351, %get3A_352] {strides = array<i32>} : memref<80x128xf32, #tpu.memory_space<vmem>>, vector<16xf32>,
          %get3A_354 = arith.index_cast %add3A_300 : i32 to index
          %get3A_355 = arith.constant 96 : index
          %get3A_356 = tpu.vector_load %arg10[%get3A_354, %get3A_355] {strides = array<i32>} : memref<80x128xf32, #tpu.memory_space<vmem>>, vector<16xf32>,
          %mul3A_357 = arith.mulf %get3A_353, %get3A_356 : vector<16xf32>
          %add3A_358 = arith.addf %add3A_350, %mul3A_357 : vector<16xf32>
          %get3A_359 = arith.index_cast %add3A_300 : i32 to index
          %get3A_360 = arith.constant 112 : index
          %get3A_361 = tpu.vector_load %arg9[%get3A_359, %get3A_360] {strides = array<i32>} : memref<80x128xf32, #tpu.memory_space<vmem>>, vector<16xf32>,
          %get3A_362 = arith.index_cast %add3A_300 : i32 to index
          %get3A_363 = arith.constant 112 : index
          %get3A_364 = tpu.vector_load %arg10[%get3A_362, %get3A_363] {strides = array<i32>} : memref<80x128xf32, #tpu.memory_space<vmem>>, vector<16xf32>,
          %mul3A_365 = arith.mulf %get3A_361, %get3A_364 : vector<16xf32>
          %add3A_366 = arith.addf %add3A_358, %mul3A_365 : vector<16xf32>
          %reduce_sum3A_367 = arith.constant true
          %reduce_sum3A_368 = vector.broadcast %reduce_sum3A_367 : i1 to vector<16xi1>
          %reduce_sum3A_369 = tpu.scan <sum>, %add3A_366 masked %reduce_sum3A_368 : vector<16xf32>, vector<16xi1> -> vector<16xf32>
          %reduce_sum3A_370 = vector.extract %reduce_sum3A_369[15] : f32 from vector<16xf32>
          %eq3A_371 = vector.broadcast %scan3A_299 : i32 to vector<16xi32>
          %eq3A_372 = arith.cmpi eq, %iota3A, %eq3A_371 : vector<16xi32>
          %broadcast_in_dim3A_373 = vector.broadcast %reduce_sum3A_370 : f32 to vector<16xf32>
          %select_n3A_374 = arith.select %eq3A_372, %broadcast_in_dim3A_373, %select_n3A_297 : vector<16xi1>, vector<16xf32>
          %scan3A_375 = arith.constant 4 : i32
          %scan3A_376 = arith.addi %scan3A_70, %scan3A_375 : i32
          %add3A_377 = arith.addi %mul3A_50, %scan3A_376 : i32
          %broadcast_in_dim3A_378 = arith.constant 0.000000e+00 : f32
          %broadcast_in_dim3A_379 = vector.broadcast %broadcast_in_dim3A_378 : f32 to vector<16xf32>
          %get3A_380 = arith.index_cast %add3A_377 : i32 to index
          %get3A_381 = arith.constant 0 : index
          %get3A_382 = tpu.vector_load %arg9[%get3A_380, %get3A_381] {strides = array<i32>} : memref<80x128xf32, #tpu.memory_space<vmem>>, vector<16xf32>,
          %get3A_383 = arith.index_cast %add3A_377 : i32 to index
          %get3A_384 = arith.constant 0 : index
          %get3A_385 = tpu.vector_load %arg10[%get3A_383, %get3A_384] {strides = array<i32>} : memref<80x128xf32, #tpu.memory_space<vmem>>, vector<16xf32>,
          %mul3A_386 = arith.mulf %get3A_382, %get3A_385 : vector<16xf32>
          %add3A_387 = arith.addf %broadcast_in_dim3A_379, %mul3A_386 : vector<16xf32>
          %get3A_388 = arith.index_cast %add3A_377 : i32 to index
          %get3A_389 = arith.constant 16 : index
          %get3A_390 = tpu.vector_load %arg9[%get3A_388, %get3A_389] {strides = array<i32>} : memref<80x128xf32, #tpu.memory_space<vmem>>, vector<16xf32>,
          %get3A_391 = arith.index_cast %add3A_377 : i32 to index
          %get3A_392 = arith.constant 16 : index
          %get3A_393 = tpu.vector_load %arg10[%get3A_391, %get3A_392] {strides = array<i32>} : memref<80x128xf32, #tpu.memory_space<vmem>>, vector<16xf32>,
          %mul3A_394 = arith.mulf %get3A_390, %get3A_393 : vector<16xf32>
          %add3A_395 = arith.addf %add3A_387, %mul3A_394 : vector<16xf32>
          %get3A_396 = arith.index_cast %add3A_377 : i32 to index
          %get3A_397 = arith.constant 32 : index
          %get3A_398 = tpu.vector_load %arg9[%get3A_396, %get3A_397] {strides = array<i32>} : memref<80x128xf32, #tpu.memory_space<vmem>>, vector<16xf32>,
          %get3A_399 = arith.index_cast %add3A_377 : i32 to index
          %get3A_400 = arith.constant 32 : index
          %get3A_401 = tpu.vector_load %arg10[%get3A_399, %get3A_400] {strides = array<i32>} : memref<80x128xf32, #tpu.memory_space<vmem>>, vector<16xf32>,
          %mul3A_402 = arith.mulf %get3A_398, %get3A_401 : vector<16xf32>
          %add3A_403 = arith.addf %add3A_395, %mul3A_402 : vector<16xf32>
          %get3A_404 = arith.index_cast %add3A_377 : i32 to index
          %get3A_405 = arith.constant 48 : index
          %get3A_406 = tpu.vector_load %arg9[%get3A_404, %get3A_405] {strides = array<i32>} : memref<80x128xf32, #tpu.memory_space<vmem>>, vector<16xf32>,
          %get3A_407 = arith.index_cast %add3A_377 : i32 to index
          %get3A_408 = arith.constant 48 : index
          %get3A_409 = tpu.vector_load %arg10[%get3A_407, %get3A_408] {strides = array<i32>} : memref<80x128xf32, #tpu.memory_space<vmem>>, vector<16xf32>,
          %mul3A_410 = arith.mulf %get3A_406, %get3A_409 : vector<16xf32>
          %add3A_411 = arith.addf %add3A_403, %mul3A_410 : vector<16xf32>
          %get3A_412 = arith.index_cast %add3A_377 : i32 to index
          %get3A_413 = arith.constant 64 : index
          %get3A_414 = tpu.vector_load %arg9[%get3A_412, %get3A_413] {strides = array<i32>} : memref<80x128xf32, #tpu.memory_space<vmem>>, vector<16xf32>,
          %get3A_415 = arith.index_cast %add3A_377 : i32 to index
          %get3A_416 = arith.constant 64 : index
          %get3A_417 = tpu.vector_load %arg10[%get3A_415, %get3A_416] {strides = array<i32>} : memref<80x128xf32, #tpu.memory_space<vmem>>, vector<16xf32>,
          %mul3A_418 = arith.mulf %get3A_414, %get3A_417 : vector<16xf32>
          %add3A_419 = arith.addf %add3A_411, %mul3A_418 : vector<16xf32>
          %get3A_420 = arith.index_cast %add3A_377 : i32 to index
          %get3A_421 = arith.constant 80 : index
          %get3A_422 = tpu.vector_load %arg9[%get3A_420, %get3A_421] {strides = array<i32>} : memref<80x128xf32, #tpu.memory_space<vmem>>, vector<16xf32>,
          %get3A_423 = arith.index_cast %add3A_377 : i32 to index
          %get3A_424 = arith.constant 80 : index
          %get3A_425 = tpu.vector_load %arg10[%get3A_423, %get3A_424] {strides = array<i32>} : memref<80x128xf32, #tpu.memory_space<vmem>>, vector<16xf32>,
          %mul3A_426 = arith.mulf %get3A_422, %get3A_425 : vector<16xf32>
          %add3A_427 = arith.addf %add3A_419, %mul3A_426 : vector<16xf32>
          %get3A_428 = arith.index_cast %add3A_377 : i32 to index
          %get3A_429 = arith.constant 96 : index
          %get3A_430 = tpu.vector_load %arg9[%get3A_428, %get3A_429] {strides = array<i32>} : memref<80x128xf32, #tpu.memory_space<vmem>>, vector<16xf32>,
          %get3A_431 = arith.index_cast %add3A_377 : i32 to index
          %get3A_432 = arith.constant 96 : index
          %get3A_433 = tpu.vector_load %arg10[%get3A_431, %get3A_432] {strides = array<i32>} : memref<80x128xf32, #tpu.memory_space<vmem>>, vector<16xf32>,
          %mul3A_434 = arith.mulf %get3A_430, %get3A_433 : vector<16xf32>
          %add3A_435 = arith.addf %add3A_427, %mul3A_434 : vector<16xf32>
          %get3A_436 = arith.index_cast %add3A_377 : i32 to index
          %get3A_437 = arith.constant 112 : index
          %get3A_438 = tpu.vector_load %arg9[%get3A_436, %get3A_437] {strides = array<i32>} : memref<80x128xf32, #tpu.memory_space<vmem>>, vector<16xf32>,
          %get3A_439 = arith.index_cast %add3A_377 : i32 to index
          %get3A_440 = arith.constant 112 : index
          %get3A_441 = tpu.vector_load %arg10[%get3A_439, %get3A_440] {strides = array<i32>} : memref<80x128xf32, #tpu.memory_space<vmem>>, vector<16xf32>,
          %mul3A_442 = arith.mulf %get3A_438, %get3A_441 : vector<16xf32>
          %add3A_443 = arith.addf %add3A_435, %mul3A_442 : vector<16xf32>
          %reduce_sum3A_444 = arith.constant true
          %reduce_sum3A_445 = vector.broadcast %reduce_sum3A_444 : i1 to vector<16xi1>
          %reduce_sum3A_446 = tpu.scan <sum>, %add3A_443 masked %reduce_sum3A_445 : vector<16xf32>, vector<16xi1> -> vector<16xf32>
          %reduce_sum3A_447 = vector.extract %reduce_sum3A_446[15] : f32 from vector<16xf32>
          %eq3A_448 = vector.broadcast %scan3A_376 : i32 to vector<16xi32>
          %eq3A_449 = arith.cmpi eq, %iota3A, %eq3A_448 : vector<16xi32>
          %broadcast_in_dim3A_450 = vector.broadcast %reduce_sum3A_447 : f32 to vector<16xf32>
          %select_n3A_451 = arith.select %eq3A_449, %broadcast_in_dim3A_450, %select_n3A_374 : vector<16xi1>, vector<16xf32>
          %scan3A_452 = arith.constant 5 : i32
          %scan3A_453 = arith.addi %scan3A_70, %scan3A_452 : i32
          %add3A_454 = arith.addi %mul3A_50, %scan3A_453 : i32
          %broadcast_in_dim3A_455 = arith.constant 0.000000e+00 : f32
          %broadcast_in_dim3A_456 = vector.broadcast %broadcast_in_dim3A_455 : f32 to vector<16xf32>
          %get3A_457 = arith.index_cast %add3A_454 : i32 to index
          %get3A_458 = arith.constant 0 : index
          %get3A_459 = tpu.vector_load %arg9[%get3A_457, %get3A_458] {strides = array<i32>} : memref<80x128xf32, #tpu.memory_space<vmem>>, vector<16xf32>,
          %get3A_460 = arith.index_cast %add3A_454 : i32 to index
          %get3A_461 = arith.constant 0 : index
          %get3A_462 = tpu.vector_load %arg10[%get3A_460, %get3A_461] {strides = array<i32>} : memref<80x128xf32, #tpu.memory_space<vmem>>, vector<16xf32>,
          %mul3A_463 = arith.mulf %get3A_459, %get3A_462 : vector<16xf32>
          %add3A_464 = arith.addf %broadcast_in_dim3A_456, %mul3A_463 : vector<16xf32>
          %get3A_465 = arith.index_cast %add3A_454 : i32 to index
          %get3A_466 = arith.constant 16 : index
          %get3A_467 = tpu.vector_load %arg9[%get3A_465, %get3A_466] {strides = array<i32>} : memref<80x128xf32, #tpu.memory_space<vmem>>, vector<16xf32>,
          %get3A_468 = arith.index_cast %add3A_454 : i32 to index
          %get3A_469 = arith.constant 16 : index
          %get3A_470 = tpu.vector_load %arg10[%get3A_468, %get3A_469] {strides = array<i32>} : memref<80x128xf32, #tpu.memory_space<vmem>>, vector<16xf32>,
          %mul3A_471 = arith.mulf %get3A_467, %get3A_470 : vector<16xf32>
          %add3A_472 = arith.addf %add3A_464, %mul3A_471 : vector<16xf32>
          %get3A_473 = arith.index_cast %add3A_454 : i32 to index
          %get3A_474 = arith.constant 32 : index
          %get3A_475 = tpu.vector_load %arg9[%get3A_473, %get3A_474] {strides = array<i32>} : memref<80x128xf32, #tpu.memory_space<vmem>>, vector<16xf32>,
          %get3A_476 = arith.index_cast %add3A_454 : i32 to index
          %get3A_477 = arith.constant 32 : index
          %get3A_478 = tpu.vector_load %arg10[%get3A_476, %get3A_477] {strides = array<i32>} : memref<80x128xf32, #tpu.memory_space<vmem>>, vector<16xf32>,
          %mul3A_479 = arith.mulf %get3A_475, %get3A_478 : vector<16xf32>
          %add3A_480 = arith.addf %add3A_472, %mul3A_479 : vector<16xf32>
          %get3A_481 = arith.index_cast %add3A_454 : i32 to index
          %get3A_482 = arith.constant 48 : index
          %get3A_483 = tpu.vector_load %arg9[%get3A_481, %get3A_482] {strides = array<i32>} : memref<80x128xf32, #tpu.memory_space<vmem>>, vector<16xf32>,
          %get3A_484 = arith.index_cast %add3A_454 : i32 to index
          %get3A_485 = arith.constant 48 : index
          %get3A_486 = tpu.vector_load %arg10[%get3A_484, %get3A_485] {strides = array<i32>} : memref<80x128xf32, #tpu.memory_space<vmem>>, vector<16xf32>,
          %mul3A_487 = arith.mulf %get3A_483, %get3A_486 : vector<16xf32>
          %add3A_488 = arith.addf %add3A_480, %mul3A_487 : vector<16xf32>
          %get3A_489 = arith.index_cast %add3A_454 : i32 to index
          %get3A_490 = arith.constant 64 : index
          %get3A_491 = tpu.vector_load %arg9[%get3A_489, %get3A_490] {strides = array<i32>} : memref<80x128xf32, #tpu.memory_space<vmem>>, vector<16xf32>,
          %get3A_492 = arith.index_cast %add3A_454 : i32 to index
          %get3A_493 = arith.constant 64 : index
          %get3A_494 = tpu.vector_load %arg10[%get3A_492, %get3A_493] {strides = array<i32>} : memref<80x128xf32, #tpu.memory_space<vmem>>, vector<16xf32>,
          %mul3A_495 = arith.mulf %get3A_491, %get3A_494 : vector<16xf32>
          %add3A_496 = arith.addf %add3A_488, %mul3A_495 : vector<16xf32>
          %get3A_497 = arith.index_cast %add3A_454 : i32 to index
          %get3A_498 = arith.constant 80 : index
          %get3A_499 = tpu.vector_load %arg9[%get3A_497, %get3A_498] {strides = array<i32>} : memref<80x128xf32, #tpu.memory_space<vmem>>, vector<16xf32>,
          %get3A_500 = arith.index_cast %add3A_454 : i32 to index
          %get3A_501 = arith.constant 80 : index
          %get3A_502 = tpu.vector_load %arg10[%get3A_500, %get3A_501] {strides = array<i32>} : memref<80x128xf32, #tpu.memory_space<vmem>>, vector<16xf32>,
          %mul3A_503 = arith.mulf %get3A_499, %get3A_502 : vector<16xf32>
          %add3A_504 = arith.addf %add3A_496, %mul3A_503 : vector<16xf32>
          %get3A_505 = arith.index_cast %add3A_454 : i32 to index
          %get3A_506 = arith.constant 96 : index
          %get3A_507 = tpu.vector_load %arg9[%get3A_505, %get3A_506] {strides = array<i32>} : memref<80x128xf32, #tpu.memory_space<vmem>>, vector<16xf32>,
          %get3A_508 = arith.index_cast %add3A_454 : i32 to index
          %get3A_509 = arith.constant 96 : index
          %get3A_510 = tpu.vector_load %arg10[%get3A_508, %get3A_509] {strides = array<i32>} : memref<80x128xf32, #tpu.memory_space<vmem>>, vector<16xf32>,
          %mul3A_511 = arith.mulf %get3A_507, %get3A_510 : vector<16xf32>
          %add3A_512 = arith.addf %add3A_504, %mul3A_511 : vector<16xf32>
          %get3A_513 = arith.index_cast %add3A_454 : i32 to index
          %get3A_514 = arith.constant 112 : index
          %get3A_515 = tpu.vector_load %arg9[%get3A_513, %get3A_514] {strides = array<i32>} : memref<80x128xf32, #tpu.memory_space<vmem>>, vector<16xf32>,
          %get3A_516 = arith.index_cast %add3A_454 : i32 to index
          %get3A_517 = arith.constant 112 : index
          %get3A_518 = tpu.vector_load %arg10[%get3A_516, %get3A_517] {strides = array<i32>} : memref<80x128xf32, #tpu.memory_space<vmem>>, vector<16xf32>,
          %mul3A_519 = arith.mulf %get3A_515, %get3A_518 : vector<16xf32>
          %add3A_520 = arith.addf %add3A_512, %mul3A_519 : vector<16xf32>
          %reduce_sum3A_521 = arith.constant true
          %reduce_sum3A_522 = vector.broadcast %reduce_sum3A_521 : i1 to vector<16xi1>
          %reduce_sum3A_523 = tpu.scan <sum>, %add3A_520 masked %reduce_sum3A_522 : vector<16xf32>, vector<16xi1> -> vector<16xf32>
          %reduce_sum3A_524 = vector.extract %reduce_sum3A_523[15] : f32 from vector<16xf32>
          %eq3A_525 = vector.broadcast %scan3A_453 : i32 to vector<16xi32>
          %eq3A_526 = arith.cmpi eq, %iota3A, %eq3A_525 : vector<16xi32>
          %broadcast_in_dim3A_527 = vector.broadcast %reduce_sum3A_524 : f32 to vector<16xf32>
          %select_n3A_528 = arith.select %eq3A_526, %broadcast_in_dim3A_527, %select_n3A_451 : vector<16xi1>, vector<16xf32>
          %scan3A_529 = arith.constant 6 : i32
          %scan3A_530 = arith.addi %scan3A_70, %scan3A_529 : i32
          %add3A_531 = arith.addi %mul3A_50, %scan3A_530 : i32
          %broadcast_in_dim3A_532 = arith.constant 0.000000e+00 : f32
          %broadcast_in_dim3A_533 = vector.broadcast %broadcast_in_dim3A_532 : f32 to vector<16xf32>
          %get3A_534 = arith.index_cast %add3A_531 : i32 to index
          %get3A_535 = arith.constant 0 : index
          %get3A_536 = tpu.vector_load %arg9[%get3A_534, %get3A_535] {strides = array<i32>} : memref<80x128xf32, #tpu.memory_space<vmem>>, vector<16xf32>,
          %get3A_537 = arith.index_cast %add3A_531 : i32 to index
          %get3A_538 = arith.constant 0 : index
          %get3A_539 = tpu.vector_load %arg10[%get3A_537, %get3A_538] {strides = array<i32>} : memref<80x128xf32, #tpu.memory_space<vmem>>, vector<16xf32>,
          %mul3A_540 = arith.mulf %get3A_536, %get3A_539 : vector<16xf32>
          %add3A_541 = arith.addf %broadcast_in_dim3A_533, %mul3A_540 : vector<16xf32>
          %get3A_542 = arith.index_cast %add3A_531 : i32 to index
          %get3A_543 = arith.constant 16 : index
          %get3A_544 = tpu.vector_load %arg9[%get3A_542, %get3A_543] {strides = array<i32>} : memref<80x128xf32, #tpu.memory_space<vmem>>, vector<16xf32>,
          %get3A_545 = arith.index_cast %add3A_531 : i32 to index
          %get3A_546 = arith.constant 16 : index
          %get3A_547 = tpu.vector_load %arg10[%get3A_545, %get3A_546] {strides = array<i32>} : memref<80x128xf32, #tpu.memory_space<vmem>>, vector<16xf32>,
          %mul3A_548 = arith.mulf %get3A_544, %get3A_547 : vector<16xf32>
          %add3A_549 = arith.addf %add3A_541, %mul3A_548 : vector<16xf32>
          %get3A_550 = arith.index_cast %add3A_531 : i32 to index
          %get3A_551 = arith.constant 32 : index
          %get3A_552 = tpu.vector_load %arg9[%get3A_550, %get3A_551] {strides = array<i32>} : memref<80x128xf32, #tpu.memory_space<vmem>>, vector<16xf32>,
          %get3A_553 = arith.index_cast %add3A_531 : i32 to index
          %get3A_554 = arith.constant 32 : index
          %get3A_555 = tpu.vector_load %arg10[%get3A_553, %get3A_554] {strides = array<i32>} : memref<80x128xf32, #tpu.memory_space<vmem>>, vector<16xf32>,
          %mul3A_556 = arith.mulf %get3A_552, %get3A_555 : vector<16xf32>
          %add3A_557 = arith.addf %add3A_549, %mul3A_556 : vector<16xf32>
          %get3A_558 = arith.index_cast %add3A_531 : i32 to index
          %get3A_559 = arith.constant 48 : index
          %get3A_560 = tpu.vector_load %arg9[%get3A_558, %get3A_559] {strides = array<i32>} : memref<80x128xf32, #tpu.memory_space<vmem>>, vector<16xf32>,
          %get3A_561 = arith.index_cast %add3A_531 : i32 to index
          %get3A_562 = arith.constant 48 : index
          %get3A_563 = tpu.vector_load %arg10[%get3A_561, %get3A_562] {strides = array<i32>} : memref<80x128xf32, #tpu.memory_space<vmem>>, vector<16xf32>,
          %mul3A_564 = arith.mulf %get3A_560, %get3A_563 : vector<16xf32>
          %add3A_565 = arith.addf %add3A_557, %mul3A_564 : vector<16xf32>
          %get3A_566 = arith.index_cast %add3A_531 : i32 to index
          %get3A_567 = arith.constant 64 : index
          %get3A_568 = tpu.vector_load %arg9[%get3A_566, %get3A_567] {strides = array<i32>} : memref<80x128xf32, #tpu.memory_space<vmem>>, vector<16xf32>,
          %get3A_569 = arith.index_cast %add3A_531 : i32 to index
          %get3A_570 = arith.constant 64 : index
          %get3A_571 = tpu.vector_load %arg10[%get3A_569, %get3A_570] {strides = array<i32>} : memref<80x128xf32, #tpu.memory_space<vmem>>, vector<16xf32>,
          %mul3A_572 = arith.mulf %get3A_568, %get3A_571 : vector<16xf32>
          %add3A_573 = arith.addf %add3A_565, %mul3A_572 : vector<16xf32>
          %get3A_574 = arith.index_cast %add3A_531 : i32 to index
          %get3A_575 = arith.constant 80 : index
          %get3A_576 = tpu.vector_load %arg9[%get3A_574, %get3A_575] {strides = array<i32>} : memref<80x128xf32, #tpu.memory_space<vmem>>, vector<16xf32>,
          %get3A_577 = arith.index_cast %add3A_531 : i32 to index
          %get3A_578 = arith.constant 80 : index
          %get3A_579 = tpu.vector_load %arg10[%get3A_577, %get3A_578] {strides = array<i32>} : memref<80x128xf32, #tpu.memory_space<vmem>>, vector<16xf32>,
          %mul3A_580 = arith.mulf %get3A_576, %get3A_579 : vector<16xf32>
          %add3A_581 = arith.addf %add3A_573, %mul3A_580 : vector<16xf32>
          %get3A_582 = arith.index_cast %add3A_531 : i32 to index
          %get3A_583 = arith.constant 96 : index
          %get3A_584 = tpu.vector_load %arg9[%get3A_582, %get3A_583] {strides = array<i32>} : memref<80x128xf32, #tpu.memory_space<vmem>>, vector<16xf32>,
          %get3A_585 = arith.index_cast %add3A_531 : i32 to index
          %get3A_586 = arith.constant 96 : index
          %get3A_587 = tpu.vector_load %arg10[%get3A_585, %get3A_586] {strides = array<i32>} : memref<80x128xf32, #tpu.memory_space<vmem>>, vector<16xf32>,
          %mul3A_588 = arith.mulf %get3A_584, %get3A_587 : vector<16xf32>
          %add3A_589 = arith.addf %add3A_581, %mul3A_588 : vector<16xf32>
          %get3A_590 = arith.index_cast %add3A_531 : i32 to index
          %get3A_591 = arith.constant 112 : index
          %get3A_592 = tpu.vector_load %arg9[%get3A_590, %get3A_591] {strides = array<i32>} : memref<80x128xf32, #tpu.memory_space<vmem>>, vector<16xf32>,
          %get3A_593 = arith.index_cast %add3A_531 : i32 to index
          %get3A_594 = arith.constant 112 : index
          %get3A_595 = tpu.vector_load %arg10[%get3A_593, %get3A_594] {strides = array<i32>} : memref<80x128xf32, #tpu.memory_space<vmem>>, vector<16xf32>,
          %mul3A_596 = arith.mulf %get3A_592, %get3A_595 : vector<16xf32>
          %add3A_597 = arith.addf %add3A_589, %mul3A_596 : vector<16xf32>
          %reduce_sum3A_598 = arith.constant true
          %reduce_sum3A_599 = vector.broadcast %reduce_sum3A_598 : i1 to vector<16xi1>
          %reduce_sum3A_600 = tpu.scan <sum>, %add3A_597 masked %reduce_sum3A_599 : vector<16xf32>, vector<16xi1> -> vector<16xf32>
          %reduce_sum3A_601 = vector.extract %reduce_sum3A_600[15] : f32 from vector<16xf32>
          %eq3A_602 = vector.broadcast %scan3A_530 : i32 to vector<16xi32>
          %eq3A_603 = arith.cmpi eq, %iota3A, %eq3A_602 : vector<16xi32>
          %broadcast_in_dim3A_604 = vector.broadcast %reduce_sum3A_601 : f32 to vector<16xf32>
          %select_n3A_605 = arith.select %eq3A_603, %broadcast_in_dim3A_604, %select_n3A_528 : vector<16xi1>, vector<16xf32>
          %scan3A_606 = arith.constant 7 : i32
          %scan3A_607 = arith.addi %scan3A_70, %scan3A_606 : i32
          %add3A_608 = arith.addi %mul3A_50, %scan3A_607 : i32
          %broadcast_in_dim3A_609 = arith.constant 0.000000e+00 : f32
          %broadcast_in_dim3A_610 = vector.broadcast %broadcast_in_dim3A_609 : f32 to vector<16xf32>
          %get3A_611 = arith.index_cast %add3A_608 : i32 to index
          %get3A_612 = arith.constant 0 : index
          %get3A_613 = tpu.vector_load %arg9[%get3A_611, %get3A_612] {strides = array<i32>} : memref<80x128xf32, #tpu.memory_space<vmem>>, vector<16xf32>,
          %get3A_614 = arith.index_cast %add3A_608 : i32 to index
          %get3A_615 = arith.constant 0 : index
          %get3A_616 = tpu.vector_load %arg10[%get3A_614, %get3A_615] {strides = array<i32>} : memref<80x128xf32, #tpu.memory_space<vmem>>, vector<16xf32>,
          %mul3A_617 = arith.mulf %get3A_613, %get3A_616 : vector<16xf32>
          %add3A_618 = arith.addf %broadcast_in_dim3A_610, %mul3A_617 : vector<16xf32>
          %get3A_619 = arith.index_cast %add3A_608 : i32 to index
          %get3A_620 = arith.constant 16 : index
          %get3A_621 = tpu.vector_load %arg9[%get3A_619, %get3A_620] {strides = array<i32>} : memref<80x128xf32, #tpu.memory_space<vmem>>, vector<16xf32>,
          %get3A_622 = arith.index_cast %add3A_608 : i32 to index
          %get3A_623 = arith.constant 16 : index
          %get3A_624 = tpu.vector_load %arg10[%get3A_622, %get3A_623] {strides = array<i32>} : memref<80x128xf32, #tpu.memory_space<vmem>>, vector<16xf32>,
          %mul3A_625 = arith.mulf %get3A_621, %get3A_624 : vector<16xf32>
          %add3A_626 = arith.addf %add3A_618, %mul3A_625 : vector<16xf32>
          %get3A_627 = arith.index_cast %add3A_608 : i32 to index
          %get3A_628 = arith.constant 32 : index
          %get3A_629 = tpu.vector_load %arg9[%get3A_627, %get3A_628] {strides = array<i32>} : memref<80x128xf32, #tpu.memory_space<vmem>>, vector<16xf32>,
          %get3A_630 = arith.index_cast %add3A_608 : i32 to index
          %get3A_631 = arith.constant 32 : index
          %get3A_632 = tpu.vector_load %arg10[%get3A_630, %get3A_631] {strides = array<i32>} : memref<80x128xf32, #tpu.memory_space<vmem>>, vector<16xf32>,
          %mul3A_633 = arith.mulf %get3A_629, %get3A_632 : vector<16xf32>
          %add3A_634 = arith.addf %add3A_626, %mul3A_633 : vector<16xf32>
          %get3A_635 = arith.index_cast %add3A_608 : i32 to index
          %get3A_636 = arith.constant 48 : index
          %get3A_637 = tpu.vector_load %arg9[%get3A_635, %get3A_636] {strides = array<i32>} : memref<80x128xf32, #tpu.memory_space<vmem>>, vector<16xf32>,
          %get3A_638 = arith.index_cast %add3A_608 : i32 to index
          %get3A_639 = arith.constant 48 : index
          %get3A_640 = tpu.vector_load %arg10[%get3A_638, %get3A_639] {strides = array<i32>} : memref<80x128xf32, #tpu.memory_space<vmem>>, vector<16xf32>,
          %mul3A_641 = arith.mulf %get3A_637, %get3A_640 : vector<16xf32>
          %add3A_642 = arith.addf %add3A_634, %mul3A_641 : vector<16xf32>
          %get3A_643 = arith.index_cast %add3A_608 : i32 to index
          %get3A_644 = arith.constant 64 : index
          %get3A_645 = tpu.vector_load %arg9[%get3A_643, %get3A_644] {strides = array<i32>} : memref<80x128xf32, #tpu.memory_space<vmem>>, vector<16xf32>,
          %get3A_646 = arith.index_cast %add3A_608 : i32 to index
          %get3A_647 = arith.constant 64 : index
          %get3A_648 = tpu.vector_load %arg10[%get3A_646, %get3A_647] {strides = array<i32>} : memref<80x128xf32, #tpu.memory_space<vmem>>, vector<16xf32>,
          %mul3A_649 = arith.mulf %get3A_645, %get3A_648 : vector<16xf32>
          %add3A_650 = arith.addf %add3A_642, %mul3A_649 : vector<16xf32>
          %get3A_651 = arith.index_cast %add3A_608 : i32 to index
          %get3A_652 = arith.constant 80 : index
          %get3A_653 = tpu.vector_load %arg9[%get3A_651, %get3A_652] {strides = array<i32>} : memref<80x128xf32, #tpu.memory_space<vmem>>, vector<16xf32>,
          %get3A_654 = arith.index_cast %add3A_608 : i32 to index
          %get3A_655 = arith.constant 80 : index
          %get3A_656 = tpu.vector_load %arg10[%get3A_654, %get3A_655] {strides = array<i32>} : memref<80x128xf32, #tpu.memory_space<vmem>>, vector<16xf32>,
          %mul3A_657 = arith.mulf %get3A_653, %get3A_656 : vector<16xf32>
          %add3A_658 = arith.addf %add3A_650, %mul3A_657 : vector<16xf32>
          %get3A_659 = arith.index_cast %add3A_608 : i32 to index
          %get3A_660 = arith.constant 96 : index
          %get3A_661 = tpu.vector_load %arg9[%get3A_659, %get3A_660] {strides = array<i32>} : memref<80x128xf32, #tpu.memory_space<vmem>>, vector<16xf32>,
          %get3A_662 = arith.index_cast %add3A_608 : i32 to index
          %get3A_663 = arith.constant 96 : index
          %get3A_664 = tpu.vector_load %arg10[%get3A_662, %get3A_663] {strides = array<i32>} : memref<80x128xf32, #tpu.memory_space<vmem>>, vector<16xf32>,
          %mul3A_665 = arith.mulf %get3A_661, %get3A_664 : vector<16xf32>
          %add3A_666 = arith.addf %add3A_658, %mul3A_665 : vector<16xf32>
          %get3A_667 = arith.index_cast %add3A_608 : i32 to index
          %get3A_668 = arith.constant 112 : index
          %get3A_669 = tpu.vector_load %arg9[%get3A_667, %get3A_668] {strides = array<i32>} : memref<80x128xf32, #tpu.memory_space<vmem>>, vector<16xf32>,
          %get3A_670 = arith.index_cast %add3A_608 : i32 to index
          %get3A_671 = arith.constant 112 : index
          %get3A_672 = tpu.vector_load %arg10[%get3A_670, %get3A_671] {strides = array<i32>} : memref<80x128xf32, #tpu.memory_space<vmem>>, vector<16xf32>,
          %mul3A_673 = arith.mulf %get3A_669, %get3A_672 : vector<16xf32>
          %add3A_674 = arith.addf %add3A_666, %mul3A_673 : vector<16xf32>
          %reduce_sum3A_675 = arith.constant true
          %reduce_sum3A_676 = vector.broadcast %reduce_sum3A_675 : i1 to vector<16xi1>
          %reduce_sum3A_677 = tpu.scan <sum>, %add3A_674 masked %reduce_sum3A_676 : vector<16xf32>, vector<16xi1> -> vector<16xf32>
          %reduce_sum3A_678 = vector.extract %reduce_sum3A_677[15] : f32 from vector<16xf32>
          %eq3A_679 = vector.broadcast %scan3A_607 : i32 to vector<16xi32>
          %eq3A_680 = arith.cmpi eq, %iota3A, %eq3A_679 : vector<16xi32>
          %broadcast_in_dim3A_681 = vector.broadcast %reduce_sum3A_678 : f32 to vector<16xf32>
          %select_n3A_682 = arith.select %eq3A_680, %broadcast_in_dim3A_681, %select_n3A_605 : vector<16xi1>, vector<16xf32>
          scf.yield %select_n3A_682 : vector<16xf32>
        }
        %scan3A_57 = arith.constant 16 : i32
        %neg3A = arith.constant 0.000000e+00 : f32
        %neg3A_58 = vector.broadcast %neg3A : f32 to vector<16xf32>
        %neg3A_59 = arith.subf %neg3A_58, %scan3A_56 : vector<16xf32>
        %exp3A = math.exp %neg3A_59 : vector<16xf32>
        %add3A_60 = arith.constant 1.000000e+00 : f32
        %add3A_61 = vector.broadcast %add3A_60 : f32 to vector<16xf32>
        %add3A_62 = arith.addf %add3A_61, %exp3A : vector<16xf32>
        %div3A = arith.constant 1.000000e+00 : f32
        %div3A_63 = vector.broadcast %div3A : f32 to vector<16xf32>
        %div3A_64 = arith.divf %div3A_63, %add3A_62 : vector<16xf32>
        %mul3A_65 = arith.constant 16 : i32
        %mul3A_66 = arith.muli %scan3A_48, %mul3A_65 : i32
        %add3A_67 = arith.constant 1920 : i32
        %add3A_68 = arith.addi %add3A_67, %mul3A_66 : i32
        %swap3A = arith.index_cast %add3A_68 : i32 to index
        %swap3A_69 = tpu.vector_load %arg13[%swap3A] {strides = array<i32>} : memref<2000xf32, #tpu.memory_space<vmem>>, vector<16xf32>,
        tpu.vector_store %arg13[%swap3A], %div3A_64 {strides = array<i32>} : memref<2000xf32, #tpu.memory_space<vmem>>, vector<16xf32>,
      }
      %scan3A_47 = arith.constant 5 : i32
      "tpu.region"() ({
        %run_scoped3A = tpu.sem_alloc : memref<!tpu.dma_semaphore, #tpu.memory_space<semaphore_mem>>
        %dma_start3A_48 = tpu.memref_slice %arg5[%add3A_17] : memref<320000xf32, #tpu.memory_space<hbm>> -> memref<2000xf32, #tpu.memory_space<hbm>>
        %dma_start3A_49 = tpu.memref_slice %arg5[%add3A_17] : memref<320000xf32, #tpu.memory_space<hbm>> -> memref<2000xf32, #tpu.memory_space<hbm>>
        tpu.enqueue_dma source(%arg13 : memref<2000xf32, #tpu.memory_space<vmem>>) target(%dma_start3A_49 : memref<2000xf32, #tpu.memory_space<hbm>>) target_semaphore(%run_scoped3A : memref<!tpu.dma_semaphore, #tpu.memory_space<semaphore_mem>>)
        %dma_wait3A_50 = tpu.memref_slice %arg5[%add3A_17] : memref<320000xf32, #tpu.memory_space<hbm>> -> memref<2000xf32, #tpu.memory_space<hbm>>
        %dma_wait3A_51 = tpu.memref_slice %arg5[%add3A_17] : memref<320000xf32, #tpu.memory_space<hbm>> -> memref<2000xf32, #tpu.memory_space<hbm>>
        tpu.wait_dma2 semaphore(%run_scoped3A : memref<!tpu.dma_semaphore, #tpu.memory_space<semaphore_mem>>) src(%arg13 : memref<2000xf32, #tpu.memory_space<vmem>>) dst(%dma_wait3A_51 : memref<2000xf32, #tpu.memory_space<hbm>>)
        tpu.yield
      }) : () -> ()
    }
    %scan3A_13 = arith.constant 5 : i32
    return
  }
}

</mosaic_0001>

<sc_bundles>
// kernel: _run.3.cloned.1.call-start
scs
__scs_entry_jumppad:
0x0: {  	(pc) =	sbr.rel $0x88, $3  }
0x1: {  	(tag) =	ssettag $0x0;
	lr =	simm.s32 $0x1  }
0x2: {  	[smem:$0x3F9E] =	sst lr;
	_ =	strace $0xD0000000  }
0x3: {  	_ = 	snop  }
0x4: {  	_ = 	snop  }
0x5: {  	_ = 	snop  }
0x6: {  	_ = 	snop  }
0x7: {  	_ = 	snop  }
__scs_overlays_trampoline_lowered:
0x8: {  	[smem:$0x3FAD] =	sst s0  }
0x9: {  	[smem:$0x3FAE] =	sst s1  }
0xa: {  	[smem:$0x3FAF] =	sst s2  }
0xb: {  	[smem:$0x3FB0] =	sst s3  }
0xc: {  	[smem:$0x3FB1] =	sst s4  }
0xd: {  	[smem:$0x3FB2] =	sst s5  }
0xe: {  	[smem:$0x3FB3] =	sst s6  }
0xf: {  	[smem:$0x3FB4] =	sst s7  }
0x10: {  	[smem:$0x3FB5] =	sst s8  }
0x11: {  	[smem:$0x3FB6] =	sst s9;
	s0 =	simm.s32 @!p0 $0x0  }
0x12: {  	s1 =	sld [smem:$0x3F9C];
	s0 =	simm.s32 @p0 $0x1  }
0x13: {  	[smem:$0x3FB7] =	sst s0;
	s0 =	simm.s32 @!p1 $0x0  }
0x14: {  	s2 =	sld [smem:$0x3F9B];
	s0 =	simm.s32 @p1 $0x1  }
0x15: {  	[smem:$0x3FB8] =	sst s0;
	s0 =	simm.s32 @!p2 $0x0  }
0x16: {  	s3 =	sld [smem:$0x3FDB];
	s0 =	simm.s32 @p2 $0x1  }
0x17: {  	s4 =	simm.s32 $0x1BF5;
	[smem:$0x3FBA] =	sst s0  }
0x18: {  	s0 =	sld [smem:$0x3F9D];
	_ =	swait.ge [sflag:s4], $0x0  }
0x19: {  	s7 =	sld [smem:$0x3F9E]  }
0x1a: {  	s8 =	sadd.s32 $0xFFFFE003, lr  }
0x1b: {  	s9 =	sadd.s32 $0xFFFFFEF7, lr;
	s5 =	simm.s32 $0xFFFFFFFF;
	p2 =	slt.u32 s8, $0xFFFFF086  }
0x1c: {  	p1 =	slt.u32 s9, $0xF7A;
	s5 =	simm.s32 @!p2 $0x0  }
0x1d: {  	s5 =	simm.s32 @p1 $0x1;
	p0 =	seq.s32 s7, s2  }
0x1e: {  	s7 =	smul.u32 @!p0 $0xF7A, s2;
	p2 =	seq.s32 @!p0 s5, $0x0  }
0x1f: {  	s9 =	smul.u32 $0xF7A, s1;
	s8 =	simm.s32 @!p0 $0x1BF5;
	p2 =	por !p2, p0  }
0x20: {  	[sflag:s8] =	ssyncset.s32 @!p0 $0xFFFFF086;
	s6 =	sadd.s32 @!p0 s3, s7;
	s7 =	simm.s32 @!p0 $0x108  }
0x21: {  	s3 =	sadd.s32 s3, s9;
	s6 =	sadd.s32 @!p0 $0x88, s6;
	s7 =	simm.s32 @p2 $0x1082  }
0x22: {  	[simem:s7], [sflag:s8] =	dma.local @!p0 [hbm:s6], $0xF7A  }
0x23: {  	s9 =	sor.u32 $0xD0000000, s2;
	s6 =	simm.s32 $0x108;
	_ =	swait.ge @!p0 [sflag:s8], $0x0  }
0x24: {  	s3 =	sadd.s32 $0x88, s3;
	s6 =	simm.s32 @!p1 $0x1082;
	[sflag:s4] =	ssyncset.s32 $0xFFFFF086  }
0x25: {  	[simem:s6], [sflag:s4] =	dma.local [hbm:s3], $0xF7A  }
0x26: {  	[smem:$0x3F9E] =	sst s1;
	(tag) =	ssettag s2;
	_ =	strace s9  }
0x27: {  	s1 =	sld [smem:$0x3FAE]  }
0x28: {  	s2 =	sld [smem:$0x3FAF]  }
0x29: {  	s4 =	sld [smem:$0x3FB1]  }
0x2a: {  	p0 =	seq.s32 s5, $0x0;
	s5 =	sld [smem:$0x3FB2]  }
0x2b: {  	s6 =	sld [smem:$0x3FB3]  }
0x2c: {  	s7 =	sld [smem:$0x3FB4]  }
0x2d: {  	s3 =	simm.s32 $0x108;
	s8 =	sld [smem:$0x3FB5]  }
0x2e: {  	s3 =	simm.s32 @!p0 $0x1082;
	s9 =	sld [smem:$0x3FB6]  }
0x2f: {  	lr =	sadd.s32 s0, s3;
	s0 =	sld [smem:$0x3FAD]  }
0x30: {  	s3 =	sld [smem:$0x3FB0]  }
0x31: {  	[smem:$0x3FB9] =	sst s10  }
0x32: {  	s10 =	sld [smem:$0x3FB7];
	_ =	sdelay $0x3  }
0x33: {  	p0 =	seq.s32 s10, $0x1;
	s10 =	sld [smem:$0x3FB9];
	_ =	sdelay $0x3  }
0x34: {  	[smem:$0x3FB9] =	sst s10  }
0x35: {  	s10 =	sld [smem:$0x3FB8];
	_ =	sdelay $0x3  }
0x36: {  	p1 =	seq.s32 s10, $0x1;
	s10 =	sld [smem:$0x3FB9];
	_ =	sdelay $0x3  }
0x37: {  	[smem:$0x3FB9] =	sst s10  }
0x38: {  	s10 =	sld [smem:$0x3FBA]  }
0x39: {  	_ = 	snop;
	(pc) =	sbr.ind lr, $3  }
0x3a: {  	_ = 	snop  }
0x3b: {  	_ = 	snop  }
0x3c: {  	p2 =	seq.s32 s10, $0x1;
	s10 =	sld [smem:$0x3FB9]  }
0x3d: {  	_ =	shalt  }
0x3e: {  	_ =	shalt  }
0x3f: {  	_ =	shalt  }
0x40: {  	_ =	shalt  }
0x41: {  	_ =	shalt  }
0x42: {  	_ =	shalt  }
0x43: {  	_ =	shalt  }
0x44: {  	_ =	shalt  }
0x45: {  	_ =	shalt  }
0x46: {  	_ =	shalt  }
0x47: {  	_ =	shalt  }
0x48: {  	_ =	shalt  }
0x49: {  	_ =	shalt  }
0x4a: {  	_ =	shalt  }
0x4b: {  	_ =	shalt  }
0x4c: {  	_ =	shalt  }
0x4d: {  	_ =	shalt  }
0x4e: {  	_ =	shalt  }
0x4f: {  	_ =	shalt  }
0x50: {  	_ =	shalt  }
0x51: {  	_ =	shalt  }
0x52: {  	_ =	shalt  }
0x53: {  	_ =	shalt  }
0x54: {  	_ =	shalt  }
0x55: {  	_ =	shalt  }
0x56: {  	_ =	shalt  }
0x57: {  	_ =	shalt  }
0x58: {  	_ =	shalt  }
0x59: {  	_ =	shalt  }
0x5a: {  	_ =	shalt  }
0x5b: {  	_ =	shalt  }
0x5c: {  	_ =	shalt  }
0x5d: {  	_ =	shalt  }
0x5e: {  	_ =	shalt  }
0x5f: {  	_ =	shalt  }
0x60: {  	_ =	shalt  }
0x61: {  	_ =	shalt  }
0x62: {  	_ =	shalt  }
0x63: {  	_ =	shalt  }
0x64: {  	_ =	shalt  }
0x65: {  	_ =	shalt  }
0x66: {  	_ =	shalt  }
0x67: {  	_ =	shalt  }
0x68: {  	_ =	shalt  }
0x69: {  	_ =	shalt  }
0x6a: {  	_ =	shalt  }
0x6b: {  	_ =	shalt  }
0x6c: {  	_ =	shalt  }
0x6d: {  	_ =	shalt  }
0x6e: {  	_ =	shalt  }
0x6f: {  	_ =	shalt  }
0x70: {  	_ =	shalt  }
0x71: {  	_ =	shalt  }
0x72: {  	_ =	shalt  }
0x73: {  	_ =	shalt  }
0x74: {  	_ =	shalt  }
0x75: {  	_ =	shalt  }
0x76: {  	_ =	shalt  }
0x77: {  	_ =	shalt  }
0x78: {  	_ =	shalt  }
0x79: {  	_ =	shalt  }
0x7a: {  	_ =	shalt  }
0x7b: {  	_ =	shalt  }
0x7c: {  	_ =	shalt  }
0x7d: {  	_ =	shalt  }
0x7e: {  	_ =	shalt  }
0x7f: {  	_ =	shalt  }
0x80: {  	_ =	shalt  }
0x81: {  	_ =	shalt  }
0x82: {  	_ =	shalt  }
0x83: {  	_ =	shalt  }
0x84: {  	_ =	shalt  }
0x85: {  	_ =	shalt  }
0x86: {  	_ =	shalt  }
0x87: {  	_ =	shalt  }
.Lfunc_end0:
.L_simem_size_0:
called_computation_lowered:
.L_overlay_start_0:
0x88: {  	s2 =	sld [smem:$0x3FD9]  }
0x89: {  	s3 =	sld [smem:$0x3FFE];
	_ =	sdelay $0x1  }
0x8a: {  	s1 =	srdreg.scid  }
0x8b: {  	s0 =	sand.u32 $0x1, s1  }
0x8c: {  	s18 =	sshll.u32 s0, $0xA;
	s2 =	sadd.s32 s3, s2  }
0x8d: {  	s2 =	sadd.s32 s2, s18  }
0x8e: {  	[smem:$0x3FC5] =	sst s2  }
0x8f: {  	_ = 	snop  }
0x90: {  	s2 =	sld [smem:$0x3FC9]  }
0x91: {  	s19 =	sld [smem:$0x3FC8]  }
0x92: {  	s4 =	sld [smem:$0x3FC7]  }
0x93: {  	s5 =	sld [smem:$0x3FD0];
	(tm) =	ssettm $0x1  }
0x94: {  	s6 =	sld [smem:$0x3FFB];
	_ =	sdelay $0x3  }
0x95: {  	_ =	strace s6  }
0x96: {  	s6 =	sld [smem:$0x3FFC];
	_ =	sdelay $0x3  }
0x97: {  	_ =	strace s6  }
0x98: {  	s6 =	sld [smem:$0x3FFD];
	_ =	sdelay $0x3  }
0x99: {  	_ =	strace s6  }
0x9a: {  	_ =	strace $0x8FFFFFFF  }
0x9b: {  	s20 =	sld [smem:$0x3FDB];
	_ =	sdelay $0x1  }
0x9c: {  	s7 =	simm.s32 $_scs_section_size  }
0x9d: {  	s8 =	simm.s32 $_size__tile_overlayer_lowered;
	s9 =	simm.s32 $_tile_overlayer_lowered  }
0x9e: {  	s23 =	simm.s32 $0x1BFF;
	s22 =	sshll.u32 s9, $0x1;
	s6 =	sadd.s32 s7, s20  }
0x9f: {  	s10 =	simm.s32 $0x0;
	s21 =	sshll.u32 s8, $0x1;
	s8 =	sadd.s32 s22, s6  }
0xa0: {  	[timem:s10], [sflag:s23] =	dma.local [hbm:s8], s21  }
0xa1: {  	_ =	swait.ge [sflag:s23], s21  }
0xa2: {  	s7 =	ssub.s32 $0x0, s21;
	[sflag:s23] =	ssyncset.done $0x0  }
0xa3: {  	[sflag:s23] =	ssyncadd.s32 s7;
	_ =	sdelay $0x1  }
0xa4: {  	s24 =	simm.s32 $0x1B8B  }
0xa5: {  	_ =	swait.ge [sflag:s24], $0x1  }
0xa6: {  	[sflag:s24] =	ssyncset.done $0x0  }
0xa7: {  	s25 =	simm.s32 $0x1B8E;
	[sflag:s24] =	ssyncadd.s32 $0xFFFFFFFF  }
0xa8: {  	s26 =	simm.s32 $execute0_lowered;
	[smem:$0x3FD2] =	sst s25  }
0xa9: {  	s7 =	sshll.u32 s26, $0x1;
	_ =	strace $0x80000046;
	[dreg:$0x1] =	wrdreg $0xFFFFFFFF  }
0xaa: {  	s28 =	simm.s32 $_size_execute0_lowered;
	s6 =	sadd.s32 s6, s7;
	[dreg:$0x0] =	wrdreg $0x0  }
0xab: {  	s7 =	sshll.u32 s28, $0x1;
	[dreg:$0x2] =	wrdreg s6  }
0xac: {  	[dreg:$0x3] =	wrdreg s7  }
0xad: {  	[dreg:$0x4] =	wrdreg $0xC0  }
0xae: {  	_ =	task [dreg:s10], $0x5FFFF  }
0xaf: {  	[dreg:$0x1] =	wrdreg $0xFFFFFFFF  }
0xb0: {  	[dreg:$0x0] =	wrdreg $0x60  }
0xb1: {  	[dreg:$0x2] =	wrdreg s2  }
0xb2: {  	[dreg:$0x3] =	wrdreg s19  }
0xb3: {  	[dreg:$0x4] =	wrdreg s4  }
0xb4: {  	[dreg:$0x5] =	wrdreg s5  }
0xb5: {  	[dreg:$0x6] =	wrdreg $0x0  }
0xb6: {  	[dreg:$0x7] =	wrdreg $0x9  }
0xb7: {  	_ =	task.clear_ibuf [dreg:s10], $0x8FFFF;
	_ =	strace $0x90000046  }
0xb8: {  	s29 =	simm.s32 $0x9;
	_ =	strace $0x80000048  }
0xb9: {  	_ =	swait.ge [sflag:s29], $0x1  }
0xba: {  	[sflag:s29] =	ssyncadd.s32 $0xFFFFFFFF  }
0xbb: {  	_ =	strace $0x90000048  }
0xbc: {  	_ =	sfence  }
0xbd: {  	s30 =	sld [smem:$0x0];
	_ =	sdelay $0x2  }
0xbe: {  	s31 =	sshll.u32 s1, $0xD;
	s1 =	sshrl.u32 s1, $0x2  }
0xbf: {  	s3 =	sand.u32 $0x4000, s31;
	s1 =	sadd.s32 s1, s30  }
0xc0: {  	s0 =	sor.u32 s3, s0;
	s1 =	sshll.u32 s1, $0x11  }
0xc1: {  	s0 =	sor.u32 s1, s0  }
0xc2: {  	s0 =	sadd.s32 $0x8F2B, s0  }
0xc3: {  	[sflag:s0] =	ssyncadd.remote.s32 $0x1  }
0xc4: {  	_ =	sfence.sel $0xFFFF  }
0xc5: {  	[dreg:$0x0] =	wrdreg $0xFFFFFFFF;
	(pc) =	sbr.abs _section_cstart, $3  }
0xc6: {  	[dreg:$0x1] =	wrdreg $0xFFFFFFFF  }
0xc7: {  	_ =	task.clear_ibuf [dreg:s10], $0x2FFFF;
	_ =	strace $0x9FFFFFFF  }
0xc8: {  	(tm) =	ssettm $0x7FFFFFFF  }
0xc9: {  	_ =	shalt  }
tec
execute0_lowered:
.L_overlay_start_1:
0x0: {  	(tag) =	ssettag $0x1  }
0x1: {  	s0 =	rddreg [dreg:$0x2]  }
0x2: {  	s4 =	rddreg [dreg:$0x4];
	s5 =	simm.s32 $0x0  }
0x3: {  	s1 =	srdreg.scid;
	s2 =	stileid.u32;
	s13 =	simm.s32 $0x3  }
0x4: {  	s15 =	simm.s32 $0x13880;
	s16 =	simm.s32 $0x14080;
	s17 =	simm.s32 $0x50  }
0x5: {  	s18 =	simm.s32 $0x14880;
	s19 =	simm.s32 $0x17080;
	s20 =	simm.s32 $0x19880  }
0x6: {  	s21 =	simm.s32 $0x1C080;
	s22 =	simm.s32 $0x1;
	[smem:$0x7FF] =	sst s5  }
0x7: {  	s1 =	sand.u32 $0x1, s1;
	s8 =	sshll.u32 s2, $0x1;
	s9 =	smul.u32 $0x4E000, s2  }
0x8: {  	s25 =	smul.u32 $0x2700, s2;
	s28 =	sshll.u32 s2, $0x6;
	p0 =	sne.s32 s2, $0xF  }
0x9: {  	_ =	strace $0x80000047;
	s6 =	ssub.s32 $0x2, s1;
	s1 =	sor.u32 s1, s8  }
0xa: {  	s29 =	sor.u32 $0x1C03, s28;
	s8 =	sadd.s32 $0x138000, s4;
	s7 =	sshrl.u32 s6, $0x1  }
0xb: {  	s26 =	sshrl.u32 s9, $0x2;
	s3 =	sadd.s32 s0, s25;
	[dreg:$0x7] =	wrdreg s29  }
0xc: {  	s0 =	sadd.s32 $0x27000, s0;
	s6 =	ssub.s32 s6, s7;
	[dreg:$0x6] =	wrdreg s3  }
0xd: {  	s7 =	smul.u32 $0x2710, s1;
	[dreg:$0x8] =	wrdreg s0;
	s0 =	sshrl.u32 @!p0 s8, $0x3  }
0xe: {  	s1 =	sadd.s32 s26, s4;
	s30 =	smax.u32 s6, $0x1;
	[dreg:$0xb] =	wrdreg s0  }
0xf: {  	s23 =	simm.s32 $0x2;
	s31 =	sshrl.u32 s1, $0x3;
	[dreg:$0x9] =	wrdreg s30  }
0x10: {  	s24 =	simm.s32 $0x1E880;
	s1 =	simm.s32 $0x0;
	[dreg:$0xa] =	wrdreg s31  }
.LBB2_1:
0x11: {  	[dreg:$0xc] =	wrdreg s1  }
0x12: {  	s0 =	rddreg [dreg:$0x6]  }
0x13: {  	s1 =	rddreg [dreg:$0x7]  }
0x14: {  	s2 =	rddreg [dreg:$0xa]  }
0x15: {  	[spmem:s2], [sflag:s1] =	dma.local [hbm:s0], $0x2700  }
0x16: {  	_ =	swait.ge [sflag:s13], $0x2700  }
0x17: {  	[sflag:s13] =	ssyncset.done $0x0;
	s0 =	rddreg [dreg:$0x8]  }
0x18: {  	s2 =	rddreg [dreg:$0xb];
	[sflag:s13] =	ssyncadd.s32 $0xFFFFD900  }
0x19: {  	[spmem:s2], [sflag:s1] =	dma.local @!p0 [hbm:s0], $0x100  }
0x1a: {  	s0 =	simm.s32 @!p0 $0x3  }
0x1b: {  	_ =	swait.ge @!p0 [sflag:s0], $0x100  }
0x1c: {  	[sflag:s0] =	ssyncset.done @!p0 $0x0  }
0x1d: {  	[sflag:s0] =	ssyncadd.s32 @!p0 $0xFFFFFF00  }
0x1e: {  	s26 =	simm.s32 $0x0;
	[bflag:$0x0] =	sbarrier.arrive $0xFFFF  }
.LBB2_2:
0x1f: {  	s0 =	smul.u32 $0x7D0, s26;
	_ =	sdelay $0x1  }
0x20: {  	s0 =	sadd.s32 s7, s0  }
0x21: {  	s30 =	rddreg [dreg:$0x0];
	s28 =	sshrl.u32 s0, $0x3  }
0x22: {  	s29 =	simm.s32 $0x0;
	s0 =	sadd.s32 s30, s28  }
0x23: {  	[tilespmem:s15], [sflag:$0x3] =	stream.linear.gather [hbm4b:s0+s29], $0x7D0, $0x38;
	[tilespmem:$0x1F080] =	vst v63  }
0x24: {  	_ =	swait.ge [sflag:s13], $0x7D0  }
0x25: {  	[sflag:s13] =	ssyncset.done $0x0  }
0x26: {  	[sflag:s13] =	ssyncadd.s32 $0xFFFFF830  }
0x27: {  	s31 =	rddreg [dreg:$0x1]  }
0x28: {  	s0 =	sadd.s32 s31, s28  }
0x29: {  	[tilespmem:s16], [sflag:$0x3] =	stream.linear.gather [hbm4b:s0+s29], $0x7D0, $0x38;
	[tilespmem:$0x1F080] =	vst v63  }
0x2a: {  	_ =	swait.ge [sflag:s13], $0x7D0  }
0x2b: {  	[sflag:s13] =	ssyncset.done $0x0  }
0x2c: {  	[sflag:s13] =	ssyncadd.s32 $0xFFFFF830  }
0x2d: {  	[tilespmem:s18], [sflag:$0x1] =	stream.indirect.gather [spmem:s4], $0x80, s15, s17, $0xb8;
	[tilespmem:$0x1F080] =	vst v63  }
0x2e: {  	_ = 	snop  }
0x2f: {  	[tilespmem:s19], [sflag:$0x1] =	stream.indirect.gather [spmem:s4], $0x80, s16, s17, $0xb8;
	[tilespmem:$0x1F080] =	vst v63  }
.LBB2_3:
0x30: {  	s30 =	smul.u32 $0xA0, s29;
	_ =	sdelay $0x1  }
0x31: {  	s0 =	sadd.s32 $0x138D0, s30  }
0x32: {  	[tilespmem:s20], [sflag:$0x2] =	stream.indirect.gather [spmem:s4], $0x80, s0, s17, $0xb8;
	[tilespmem:$0x1F080] =	vst v63  }
0x33: {  	s14 =	sadd.s32 $0x140D0, s30  }
0x34: {  	[tilespmem:s21], [sflag:$0x2] =	stream.indirect.gather [spmem:s4], $0x80, s14, s17, $0xb8;
	[tilespmem:$0x1F080] =	vst v63  }
0x35: {  	s25 =	smul.u32 $0x280, s29;
	_ =	swait.ge [sflag:s22], $0x2800  }
0x36: {  	[sflag:s22] =	ssyncset.done $0x0  }
0x37: {  	s0 =	sshra.s32 s25, $0x2;
	[sflag:s22] =	ssyncadd.s32 $0xFFFFD800  }
0x38: {  	s0 =	sadd.s32 $0x1E880, s0;
	_ =	swait.ge [sflag:s22], $0x2800  }
0x39: {  	v0 =	vmov s0;
	[sflag:s22] =	ssyncset.done $0x0  }
0x3a: {  	s31 =	sadd.s32 $0x50, s30;
	s0 =	simm.s32 $0x0;
	[tilespmem:$0x1FFF0] =	vst v0;
	[sflag:s22] =	ssyncadd.s32 $0xFFFFD800  }
.LBB2_4:
0x3b: {  	s6 =	sshll.u32 s0, $0x4;
	s8 =	simm.s32 $0x0;
	p1 =	por $0x1, $0x1;
	v0 =	vimm.f32 $0.0e+00  }
.LBB2_5:
0x3c: {  	s1 =	sor.u32 s6, s8  }
0x3d: {  	s1 =	sshll.u32 s1, $0x7  }
0x3e: {  	v9 =	vld [tilespmem:s1+$0x14880]  }
0x3f: {  	v13 =	vld [tilespmem:s1+$0x17080]  }
0x40: {  	v16 =	vld [tilespmem:s1+$0x14890]  }
0x41: {  	v22 =	vld [tilespmem:s1+$0x17090]  }
0x42: {  	v24 =	vld [tilespmem:s1+$0x148A0]  }
0x43: {  	v25 =	vld [tilespmem:s1+$0x170A0]  }
0x44: {  	v26 =	vld [tilespmem:s1+$0x148B0]  }
0x45: {  	v27 =	vld [tilespmem:s1+$0x170B0]  }
0x46: {  	v28 =	vld [tilespmem:s1+$0x148C0]  }
0x47: {  	v29 =	vld [tilespmem:s1+$0x170C0]  }
0x48: {  	v30 =	vld [tilespmem:s1+$0x148D0]  }
0x49: {  	v31 =	vld [tilespmem:s1+$0x170D0]  }
0x4a: {  	s10 =	sor.u32 $0x1, s8;
	v59 =	vld [tilespmem:s1+$0x148E0]  }
0x4b: {  	s9 =	sor.u32 s6, s10;
	v47 =	vld [tilespmem:s1+$0x170E0]  }
0x4c: {  	[tilespmem:$0x1FFE0] =	vst v0;
	v0 =	vld [tilespmem:s1+$0x148F0];
	s12 =	sshll.u32 s9, $0x7  }
0x4d: {  	v34 =	vld [tilespmem:s12+$0x14880]  }
0x4e: {  	v35 =	vld [tilespmem:s12+$0x17080]  }
0x4f: {  	v36 =	vld [tilespmem:s12+$0x14890]  }
0x50: {  	v37 =	vld [tilespmem:s12+$0x17090]  }
0x51: {  	v38 =	vld [tilespmem:s12+$0x148A0]  }
0x52: {  	v39 =	vld [tilespmem:s12+$0x170A0]  }
0x53: {  	v40 =	vld [tilespmem:s12+$0x148B0]  }
0x54: {  	[tilespmem:$0x1FE80] =	vst v0;
	v0 =	vld [tilespmem:s1+$0x170F0]  }
0x55: {  	v41 =	vld [tilespmem:s12+$0x170B0]  }
0x56: {  	v42 =	vld [tilespmem:s12+$0x148C0]  }
0x57: {  	v43 =	vld [tilespmem:s12+$0x170C0]  }
0x58: {  	s11 =	sor.u32 $0x2, s8;
	v44 =	vld [tilespmem:s12+$0x148D0]  }
0x59: {  	s14 =	sor.u32 s6, s11;
	v9 =	vmul.f32 v13, v9;
	[tilespmem:$0x1FE90] =	vst v0;
	v0 =	vld [tilespmem:s12+$0x148E0]  }
0x5a: {  	s25 =	sshll.u32 s14, $0x7;
	v45 =	vld [tilespmem:s12+$0x170D0]  }
0x5b: {  	v48 =	vld [tilespmem:s25+$0x14880];
	v16 =	vmul.f32 v22, v16;
	v9 =	vadd.f32 $0.0e+00, v9  }
0x5c: {  	v49 =	vld [tilespmem:s25+$0x17080]  }
0x5d: {  	v50 =	vld [tilespmem:s25+$0x14890];
	v9 =	vadd.f32 v16, v9;
	v16 =	vmul.f32 v25, v24  }
0x5e: {  	v25 =	vmul.f32 v35, v34;
	[tilespmem:$0x1FEA0] =	vst v0;
	v0 =	vld [tilespmem:s12+$0x170E0]  }
0x5f: {  	v51 =	vld [tilespmem:s25+$0x17090];
	v9 =	vadd.f32 v16, v9;
	v16 =	vmul.f32 v27, v26  }
0x60: {  	v52 =	vld [tilespmem:s25+$0x148A0];
	v37 =	vmul.f32 v37, v36;
	v25 =	vadd.f32 $0.0e+00, v25  }
0x61: {  	v53 =	vld [tilespmem:s25+$0x170A0];
	v28 =	vmul.f32 v29, v28;
	v9 =	vadd.f32 v16, v9  }
0x62: {  	v54 =	vld [tilespmem:s25+$0x148B0];
	v39 =	vmul.f32 v39, v38;
	v26 =	vadd.f32 v37, v25  }
0x63: {  	v30 =	vmul.f32 v31, v30;
	v28 =	vadd.f32 v28, v9;
	[tilespmem:$0x1FEB0] =	vst v0;
	v0 =	vld [tilespmem:s12+$0x148F0]  }
0x64: {  	v55 =	vld [tilespmem:s25+$0x170B0];
	v41 =	vmul.f32 v41, v40;
	v29 =	vadd.f32 v39, v26  }
0x65: {  	v56 =	vld [tilespmem:s25+$0x148C0];
	v28 =	vadd.f32 v30, v28  }
0x66: {  	v57 =	vld [tilespmem:s25+$0x170C0];
	v30 =	vmul.f32 v49, v48;
	v29 =	vadd.f32 v41, v29;
	v48 =	vmul.f32 v43, v42  }
0x67: {  	v52 =	vmul.f32 v53, v52;
	v53 =	vld [tilespmem:$0x1FE80]  }
0x68: {  	v49 =	vmul.f32 v51, v50;
	v51 =	vmul.f32 v45, v44;
	v29 =	vadd.f32 v48, v29;
	[tilespmem:$0x1FEC0] =	vst v0;
	v0 =	vld [tilespmem:s12+$0x170F0];
	s12 =	sor.u32 $0x3, s8  }
0x69: {  	v47 =	vmul.f32 v47, v59;
	v59 =	vld [tilespmem:$0x1FE90];
	s2 =	sor.u32 s6, s12  }
0x6a: {  	v29 =	vadd.f32 v51, v29;
	v51 =	vld [tilespmem:$0x1FEC0];
	s3 =	sshll.u32 s2, $0x7  }
0x6b: {  	v60 =	vld [tilespmem:s3+$0x14880]  }
0x6c: {  	v61 =	vld [tilespmem:s3+$0x17080]  }
0x6d: {  	v62 =	vld [tilespmem:s3+$0x14890]  }
0x6e: {  	v63 =	vld [tilespmem:s3+$0x17090]  }
0x6f: {  	v1 =	vld [tilespmem:s3+$0x148A0]  }
0x70: {  	v6 =	vld [tilespmem:s3+$0x148B0]  }
0x71: {  	v5 =	vld [tilespmem:s3+$0x170B0]  }
0x72: {  	v18 =	vld [tilespmem:s3+$0x148C0]  }
0x73: {  	v17 =	vld [tilespmem:s3+$0x170C0]  }
0x74: {  	s9 =	sor.u32 $0x5, s8;
	v33 =	vld [tilespmem:s3+$0x148D0]  }
0x75: {  	s2 =	sor.u32 s6, s9;
	v32 =	vld [tilespmem:s3+$0x170D0]  }
0x76: {  	v2 =	vld [tilespmem:s3+$0x148E0];
	s1 =	sshll.u32 s2, $0x7  }
0x77: {  	v3 =	vld [tilespmem:s1+$0x14880]  }
0x78: {  	v12 =	vld [tilespmem:s1+$0x14890]  }
0x79: {  	[tilespmem:$0x1FED0] =	vst v0;
	v0 =	vld [tilespmem:s25+$0x148D0]  }
0x7a: {  	v7 =	vld [tilespmem:s1+$0x17090]  }
0x7b: {  	v19 =	vld [tilespmem:s1+$0x148A0]  }
0x7c: {  	v13 =	vld [tilespmem:s1+$0x170A0]  }
0x7d: {  	v22 =	vld [tilespmem:s1+$0x148B0]  }
0x7e: {  	[tilespmem:$0x1FEE0] =	vst v0;
	v0 =	vld [tilespmem:s25+$0x170D0]  }
0x7f: {  	v20 =	vld [tilespmem:s1+$0x170B0]  }
0x80: {  	v24 =	vld [tilespmem:s1+$0x148C0]  }
0x81: {  	v34 =	vld [tilespmem:s1+$0x170C0]  }
0x82: {  	v27 =	vld [tilespmem:s1+$0x148D0]  }
0x83: {  	[tilespmem:$0x1FEF0] =	vst v0;
	v0 =	vld [tilespmem:s25+$0x148E0]  }
0x84: {  	v35 =	vld [tilespmem:s1+$0x170D0]  }
0x85: {  	[tilespmem:$0x1FF40] =	vst v2;
	v2 =	vld [tilespmem:s3+$0x170E0]  }
0x86: {  	v16 =	vld [tilespmem:s1+$0x148E0]  }
0x87: {  	v25 =	vld [tilespmem:s1+$0x170E0]  }
0x88: {  	v30 =	vadd.f32 $0.0e+00, v30;
	[tilespmem:$0x1FF00] =	vst v0;
	v0 =	vld [tilespmem:s25+$0x170E0]  }
0x89: {  	v9 =	vld [tilespmem:s1+$0x148F0]  }
0x8a: {  	v30 =	vadd.f32 v49, v30;
	[tilespmem:$0x1FF50] =	vst v2;
	v2 =	vld [tilespmem:s3+$0x148F0]  }
0x8b: {  	v26 =	vld [tilespmem:s1+$0x170F0]  }
0x8c: {  	v30 =	vadd.f32 v52, v30;
	v52 =	vld [tilespmem:$0x1FED0]  }
0x8d: {  	[tilespmem:$0x1FF10] =	vst v0;
	v0 =	vld [tilespmem:s25+$0x148F0]  }
0x8e: {  	v43 =	vmul.f32 v59, v53;
	v53 =	vld [tilespmem:$0x1FEE0]  }
0x8f: {  	[tilespmem:$0x1FF60] =	vst v2;
	v2 =	vld [tilespmem:s3+$0x170F0]  }
0x90: {  	v50 =	vmul.f32 v61, v60;
	v61 =	vmul.f32 v55, v54;
	v54 =	vld [tilespmem:$0x1FEF0]  }
0x91: {  	s14 =	sor.u32 $0x4, s8;
	v60 =	vmul.f32 v63, v62;
	v62 =	vld [tilespmem:$0x1FEA0]  }
0x92: {  	v31 =	vadd.f32 $0.0e+00, v50;
	[tilespmem:$0x1FF20] =	vst v0;
	v0 =	vld [tilespmem:s25+$0x170F0];
	s25 =	sor.u32 s6, s14  }
0x93: {  	v63 =	vld [tilespmem:$0x1FEB0];
	v30 =	vadd.f32 v61, v30;
	v50 =	vmul.f32 v57, v56;
	s25 =	sshll.u32 s25, $0x7  }
0x94: {  	v31 =	vadd.f32 v60, v31;
	[tilespmem:$0x1FF70] =	vst v2;
	v2 =	vld [tilespmem:s25+$0x148D0]  }
0x95: {  	v30 =	vadd.f32 v50, v30;
	v60 =	vmul.f32 v32, v33;
	v33 =	vld [tilespmem:$0x1FF40];
	v39 =	vmul.f32 v54, v53  }
0x96: {  	v57 =	vld [tilespmem:$0x1FF00]  }
0x97: {  	v56 =	vadd.f32 v39, v30;
	v39 =	vld [tilespmem:$0x1FF50]  }
0x98: {  	v59 =	vld [tilespmem:$0x1FF10]  }
0x99: {  	[tilespmem:$0x1FF80] =	vst v2;
	v2 =	vld [tilespmem:s25+$0x170D0]  }
0x9a: {  	v28 =	vadd.f32 v47, v28;
	v47 =	vmul.f32 v63, v62;
	v62 =	vld [tilespmem:$0x1FF20]  }
0x9b: {  	v8 =	vld [tilespmem:s25+$0x14880]  }
0x9c: {  	v10 =	vld [tilespmem:s25+$0x17080]  }
0x9d: {  	v11 =	vld [tilespmem:s25+$0x14890]  }
0x9e: {  	[tilespmem:$0x1FF90] =	vst v2;
	v2 =	vld [tilespmem:s25+$0x148E0]  }
0x9f: {  	v4 =	vld [tilespmem:s25+$0x17090]  }
0xa0: {  	v15 =	vld [tilespmem:s25+$0x148A0]  }
0xa1: {  	v14 =	vld [tilespmem:s25+$0x170A0]  }
0xa2: {  	[tilespmem:$0x1FF30] =	vst v0;
	v0 =	vld [tilespmem:s3+$0x170A0]  }
0xa3: {  	[tilespmem:$0x1FFA0] =	vst v2;
	v2 =	vld [tilespmem:s25+$0x170E0]  }
0xa4: {  	v23 =	vld [tilespmem:s25+$0x148B0]  }
0xa5: {  	v21 =	vld [tilespmem:s25+$0x170B0]  }
0xa6: {  	v58 =	vld [tilespmem:s25+$0x148C0]  }
0xa7: {  	v46 =	vld [tilespmem:s25+$0x170C0];
	v0 =	vmul.f32 v0, v1  }
0xa8: {  	[tilespmem:$0x1FFB0] =	vst v2;
	v2 =	vld [tilespmem:s25+$0x148F0]  }
0xa9: {  	v0 =	vadd.f32 v0, v31;
	v31 =	vmul.f32 v52, v51;
	v51 =	vld [tilespmem:$0x1FF60]  }
0xaa: {  	v52 =	vld [tilespmem:$0x1FF70]  }
0xab: {  	v63 =	vld [tilespmem:$0x1FF30]  }
0xac: {  	v53 =	vld [tilespmem:$0x1FF80]  }
0xad: {  	[tilespmem:$0x1FFC0] =	vst v2;
	v2 =	vld [tilespmem:s25+$0x170F0];
	s25 =	sor.u32 $0x6, s8  }
0xae: {  	v54 =	vld [tilespmem:$0x1FF90];
	s2 =	sor.u32 s6, s25  }
0xaf: {  	v49 =	vmul.f32 v13, v19;
	v19 =	vmul.f32 v52, v51;
	v51 =	vld [tilespmem:$0x1FFC0];
	s2 =	sshll.u32 s2, $0x7  }
0xb0: {  	v36 =	vld [tilespmem:s2+$0x14880]  }
0xb1: {  	v38 =	vld [tilespmem:s2+$0x17080]  }
0xb2: {  	v40 =	vld [tilespmem:s2+$0x14890]  }
0xb3: {  	v37 =	vld [tilespmem:s2+$0x17090]  }
0xb4: {  	v42 =	vld [tilespmem:s2+$0x148A0]  }
0xb5: {  	v45 =	vld [tilespmem:s2+$0x170A0]  }
0xb6: {  	v41 =	vld [tilespmem:s2+$0x148B0]  }
0xb7: {  	v1 =	vld [tilespmem:s2+$0x170B0]  }
0xb8: {  	v28 =	vadd.f32 v43, v28;
	v43 =	vld [tilespmem:s2+$0x148C0]  }
0xb9: {  	v5 =	vmul.f32 v5, v6;
	v6 =	vld [tilespmem:s2+$0x170C0]  }
0xba: {  	v8 =	vmul.f32 v10, v8;
	v10 =	vld [tilespmem:s2+$0x148D0]  }
0xbb: {  	v55 =	vmul.f32 v17, v18;
	v17 =	vld [tilespmem:s2+$0x170D0]  }
0xbc: {  	v4 =	vmul.f32 v4, v11;
	v11 =	vld [tilespmem:s2+$0x148E0]  }
0xbd: {  	v0 =	vadd.f32 v5, v0;
	v5 =	vld [tilespmem:s2+$0x170E0]  }
0xbe: {  	[tilespmem:$0x1FFD0] =	vst v2;
	v2 =	vld [tilespmem:s1+$0x17080];
	s1 =	sor.u32 $0x7, s8  }
0xbf: {  	v61 =	vmul.f32 v14, v15;
	v14 =	vld [tilespmem:s2+$0x148F0];
	s3 =	sor.u32 s6, s1  }
0xc0: {  	v52 =	vld [tilespmem:$0x1FFD0];
	s3 =	sshll.u32 s3, $0x7  }
0xc1: {  	v29 =	vadd.f32 v47, v29;
	v8 =	vadd.f32 $0.0e+00, v8;
	v32 =	vld [tilespmem:s3+$0x14880]  }
0xc2: {  	v7 =	vmul.f32 v7, v12;
	v0 =	vadd.f32 v55, v0;
	v44 =	vld [tilespmem:s3+$0x17080]  }
0xc3: {  	v30 =	vmul.f32 v59, v57;
	v4 =	vadd.f32 v4, v8;
	v18 =	vadd.f32 v31, v29;
	v48 =	vld [tilespmem:s3+$0x14890]  }
0xc4: {  	v31 =	vmul.f32 v21, v23;
	v21 =	vmul.f32 v39, v33;
	v0 =	vadd.f32 v60, v0;
	v50 =	vld [tilespmem:s3+$0x17090]  }
0xc5: {  	v47 =	vmul.f32 v46, v58;
	v55 =	vld [tilespmem:s3+$0x148A0];
	v2 =	vmul.f32 v2, v3;
	v3 =	vadd.f32 v61, v4  }
0xc6: {  	v29 =	vadd.f32 v30, v56;
	v30 =	vmul.f32 v63, v62;
	v0 =	vadd.f32 v21, v0;
	v58 =	vld [tilespmem:s3+$0x170A0]  }
0xc7: {  	v16 =	vmul.f32 v25, v16;
	v9 =	vmul.f32 v26, v9;
	v60 =	vld [tilespmem:s3+$0x148B0];
	v3 =	vadd.f32 v31, v3  }
0xc8: {  	v33 =	vmul.f32 v34, v24;
	v23 =	vadd.f32 v30, v29;
	v0 =	vadd.f32 v19, v0;
	v63 =	vld [tilespmem:s3+$0x170B0]  }
0xc9: {  	v34 =	vld [tilespmem:s3+$0x148C0];
	v4 =	vmul.f32 v54, v53;
	v59 =	vmul.f32 v44, v32;
	v3 =	vadd.f32 v47, v3  }
0xca: {  	v57 =	vmul.f32 v38, v36;
	v62 =	vmul.f32 v37, v40;
	v36 =	vld [tilespmem:$0x1FFA0];
	v2 =	vadd.f32 $0.0e+00, v2  }
0xcb: {  	v37 =	vld [tilespmem:$0x1FFB0];
	v13 =	vmul.f32 v50, v48;
	v3 =	vadd.f32 v4, v3;
	v4 =	vadd.f32 $0.0e+00, v59  }
0xcc: {  	v56 =	vmul.f32 v20, v22;
	v39 =	vld [tilespmem:s3+$0x170C0];
	v61 =	vadd.f32 $0.0e+00, v57;
	v2 =	vadd.f32 v7, v2  }
0xcd: {  	v38 =	vmul.f32 v45, v42;
	v42 =	vld [tilespmem:s3+$0x148D0];
	v40 =	vmul.f32 v58, v55;
	v4 =	vadd.f32 v13, v4  }
0xce: {  	v1 =	vmul.f32 v1, v41;
	v45 =	vld [tilespmem:s3+$0x170D0];
	v7 =	vadd.f32 v62, v61;
	v2 =	vadd.f32 v49, v2  }
0xcf: {  	v46 =	vld [tilespmem:s3+$0x148E0];
	v6 =	vmul.f32 v6, v43;
	v8 =	vmul.f32 v63, v60;
	v4 =	vadd.f32 v40, v4  }
0xd0: {  	v22 =	vmul.f32 v52, v51;
	v47 =	vld [tilespmem:s3+$0x170E0];
	v7 =	vadd.f32 v38, v7;
	v2 =	vadd.f32 v56, v2  }
0xd1: {  	v29 =	vmul.f32 v37, v36;
	v48 =	vmul.f32 v39, v34;
	v50 =	vld [tilespmem:s3+$0x170F0];
	v4 =	vadd.f32 v8, v4  }
0xd2: {  	(xrf2) =	vadd.scan.msk.f32 $0xffff, v28;
	v44 =	vmul.f32 v35, v27;
	v49 =	vld [tilespmem:s3+$0x148F0];
	v1 =	vadd.f32 v1, v7;
	v2 =	vadd.f32 v33, v2  }
0xd3: {  	(xrf2) =	vadd.scan.msk.f32 $0xffff, v18;
	v15 =	vld [tilespmem:s2+$0x170F0];
	v54 =	vmul.f32 v45, v42;
	v3 =	vadd.f32 v29, v3;
	v4 =	vadd.f32 v48, v4  }
0xd4: {  	(xrf2) =	vadd.scan.msk.f32 $0xffff, v23;
	v53 =	vmul.f32 v17, v10;
	v1 =	vadd.f32 v6, v1;
	v2 =	vadd.f32 v44, v2  }
0xd5: {  	(xrf2) =	vadd.scan.msk.f32 $0xffff, v0;
	v55 =	vmul.f32 v47, v46;
	v0 =	vadd.f32 v22, v3;
	v3 =	vadd.f32 v54, v4  }
0xd6: {  	v5 =	vmul.f32 v5, v11;
	v1 =	vadd.f32 v53, v1;
	v2 =	vadd.f32 v16, v2  }
0xd7: {  	(xrf2) =	vadd.scan.msk.f32 $0xffff, v0;
	v0 =	vadd.f32 v55, v3;
	v3 =	vmul.f32 v50, v49  }
0xd8: {  	v57 =	vmul.f32 v15, v14;
	v1 =	vadd.f32 v5, v1;
	v2 =	vadd.f32 v9, v2  }
0xd9: {  	v0 =	vadd.f32 v3, v0  }
0xda: {  	v1 =	vadd.f32 v57, v1;
	(xrf2) =	vadd.scan.msk.f32 $0xffff, v2;
	_ =	sdelay $0x1  }
0xdb: {  	(xrf2) =	vadd.scan.msk.f32 $0xffff, v1  }
0xdc: {  	v61 =	vld [tilespmem:$0x1FFE0];
	(xrf2) =	vadd.scan.msk.f32 $0xffff, v0;
	v0, _, _ =	vpop (xrf2)  }
0xdd: {  	v2, _, _ =	vpop (xrf2)  }
0xde: {  	v56 =	vlaneseq.u32;
	v1 =	vmov s8;
	v3 =	vmov s10;
	v59, _, _ =	vpop (xrf2)  }
0xdf: {  	vm9 =	veq.s32 v3, v56;
	v0 =	vbroadcast v0, $0xF;
	v3 =	vbroadcast v59, $0xF  }
0xe0: {  	vm0 =	veq.s32 v1, v56;
	v1 =	vbroadcast v2, $0xF  }
0xe1: {  	v58 =	vmov s11;
	v2, _, _ =	vpop (xrf2);
	v0 =	vsel vm0, v0, v61  }
0xe2: {  	vm10 =	veq.s32 v58, v56;
	v0 =	vsel vm9, v1, v0;
	v1 =	vbroadcast v2, $0xF;
	v2, _, _ =	vpop (xrf2)  }
0xe3: {  	v60 =	vmov s12;
	v0 =	vsel vm10, v3, v0;
	v3, _, _ =	vpop (xrf2)  }
0xe4: {  	vm11 =	veq.s32 v60, v56;
	v3 =	vbroadcast v3, $0xF  }
0xe5: {  	v62 =	vmov s14;
	v0 =	vsel vm11, v1, v0;
	v1 =	vbroadcast v2, $0xF  }
0xe6: {  	p2 =	por p1, p1;
	vm12 =	veq.s32 v62, v56;
	v2 =	vmov s9  }
.Ltmp0:
0xe7: {  	vm13 =	veq.s32 v2, v56;
	v63, _, _ =	vpop (xrf2);
	v0 =	vsel vm12, v1, v0;
	(pc) =	sbr.rel @p2 .LBB2_5-.Ltmp0, $4  }
0xe8: {  	v1 =	vmov s25;
	v2 =	vbroadcast v63, $0xF;
	v0 =	vsel vm13, v3, v0;
	v3, _, _ =	vpop (xrf2)  }
0xe9: {  	vm14 =	veq.s32 v1, v56;
	v1 =	vmov s1;
	v3 =	vbroadcast v3, $0xF  }
0xea: {  	vm15 =	veq.s32 v1, v56;
	v0 =	vsel vm14, v2, v0  }
0xeb: {  	p1 =	por $0x0, $0x0;
	s8 =	simm.s32 $0x8;
	v0 =	vsel vm15, v3, v0  }
0xec: {  	v0 =	vsub.f32 $0.0e+00, v0;
	_ =	sdelay $0x1  }
0xed: {  	v0 =	vmul.f32 $1.442695020e+00, v0;
	_ =	sdelay $0x1  }
0xee: {  	(erf) = vpow2.f32 v0;
	_ =	sdelay $0x8  }
0xef: {  	v0 =	vpop (erf)  }
0xf0: {  	v0 =	vadd.f32 $1.000000000e+00, v0;
	_ =	sdelay $0x1  }
0xf1: {  	(erf) = vrcp.f32 v0;
	_ =	sdelay $0x1  }
0xf2: {  	v1 =	vld [tilespmem:$0x1FFF0];
	_ =	sdelay $0x1  }
0xf3: {  	s0 =	sadd.s32 $0x1, s0  }
0xf4: {  	p1 =	sne.s32 s0, $0x5  }
.Ltmp1:
0xf5: {  	_ = 	snop;
	(pc) =	sbr.rel @p1 .LBB2_4-.Ltmp1, $3  }
0xf6: {  	_ =	sdelay $0x1  }
0xf7: {  	v0 =	vpop (erf)  }
0xf8: {  	[tilespmem:v1+s6+$0x0 ss:$0x1] =	vst.idx.msk $0xffff, v0  }
0xf9: {  	s0 =	sadd.s32 $0x13920, s30  }
0xfa: {  	[tilespmem:s18], [sflag:$0x1] =	stream.indirect.gather [spmem:s4], $0x80, s0, s17, $0xb8;
	[tilespmem:$0x1F080] =	vst v63  }
0xfb: {  	s25 =	sadd.s32 $0x14120, s30  }
0xfc: {  	[tilespmem:s19], [sflag:$0x1] =	stream.indirect.gather [spmem:s4], $0x80, s25, s17, $0xb8;
	[tilespmem:$0x1F080] =	vst v63  }
0xfd: {  	_ =	swait.ge [sflag:s23], $0x2800  }
0xfe: {  	[sflag:s23] =	ssyncset.done $0x0  }
0xff: {  	[sflag:s23] =	ssyncadd.s32 $0xFFFFD800  }
0x100: {  	s31 =	sadd.s32 $0x1E880, s31;
	_ =	swait.ge [sflag:s23], $0x2800  }
0x101: {  	v0 =	vmov s31;
	[sflag:s23] =	ssyncset.done $0x0  }
0x102: {  	s30 =	simm.s32 $0x0;
	[tilespmem:$0x1FE70] =	vst v0;
	[sflag:s23] =	ssyncadd.s32 $0xFFFFD800  }
.LBB2_8:
0x103: {  	s0 =	sshll.u32 s30, $0x4;
	p1 =	por $0x1, $0x1;
	v0 =	vimm.f32 $0.0e+00;
	s6 =	simm.s32 $0x0  }
.LBB2_9:
0x104: {  	s1 =	sor.u32 s0, s6  }
0x105: {  	s1 =	sshll.u32 s1, $0x7  }
0x106: {  	[tilespmem:$0x1FE60] =	vst v0;
	v0 =	vld [tilespmem:s1+$0x19880]  }
0x107: {  	v9 =	vld [tilespmem:s1+$0x1C080]  }
0x108: {  	v13 =	vld [tilespmem:s1+$0x19890]  }
0x109: {  	v16 =	vld [tilespmem:s1+$0x1C090]  }
0x10a: {  	v22 =	vld [tilespmem:s1+$0x198A0]  }
0x10b: {  	v24 =	vld [tilespmem:s1+$0x1C0A0]  }
0x10c: {  	v25 =	vld [tilespmem:s1+$0x198B0]  }
0x10d: {  	v26 =	vld [tilespmem:s1+$0x1C0B0]  }
0x10e: {  	v27 =	vld [tilespmem:s1+$0x198C0]  }
0x10f: {  	v28 =	vld [tilespmem:s1+$0x1C0C0]  }
0x110: {  	v29 =	vld [tilespmem:s1+$0x198D0]  }
0x111: {  	v30 =	vld [tilespmem:s1+$0x1C0D0]  }
0x112: {  	s8 =	sor.u32 $0x1, s6;
	v58 =	vld [tilespmem:s1+$0x198E0]  }
0x113: {  	s2 =	sor.u32 s0, s8;
	v46 =	vld [tilespmem:s1+$0x1C0E0]  }
0x114: {  	v1 =	vld [tilespmem:s1+$0x198F0];
	s2 =	sshll.u32 s2, $0x7  }
0x115: {  	v33 =	vld [tilespmem:s2+$0x19880]  }
0x116: {  	v34 =	vld [tilespmem:s2+$0x1C080]  }
0x117: {  	v35 =	vld [tilespmem:s2+$0x19890]  }
0x118: {  	v36 =	vld [tilespmem:s2+$0x1C090]  }
0x119: {  	v37 =	vld [tilespmem:s2+$0x198A0]  }
0x11a: {  	v38 =	vld [tilespmem:s2+$0x1C0A0]  }
0x11b: {  	v39 =	vld [tilespmem:s2+$0x198B0]  }
0x11c: {  	v40 =	vld [tilespmem:s2+$0x1C0B0]  }
0x11d: {  	v41 =	vld [tilespmem:s2+$0x198C0]  }
0x11e: {  	s10 =	sor.u32 $0x2, s6;
	v42 =	vld [tilespmem:s2+$0x1C0C0]  }
0x11f: {  	s3 =	sor.u32 s0, s10;
	v43 =	vld [tilespmem:s2+$0x198D0]  }
0x120: {  	s9 =	sshll.u32 s3, $0x7;
	v44 =	vld [tilespmem:s2+$0x1C0D0]  }
0x121: {  	v47 =	vld [tilespmem:s9+$0x19880]  }
0x122: {  	v48 =	vld [tilespmem:s9+$0x1C080]  }
0x123: {  	v49 =	vld [tilespmem:s9+$0x19890]  }
0x124: {  	v50 =	vld [tilespmem:s9+$0x1C090]  }
0x125: {  	v51 =	vld [tilespmem:s9+$0x198A0]  }
0x126: {  	v52 =	vld [tilespmem:s9+$0x1C0A0]  }
0x127: {  	v53 =	vld [tilespmem:s9+$0x198B0]  }
0x128: {  	s11 =	sor.u32 $0x3, s6;
	v54 =	vld [tilespmem:s9+$0x1C0B0]  }
0x129: {  	s12 =	sor.u32 s0, s11;
	v55 =	vld [tilespmem:s9+$0x198C0]  }
0x12a: {  	s14 =	sshll.u32 s12, $0x7;
	v56 =	vld [tilespmem:s9+$0x1C0C0]  }
0x12b: {  	v59 =	vld [tilespmem:s14+$0x19880]  }
0x12c: {  	v60 =	vld [tilespmem:s14+$0x1C080]  }
0x12d: {  	v61 =	vld [tilespmem:s14+$0x19890]  }
0x12e: {  	v62 =	vld [tilespmem:s14+$0x1C090]  }
0x12f: {  	[tilespmem:$0x1FD00] =	vst v1;
	v1 =	vld [tilespmem:s1+$0x1C0F0]  }
0x130: {  	v2 =	vld [tilespmem:s14+$0x198E0]  }
0x131: {  	v63 =	vld [tilespmem:s14+$0x198A0];
	v0 =	vmul.f32 v9, v0  }
0x132: {  	v7 =	vld [tilespmem:s14+$0x198B0]  }
0x133: {  	v6 =	vld [tilespmem:s14+$0x1C0B0];
	v13 =	vmul.f32 v16, v13;
	v0 =	vadd.f32 $0.0e+00, v0  }
0x134: {  	[tilespmem:$0x1FD10] =	vst v1;
	v1 =	vld [tilespmem:s2+$0x198E0]  }
0x135: {  	[tilespmem:$0x1FDC0] =	vst v2;
	v2 =	vld [tilespmem:s14+$0x1C0E0];
	v0 =	vadd.f32 v13, v0;
	v13 =	vmul.f32 v24, v22  }
0x136: {  	v18 =	vld [tilespmem:s14+$0x198C0];
	v22 =	vmul.f32 v34, v33  }
0x137: {  	v32 =	vld [tilespmem:s14+$0x198D0];
	v0 =	vadd.f32 v13, v0;
	v13 =	vmul.f32 v26, v25  }
0x138: {  	v31 =	vld [tilespmem:s14+$0x1C0D0];
	v36 =	vmul.f32 v36, v35;
	v22 =	vadd.f32 $0.0e+00, v22  }
0x139: {  	v37 =	vmul.f32 v38, v37;
	v0 =	vadd.f32 v13, v0;
	v13 =	vmul.f32 v28, v27;
	[tilespmem:$0x1FD20] =	vst v1;
	v1 =	vld [tilespmem:s2+$0x1C0E0]  }
0x13a: {  	[tilespmem:$0x1FDD0] =	vst v2;
	v2 =	vld [tilespmem:s14+$0x198F0];
	v36 =	vadd.f32 v36, v22;
	v28 =	vmul.f32 v40, v39;
	v40 =	vmul.f32 v48, v47  }
0x13b: {  	v48 =	vmul.f32 v50, v49;
	v49 =	vmul.f32 v60, v59;
	v59 =	vld [tilespmem:$0x1FD00]  }
0x13c: {  	v29 =	vmul.f32 v30, v29;
	v60 =	vld [tilespmem:$0x1FD10];
	v27 =	vadd.f32 v37, v36;
	v30 =	vadd.f32 $0.0e+00, v40  }
0x13d: {  	v17 =	vld [tilespmem:s14+$0x1C0C0];
	v46 =	vmul.f32 v46, v58;
	v58 =	vmul.f32 v52, v51  }
0x13e: {  	v47 =	vmul.f32 v42, v41;
	v27 =	vadd.f32 v28, v27;
	v30 =	vadd.f32 v48, v30;
	[tilespmem:$0x1FD30] =	vst v1;
	v1 =	vld [tilespmem:s2+$0x198F0]  }
0x13f: {  	v61 =	vmul.f32 v62, v61;
	v62 =	vmul.f32 v54, v53;
	[tilespmem:$0x1FDE0] =	vst v2;
	v2 =	vld [tilespmem:s14+$0x1C0F0]  }
0x140: {  	v50 =	vmul.f32 v44, v43;
	v48 =	vld [tilespmem:$0x1FD20];
	v27 =	vadd.f32 v47, v27;
	v30 =	vadd.f32 v58, v30  }
0x141: {  	v28 =	vadd.f32 $0.0e+00, v49;
	v42 =	vmul.f32 v60, v59;
	v60 =	vmul.f32 v31, v32;
	v32 =	vld [tilespmem:$0x1FDC0]  }
0x142: {  	s12 =	sor.u32 $0x4, s6;
	v27 =	vadd.f32 v50, v27;
	v49 =	vld [tilespmem:$0x1FD30];
	v30 =	vadd.f32 v62, v30;
	v50 =	vmul.f32 v56, v55  }
0x143: {  	s25 =	sor.u32 s0, s12;
	[tilespmem:$0x1FD40] =	vst v1;
	v1 =	vld [tilespmem:s2+$0x1C0F0]  }
0x144: {  	v30 =	vadd.f32 v50, v30;
	v50 =	vld [tilespmem:$0x1FDE0];
	s2 =	sshll.u32 s25, $0x7  }
0x145: {  	v8 =	vld [tilespmem:s2+$0x19880]  }
0x146: {  	v10 =	vld [tilespmem:s2+$0x1C080]  }
0x147: {  	[tilespmem:$0x1FDF0] =	vst v2;
	v2 =	vld [tilespmem:s2+$0x198D0]  }
0x148: {  	[tilespmem:$0x1FD50] =	vst v1;
	v1 =	vld [tilespmem:s9+$0x198D0]  }
0x149: {  	v5 =	vld [tilespmem:s2+$0x19890]  }
0x14a: {  	v4 =	vld [tilespmem:s2+$0x1C090]  }
0x14b: {  	v15 =	vld [tilespmem:s2+$0x198A0]  }
0x14c: {  	[tilespmem:$0x1FE00] =	vst v2;
	v2 =	vld [tilespmem:s2+$0x1C0D0]  }
0x14d: {  	[tilespmem:$0x1FD60] =	vst v1;
	v1 =	vld [tilespmem:s9+$0x1C0D0]  }
0x14e: {  	v14 =	vld [tilespmem:s2+$0x1C0A0]  }
0x14f: {  	v23 =	vld [tilespmem:s2+$0x198B0]  }
0x150: {  	v21 =	vld [tilespmem:s2+$0x1C0B0]  }
0x151: {  	[tilespmem:$0x1FE10] =	vst v2;
	v2 =	vld [tilespmem:s2+$0x198E0]  }
0x152: {  	[tilespmem:$0x1FD70] =	vst v1;
	v1 =	vld [tilespmem:s9+$0x198E0]  }
0x153: {  	v57 =	vld [tilespmem:s2+$0x198C0]  }
0x154: {  	v45 =	vld [tilespmem:s2+$0x1C0C0]  }
0x155: {  	v53 =	vld [tilespmem:$0x1FD60]  }
0x156: {  	[tilespmem:$0x1FE20] =	vst v2;
	v2 =	vld [tilespmem:s2+$0x1C0E0]  }
0x157: {  	[tilespmem:$0x1FD80] =	vst v1;
	v1 =	vld [tilespmem:s9+$0x1C0E0]  }
0x158: {  	v54 =	vld [tilespmem:$0x1FD70]  }
0x159: {  	v51 =	vld [tilespmem:$0x1FD40]  }
0x15a: {  	v52 =	vld [tilespmem:$0x1FD50]  }
0x15b: {  	v38 =	vadd.f32 v13, v0;
	[tilespmem:$0x1FE30] =	vst v2;
	v2 =	vld [tilespmem:s2+$0x198F0]  }
0x15c: {  	[tilespmem:$0x1FD90] =	vst v1;
	v1 =	vld [tilespmem:s9+$0x198F0]  }
0x15d: {  	v29 =	vadd.f32 v29, v38;
	v38 =	vmul.f32 v54, v53;
	v58 =	vld [tilespmem:$0x1FD80]  }
0x15e: {  	v53 =	vld [tilespmem:$0x1FE10]  }
0x15f: {  	v56 =	vadd.f32 v38, v30;
	v38 =	vld [tilespmem:$0x1FDD0]  }
0x160: {  	[tilespmem:$0x1FE40] =	vst v2;
	v2 =	vld [tilespmem:s2+$0x1C0F0]  }
0x161: {  	[tilespmem:$0x1FDA0] =	vst v1;
	v1 =	vld [tilespmem:s9+$0x1C0F0];
	s9 =	sor.u32 $0x5, s6  }
0x162: {  	v59 =	vld [tilespmem:$0x1FD90];
	s31 =	sor.u32 s0, s9  }
0x163: {  	v62 =	vld [tilespmem:$0x1FDA0];
	s1 =	sshll.u32 s31, $0x7  }
0x164: {  	v3 =	vld [tilespmem:s1+$0x19880]  }
0x165: {  	[tilespmem:$0x1FE50] =	vst v2;
	v2 =	vld [tilespmem:s1+$0x1C080]  }
0x166: {  	v12 =	vld [tilespmem:s1+$0x19890]  }
0x167: {  	v11 =	vld [tilespmem:s1+$0x1C090]  }
0x168: {  	v19 =	vld [tilespmem:s1+$0x198A0]  }
0x169: {  	v9 =	vld [tilespmem:s1+$0x1C0A0]  }
0x16a: {  	v20 =	vld [tilespmem:s1+$0x198B0]  }
0x16b: {  	v16 =	vld [tilespmem:s1+$0x1C0B0]  }
0x16c: {  	v24 =	vld [tilespmem:s1+$0x198C0]  }
0x16d: {  	v33 =	vld [tilespmem:s1+$0x1C0C0]  }
0x16e: {  	v26 =	vld [tilespmem:s1+$0x198D0]  }
0x16f: {  	v35 =	vld [tilespmem:s1+$0x1C0D0]  }
0x170: {  	v25 =	vld [tilespmem:s1+$0x198E0]  }
0x171: {  	v22 =	vld [tilespmem:s1+$0x1C0E0]  }
0x172: {  	[tilespmem:$0x1FDB0] =	vst v1;
	v1 =	vld [tilespmem:s14+$0x1C0A0];
	s14 =	sor.u32 $0x6, s6  }
0x173: {  	v0 =	vld [tilespmem:s1+$0x198F0];
	s3 =	sor.u32 s0, s14  }
0x174: {  	v13 =	vld [tilespmem:s1+$0x1C0F0];
	s2 =	sshll.u32 s3, $0x7  }
0x175: {  	v34 =	vld [tilespmem:s2+$0x19880]  }
0x176: {  	v37 =	vld [tilespmem:s2+$0x1C080]  }
0x177: {  	v39 =	vld [tilespmem:s2+$0x19890]  }
0x178: {  	v36 =	vld [tilespmem:s2+$0x1C090]  }
0x179: {  	v41 =	vld [tilespmem:s2+$0x198A0]  }
0x17a: {  	v44 =	vld [tilespmem:s2+$0x1C0A0]  }
0x17b: {  	v29 =	vadd.f32 v46, v29;
	v40 =	vld [tilespmem:s2+$0x198B0]  }
0x17c: {  	v43 =	vld [tilespmem:s2+$0x1C0B0]  }
0x17d: {  	v29 =	vadd.f32 v42, v29;
	v42 =	vld [tilespmem:s2+$0x198C0]  }
0x17e: {  	v6 =	vmul.f32 v6, v7;
	v7 =	vld [tilespmem:s2+$0x1C0C0]  }
0x17f: {  	v8 =	vmul.f32 v10, v8;
	v10 =	vld [tilespmem:s2+$0x198D0]  }
0x180: {  	v55 =	vmul.f32 v17, v18;
	v17 =	vld [tilespmem:s2+$0x1C0D0]  }
0x181: {  	s25 =	sor.u32 $0x7, s6;
	v4 =	vmul.f32 v4, v5;
	v5 =	vld [tilespmem:s2+$0x198E0]  }
0x182: {  	v28 =	vadd.f32 v61, v28;
	v61 =	vmul.f32 v14, v15;
	v8 =	vadd.f32 $0.0e+00, v8;
	s3 =	sor.u32 s0, s25;
	v14 =	vld [tilespmem:s2+$0x198F0]  }
0x183: {  	v46 =	vmul.f32 v49, v48;
	v15 =	vld [tilespmem:s2+$0x1C0F0];
	s31 =	sshll.u32 s3, $0x7  }
0x184: {  	v4 =	vadd.f32 v4, v8;
	v31 =	vld [tilespmem:s31+$0x19880]  }
0x185: {  	v27 =	vadd.f32 v46, v27;
	v47 =	vmul.f32 v45, v57;
	v46 =	vld [tilespmem:s31+$0x1C080]  }
0x186: {  	v30 =	vmul.f32 v21, v23;
	v2 =	vmul.f32 v2, v3;
	v3 =	vadd.f32 v61, v4;
	v48 =	vld [tilespmem:s31+$0x19890]  }
0x187: {  	v21 =	vmul.f32 v38, v32;
	v49 =	vld [tilespmem:s31+$0x1C090];
	v1 =	vmul.f32 v1, v63  }
0x188: {  	v11 =	vmul.f32 v11, v12;
	v9 =	vmul.f32 v9, v19;
	v54 =	vld [tilespmem:s31+$0x198A0];
	v3 =	vadd.f32 v30, v3  }
0x189: {  	v0 =	vmul.f32 v13, v0;
	v57 =	vld [tilespmem:s31+$0x1C0A0];
	v1 =	vadd.f32 v1, v28;
	v28 =	vmul.f32 v52, v51  }
0x18a: {  	v63 =	vld [tilespmem:$0x1FDB0];
	v3 =	vadd.f32 v47, v3;
	v47 =	vmul.f32 v22, v25;
	v61 =	vmul.f32 v36, v39  }
0x18b: {  	v32 =	vld [tilespmem:s31+$0x198C0];
	v36 =	vmul.f32 v44, v41;
	v41 =	vmul.f32 v35, v26  }
0x18c: {  	v52 =	vld [tilespmem:$0x1FE00];
	v1 =	vadd.f32 v6, v1;
	v18 =	vadd.f32 v28, v27;
	v28 =	vmul.f32 v59, v58  }
0x18d: {  	v2 =	vadd.f32 $0.0e+00, v2;
	v51 =	vld [tilespmem:$0x1FDF0];
	v43 =	vmul.f32 v43, v40;
	v7 =	vmul.f32 v7, v42  }
0x18e: {  	v6 =	vld [tilespmem:s2+$0x1C0E0];
	v1 =	vadd.f32 v55, v1;
	v27 =	vadd.f32 v28, v56;
	v56 =	vmul.f32 v37, v34  }
0x18f: {  	v2 =	vadd.f32 v11, v2;
	v58 =	vmul.f32 v46, v31;
	v59 =	vld [tilespmem:s31+$0x198B0];
	v28 =	vmul.f32 v63, v62  }
0x190: {  	v55 =	vmul.f32 v16, v20;
	v62 =	vld [tilespmem:s31+$0x1C0B0];
	v1 =	vadd.f32 v60, v1;
	v60 =	vadd.f32 $0.0e+00, v56  }
0x191: {  	v2 =	vadd.f32 v9, v2;
	v63 =	vmul.f32 v33, v24;
	v33 =	vld [tilespmem:$0x1FE20];
	v4 =	vmul.f32 v53, v52  }
0x192: {  	v11 =	vmul.f32 v49, v48;
	v34 =	vld [tilespmem:$0x1FE30];
	v23 =	vadd.f32 v28, v27;
	v9 =	vadd.f32 v61, v60  }
0x193: {  	v19 =	vmul.f32 v51, v50;
	v51 =	vld [tilespmem:$0x1FE40];
	v2 =	vadd.f32 v55, v2;
	v3 =	vadd.f32 v4, v3  }
0x194: {  	v38 =	vmul.f32 v57, v54;
	v52 =	vld [tilespmem:$0x1FE50];
	v4 =	vadd.f32 $0.0e+00, v58;
	v9 =	vadd.f32 v36, v9  }
0x195: {  	v37 =	vld [tilespmem:s31+$0x1C0C0];
	v53 =	vmul.f32 v17, v10;
	v1 =	vadd.f32 v21, v1;
	v2 =	vadd.f32 v63, v2  }
0x196: {  	v39 =	vld [tilespmem:s31+$0x198D0];
	v5 =	vmul.f32 v6, v5;
	v4 =	vadd.f32 v11, v4;
	v9 =	vadd.f32 v43, v9  }
0x197: {  	v44 =	vld [tilespmem:s31+$0x1C0D0];
	v27 =	vmul.f32 v34, v33;
	v1 =	vadd.f32 v19, v1;
	v2 =	vadd.f32 v41, v2  }
0x198: {  	(xrf2) =	vadd.scan.msk.f32 $0xffff, v29;
	v45 =	vld [tilespmem:s31+$0x198E0];
	v8 =	vmul.f32 v62, v59;
	v4 =	vadd.f32 v38, v4;
	v7 =	vadd.f32 v7, v9  }
0x199: {  	v46 =	vld [tilespmem:s31+$0x1C0E0];
	(xrf2) =	vadd.scan.msk.f32 $0xffff, v18;
	v24 =	vmul.f32 v52, v51;
	v3 =	vadd.f32 v27, v3;
	v2 =	vadd.f32 v47, v2  }
0x19a: {  	v49 =	vld [tilespmem:s31+$0x198F0];
	(xrf2) =	vadd.scan.msk.f32 $0xffff, v23;
	v48 =	vmul.f32 v37, v32;
	v4 =	vadd.f32 v8, v4;
	v7 =	vadd.f32 v53, v7  }
0x19b: {  	v57 =	vmul.f32 v15, v14;
	v50 =	vld [tilespmem:s31+$0x1C0F0];
	(xrf2) =	vadd.scan.msk.f32 $0xffff, v1;
	v1 =	vadd.f32 v24, v3;
	v0 =	vadd.f32 v0, v2  }
0x19c: {  	v54 =	vmul.f32 v44, v39;
	v4 =	vadd.f32 v48, v4;
	v2 =	vadd.f32 v5, v7  }
0x19d: {  	(xrf2) =	vadd.scan.msk.f32 $0xffff, v1  }
0x19e: {  	v55 =	vmul.f32 v46, v45;
	(xrf2) =	vadd.scan.msk.f32 $0xffff, v0;
	v3 =	vadd.f32 v54, v4;
	v0 =	vadd.f32 v57, v2;
	_ =	sdelay $0x1  }
0x19f: {  	v1 =	vadd.f32 v55, v3;
	v3 =	vmul.f32 v50, v49;
	_ =	sdelay $0x1  }
0x1a0: {  	v61 =	vld [tilespmem:$0x1FE60];
	v1 =	vadd.f32 v3, v1;
	(xrf2) =	vadd.scan.msk.f32 $0xffff, v0;
	v0, _, _ =	vpop (xrf2)  }
0x1a1: {  	v56 =	vlaneseq.u32;
	v3 =	vmov s8;
	v2, _, _ =	vpop (xrf2)  }
0x1a2: {  	vm9 =	veq.s32 v3, v56;
	(xrf2) =	vadd.scan.msk.f32 $0xffff, v1;
	v59, _, _ =	vpop (xrf2)  }
0x1a3: {  	v1 =	vmov s6;
	v0 =	vbroadcast v0, $0xF;
	v3 =	vbroadcast v59, $0xF  }
0x1a4: {  	vm0 =	veq.s32 v1, v56;
	v1 =	vbroadcast v2, $0xF  }
0x1a5: {  	v58 =	vmov s10;
	v2, _, _ =	vpop (xrf2);
	v0 =	vsel vm0, v0, v61  }
0x1a6: {  	vm10 =	veq.s32 v58, v56;
	v0 =	vsel vm9, v1, v0;
	v1 =	vbroadcast v2, $0xF;
	v2, _, _ =	vpop (xrf2)  }
0x1a7: {  	v60 =	vmov s11;
	v0 =	vsel vm10, v3, v0;
	v3, _, _ =	vpop (xrf2)  }
0x1a8: {  	vm11 =	veq.s32 v60, v56;
	v3 =	vbroadcast v3, $0xF  }
0x1a9: {  	v62 =	vmov s12;
	v0 =	vsel vm11, v1, v0;
	v1 =	vbroadcast v2, $0xF  }
0x1aa: {  	p2 =	por p1, p1;
	vm12 =	veq.s32 v62, v56;
	v2 =	vmov s9  }
.Ltmp2:
0x1ab: {  	vm13 =	veq.s32 v2, v56;
	v63, _, _ =	vpop (xrf2);
	v0 =	vsel vm12, v1, v0;
	(pc) =	sbr.rel @p2 .LBB2_9-.Ltmp2, $4  }
0x1ac: {  	v1 =	vmov s14;
	v2 =	vbroadcast v63, $0xF;
	v0 =	vsel vm13, v3, v0;
	v3, _, _ =	vpop (xrf2)  }
0x1ad: {  	vm14 =	veq.s32 v1, v56;
	v1 =	vmov s25;
	v3 =	vbroadcast v3, $0xF  }
0x1ae: {  	vm15 =	veq.s32 v1, v56;
	v0 =	vsel vm14, v2, v0  }
0x1af: {  	p1 =	por $0x0, $0x0;
	s6 =	simm.s32 $0x8;
	v0 =	vsel vm15, v3, v0  }
0x1b0: {  	v0 =	vsub.f32 $0.0e+00, v0;
	_ =	sdelay $0x1  }
0x1b1: {  	v0 =	vmul.f32 $1.442695020e+00, v0;
	_ =	sdelay $0x1  }
0x1b2: {  	(erf) = vpow2.f32 v0;
	_ =	sdelay $0x8  }
0x1b3: {  	v0 =	vpop (erf)  }
0x1b4: {  	v0 =	vadd.f32 $1.000000000e+00, v0;
	_ =	sdelay $0x1  }
0x1b5: {  	(erf) = vrcp.f32 v0;
	_ =	sdelay $0x1  }
0x1b6: {  	v1 =	vld [tilespmem:$0x1FE70];
	_ =	sdelay $0x1  }
0x1b7: {  	s30 =	sadd.s32 $0x1, s30  }
0x1b8: {  	p1 =	sne.s32 s30, $0x5  }
.Ltmp3:
0x1b9: {  	_ = 	snop;
	(pc) =	sbr.rel @p1 .LBB2_8-.Ltmp3, $3  }
0x1ba: {  	_ =	sdelay $0x1  }
0x1bb: {  	v0 =	vpop (erf)  }
0x1bc: {  	[tilespmem:v1+s0+$0x0 ss:$0x1] =	vst.idx.msk $0xffff, v0  }
0x1bd: {  	s29 =	sadd.s32 $0x1, s29  }
0x1be: {  	p1 =	sne.s32 s29, $0xC  }
.Ltmp4:
0x1bf: {  	_ = 	snop;
	(pc) =	sbr.rel @p1 .LBB2_3-.Ltmp4, $1  }
0x1c0: {  	_ =	sdelay $0x3  }
0x1c1: {  	_ =	swait.ge [sflag:s22], $0x2800  }
0x1c2: {  	[sflag:s22] =	ssyncset.done $0x0  }
0x1c3: {  	[sflag:s22] =	ssyncadd.s32 $0xFFFFD800  }
0x1c4: {  	_ =	swait.ge [sflag:s22], $0x2800  }
0x1c5: {  	[sflag:s22] =	ssyncset.done $0x0  }
0x1c6: {  	s0 =	simm.s32 $0x0;
	[sflag:s22] =	ssyncadd.s32 $0xFFFFD800  }
.LBB2_13:
0x1c7: {  	s6 =	sshll.u32 s0, $0x4;
	p1 =	por $0x1, $0x1;
	v0 =	vimm.f32 $0.0e+00;
	s8 =	simm.s32 $0x0  }
.LBB2_14:
0x1c8: {  	s1 =	sor.u32 s6, s8  }
0x1c9: {  	s1 =	sshll.u32 s1, $0x7  }
0x1ca: {  	[tilespmem:$0x1FCF0] =	vst v0;
	v0 =	vld [tilespmem:s1+$0x14880]  }
0x1cb: {  	v8 =	vld [tilespmem:s1+$0x17080]  }
0x1cc: {  	v12 =	vld [tilespmem:s1+$0x14890]  }
0x1cd: {  	v15 =	vld [tilespmem:s1+$0x17090]  }
0x1ce: {  	v21 =	vld [tilespmem:s1+$0x148A0]  }
0x1cf: {  	v23 =	vld [tilespmem:s1+$0x170A0]  }
0x1d0: {  	v24 =	vld [tilespmem:s1+$0x148B0]  }
0x1d1: {  	v25 =	vld [tilespmem:s1+$0x170B0]  }
0x1d2: {  	v26 =	vld [tilespmem:s1+$0x148C0]  }
0x1d3: {  	v27 =	vld [tilespmem:s1+$0x170C0]  }
0x1d4: {  	v28 =	vld [tilespmem:s1+$0x148D0]  }
0x1d5: {  	v29 =	vld [tilespmem:s1+$0x170D0]  }
0x1d6: {  	s10 =	sor.u32 $0x1, s8;
	v57 =	vld [tilespmem:s1+$0x148E0]  }
0x1d7: {  	s2 =	sor.u32 s6, s10;
	v45 =	vld [tilespmem:s1+$0x170E0]  }
0x1d8: {  	v1 =	vld [tilespmem:s1+$0x148F0];
	s25 =	sshll.u32 s2, $0x7  }
0x1d9: {  	v32 =	vld [tilespmem:s25+$0x14880]  }
0x1da: {  	v33 =	vld [tilespmem:s25+$0x17080]  }
0x1db: {  	v34 =	vld [tilespmem:s25+$0x14890]  }
0x1dc: {  	v35 =	vld [tilespmem:s25+$0x17090]  }
0x1dd: {  	v36 =	vld [tilespmem:s25+$0x148A0]  }
0x1de: {  	v37 =	vld [tilespmem:s25+$0x170A0]  }
0x1df: {  	v38 =	vld [tilespmem:s25+$0x148B0]  }
0x1e0: {  	v39 =	vld [tilespmem:s25+$0x170B0]  }
0x1e1: {  	[tilespmem:$0x1FB90] =	vst v1;
	v1 =	vld [tilespmem:s1+$0x170F0]  }
0x1e2: {  	v40 =	vld [tilespmem:s25+$0x148C0]  }
0x1e3: {  	v41 =	vld [tilespmem:s25+$0x170C0]  }
0x1e4: {  	s11 =	sor.u32 $0x2, s8;
	v42 =	vld [tilespmem:s25+$0x148D0]  }
0x1e5: {  	s29 =	sor.u32 s6, s11;
	v43 =	vld [tilespmem:s25+$0x170D0]  }
0x1e6: {  	s30 =	sshll.u32 s29, $0x7;
	[tilespmem:$0x1FBA0] =	vst v1;
	v1 =	vld [tilespmem:s25+$0x148E0]  }
0x1e7: {  	v46 =	vld [tilespmem:s30+$0x14880]  }
0x1e8: {  	v47 =	vld [tilespmem:s30+$0x17080]  }
0x1e9: {  	v48 =	vld [tilespmem:s30+$0x14890]  }
0x1ea: {  	v49 =	vld [tilespmem:s30+$0x17090]  }
0x1eb: {  	[tilespmem:$0x1FBB0] =	vst v1;
	v1 =	vld [tilespmem:s25+$0x170E0]  }
0x1ec: {  	v50 =	vld [tilespmem:s30+$0x148A0]  }
0x1ed: {  	v51 =	vld [tilespmem:s30+$0x170A0]  }
0x1ee: {  	v52 =	vld [tilespmem:s30+$0x148B0]  }
0x1ef: {  	v53 =	vld [tilespmem:s30+$0x170B0]  }
0x1f0: {  	s12 =	sor.u32 $0x3, s8;
	[tilespmem:$0x1FBC0] =	vst v1;
	v1 =	vld [tilespmem:s25+$0x148F0]  }
0x1f1: {  	s31 =	sor.u32 s6, s12;
	v54 =	vld [tilespmem:s30+$0x148C0]  }
0x1f2: {  	s3 =	sshll.u32 s31, $0x7;
	v55 =	vld [tilespmem:s30+$0x170C0]  }
0x1f3: {  	v58 =	vld [tilespmem:s3+$0x14880]  }
0x1f4: {  	v59 =	vld [tilespmem:s3+$0x17080]  }
0x1f5: {  	[tilespmem:$0x1FBD0] =	vst v1;
	v1 =	vld [tilespmem:s25+$0x170F0]  }
0x1f6: {  	v60 =	vld [tilespmem:s3+$0x14890]  }
0x1f7: {  	v61 =	vld [tilespmem:s3+$0x17090]  }
0x1f8: {  	v62 =	vld [tilespmem:s3+$0x148A0]  }
0x1f9: {  	v63 =	vld [tilespmem:s3+$0x170A0]  }
0x1fa: {  	[tilespmem:$0x1FBE0] =	vst v1;
	v1 =	vld [tilespmem:s30+$0x148D0]  }
0x1fb: {  	v6 =	vld [tilespmem:s3+$0x148B0]  }
0x1fc: {  	v5 =	vld [tilespmem:s3+$0x170B0]  }
0x1fd: {  	v17 =	vld [tilespmem:s3+$0x148C0]  }
0x1fe: {  	v16 =	vld [tilespmem:s3+$0x170C0]  }
0x1ff: {  	s14 =	sor.u32 $0x4, s8;
	[tilespmem:$0x1FBF0] =	vst v1;
	v1 =	vld [tilespmem:s30+$0x170D0]  }
0x200: {  	s9 =	sor.u32 s6, s14;
	v31 =	vld [tilespmem:s3+$0x148D0]  }
0x201: {  	s2 =	sshll.u32 s9, $0x7;
	v30 =	vld [tilespmem:s3+$0x170D0];
	v0 =	vmul.f32 v8, v0  }
0x202: {  	v7 =	vld [tilespmem:s2+$0x14880]  }
0x203: {  	v9 =	vld [tilespmem:s2+$0x17080];
	v12 =	vmul.f32 v15, v12;
	v0 =	vadd.f32 $0.0e+00, v0  }
0x204: {  	[tilespmem:$0x1FC00] =	vst v1;
	v1 =	vld [tilespmem:s30+$0x148E0]  }
0x205: {  	v4 =	vld [tilespmem:s2+$0x14890];
	v0 =	vadd.f32 v12, v0;
	v12 =	vmul.f32 v23, v21;
	v21 =	vmul.f32 v33, v32  }
0x206: {  	v3 =	vld [tilespmem:s2+$0x17090]  }
0x207: {  	v14 =	vld [tilespmem:s2+$0x148A0];
	v33 =	vmul.f32 v35, v34;
	v21 =	vadd.f32 $0.0e+00, v21  }
0x208: {  	v13 =	vld [tilespmem:s2+$0x170A0]  }
0x209: {  	v36 =	vmul.f32 v37, v36;
	v35 =	vmul.f32 v27, v26;
	v26 =	vadd.f32 v33, v21;
	[tilespmem:$0x1FC10] =	vst v1;
	v1 =	vld [tilespmem:s30+$0x170E0]  }
0x20a: {  	v22 =	vld [tilespmem:s2+$0x148B0]  }
0x20b: {  	v20 =	vld [tilespmem:s2+$0x170B0];
	v39 =	vmul.f32 v39, v38;
	v26 =	vadd.f32 v36, v26  }
0x20c: {  	v56 =	vld [tilespmem:s2+$0x148C0];
	v28 =	vmul.f32 v29, v28  }
0x20d: {  	v44 =	vld [tilespmem:s2+$0x170C0];
	v29 =	vmul.f32 v47, v46;
	v46 =	vmul.f32 v41, v40;
	v26 =	vadd.f32 v39, v26  }
0x20e: {  	v47 =	vmul.f32 v49, v48;
	[tilespmem:$0x1FC20] =	vst v1;
	v1 =	vld [tilespmem:s30+$0x148F0]  }
0x20f: {  	v48 =	vmul.f32 v59, v58;
	v49 =	vmul.f32 v43, v42;
	v58 =	vld [tilespmem:$0x1FB90];
	v26 =	vadd.f32 v46, v26  }
0x210: {  	v59 =	vld [tilespmem:$0x1FBA0]  }
0x211: {  	v26 =	vadd.f32 v49, v26;
	v49 =	vld [tilespmem:$0x1FBB0]  }
0x212: {  	s9 =	sor.u32 $0x5, s8;
	v45 =	vmul.f32 v45, v57;
	v57 =	vmul.f32 v51, v50;
	v50 =	vld [tilespmem:$0x1FBC0]  }
0x213: {  	s25 =	sor.u32 s6, s9;
	[tilespmem:$0x1FC30] =	vst v1;
	v1 =	vld [tilespmem:s30+$0x170F0]  }
0x214: {  	v27 =	vadd.f32 $0.0e+00, v48;
	v48 =	vmul.f32 v53, v52;
	s1 =	sshll.u32 s25, $0x7;
	v53 =	vld [tilespmem:$0x1FBD0]  }
0x215: {  	v2 =	vld [tilespmem:s1+$0x14880]  }
0x216: {  	v11 =	vld [tilespmem:s1+$0x14890]  }
0x217: {  	v10 =	vld [tilespmem:s1+$0x17090]  }
0x218: {  	[tilespmem:$0x1FC40] =	vst v1;
	v1 =	vld [tilespmem:s3+$0x148E0]  }
0x219: {  	v18 =	vld [tilespmem:s1+$0x148A0]  }
0x21a: {  	v8 =	vld [tilespmem:s1+$0x170A0]  }
0x21b: {  	v19 =	vld [tilespmem:s1+$0x148B0]  }
0x21c: {  	v15 =	vld [tilespmem:s1+$0x170B0]  }
0x21d: {  	[tilespmem:$0x1FC50] =	vst v1;
	v1 =	vld [tilespmem:s3+$0x170E0]  }
0x21e: {  	v23 =	vld [tilespmem:s1+$0x148C0]  }
0x21f: {  	v32 =	vld [tilespmem:s1+$0x170C0]  }
0x220: {  	v0 =	vadd.f32 v12, v0;
	v12 =	vmul.f32 v25, v24;
	v25 =	vld [tilespmem:s1+$0x148D0]  }
0x221: {  	v34 =	vld [tilespmem:s1+$0x170D0]  }
0x222: {  	[tilespmem:$0x1FC60] =	vst v1;
	v1 =	vld [tilespmem:s3+$0x148F0]  }
0x223: {  	v0 =	vadd.f32 v12, v0;
	v24 =	vld [tilespmem:s1+$0x148E0]  }
0x224: {  	v21 =	vld [tilespmem:s1+$0x170E0]  }
0x225: {  	v29 =	vadd.f32 $0.0e+00, v29;
	v37 =	vadd.f32 v35, v0;
	v0 =	vld [tilespmem:s1+$0x148F0]  }
0x226: {  	v12 =	vld [tilespmem:s1+$0x170F0]  }
0x227: {  	v29 =	vadd.f32 v47, v29;
	[tilespmem:$0x1FC70] =	vst v1;
	v1 =	vld [tilespmem:s3+$0x170F0]  }
0x228: {  	v52 =	vmul.f32 v55, v54;
	v55 =	vld [tilespmem:$0x1FBF0]  }
0x229: {  	v29 =	vadd.f32 v57, v29;
	v57 =	vld [tilespmem:$0x1FC00]  }
0x22a: {  	v54 =	vld [tilespmem:$0x1FBE0]  }
0x22b: {  	v29 =	vadd.f32 v48, v29;
	v41 =	vmul.f32 v59, v58;
	v59 =	vld [tilespmem:$0x1FC10]  }
0x22c: {  	v28 =	vadd.f32 v28, v37;
	[tilespmem:$0x1FC80] =	vst v1;
	v1 =	vld [tilespmem:s2+$0x148D0]  }
0x22d: {  	v61 =	vmul.f32 v61, v60;
	v51 =	vmul.f32 v63, v62;
	v29 =	vadd.f32 v52, v29;
	v60 =	vld [tilespmem:$0x1FC20]  }
0x22e: {  	v28 =	vadd.f32 v45, v28;
	v45 =	vmul.f32 v50, v49;
	v37 =	vmul.f32 v57, v55;
	v62 =	vld [tilespmem:$0x1FC30]  }
0x22f: {  	v63 =	vld [tilespmem:$0x1FC40]  }
0x230: {  	v26 =	vadd.f32 v45, v26;
	v42 =	vmul.f32 v54, v53;
	v58 =	vadd.f32 v37, v29;
	v37 =	vld [tilespmem:$0x1FC50]  }
0x231: {  	s30 =	sor.u32 $0x7, s8;
	[tilespmem:$0x1FC90] =	vst v1;
	v1 =	vld [tilespmem:s2+$0x170D0]  }
0x232: {  	v26 =	vadd.f32 v42, v26;
	v42 =	vld [tilespmem:$0x1FC60];
	s3 =	sor.u32 s6, s30  }
0x233: {  	s31 =	sshll.u32 s3, $0x7;
	v50 =	vld [tilespmem:$0x1FC70]  }
0x234: {  	v30 =	vmul.f32 v30, v31;
	v31 =	vld [tilespmem:s31+$0x14880]  }
0x235: {  	v45 =	vld [tilespmem:s31+$0x17080]  }
0x236: {  	[tilespmem:$0x1FCA0] =	vst v1;
	v1 =	vld [tilespmem:s2+$0x148E0]  }
0x237: {  	v48 =	vld [tilespmem:s31+$0x14890]  }
0x238: {  	v49 =	vld [tilespmem:s31+$0x17090]  }
0x239: {  	v27 =	vadd.f32 v61, v27;
	v54 =	vld [tilespmem:s31+$0x148A0]  }
0x23a: {  	v57 =	vld [tilespmem:s31+$0x170A0]  }
0x23b: {  	v5 =	vmul.f32 v5, v6;
	v27 =	vadd.f32 v51, v27;
	v29 =	vmul.f32 v60, v59;
	[tilespmem:$0x1FCB0] =	vst v1;
	v1 =	vld [tilespmem:s2+$0x170E0]  }
0x23c: {  	v59 =	vld [tilespmem:s31+$0x148B0]  }
0x23d: {  	v5 =	vadd.f32 v5, v27;
	v27 =	vadd.f32 v29, v58;
	v29 =	vmul.f32 v63, v62;
	v62 =	vld [tilespmem:s31+$0x170B0]  }
0x23e: {  	v63 =	vmul.f32 v32, v23;
	v32 =	vld [tilespmem:s31+$0x148C0]  }
0x23f: {  	v47 =	vmul.f32 v44, v56;
	v44 =	vld [tilespmem:s31+$0x170D0]  }
0x240: {  	[tilespmem:$0x1FCC0] =	vst v1;
	v1 =	vld [tilespmem:s2+$0x148F0]  }
0x241: {  	v51 =	vld [tilespmem:$0x1FC80]  }
0x242: {  	v58 =	vmul.f32 v45, v31;
	v45 =	vld [tilespmem:s31+$0x148E0]  }
0x243: {  	s25 =	sor.u32 $0x6, s8;
	v52 =	vld [tilespmem:$0x1FC90]  }
0x244: {  	s29 =	sor.u32 s6, s25;
	v53 =	vld [tilespmem:$0x1FCA0]  }
0x245: {  	[tilespmem:$0x1FCD0] =	vst v1;
	v1 =	vld [tilespmem:s2+$0x170F0];
	s2 =	sshll.u32 s29, $0x7  }
0x246: {  	v33 =	vld [tilespmem:s2+$0x14880]  }
0x247: {  	v36 =	vld [tilespmem:s2+$0x17080]  }
0x248: {  	v38 =	vld [tilespmem:s2+$0x14890]  }
0x249: {  	v35 =	vld [tilespmem:s2+$0x17090]  }
0x24a: {  	v7 =	vmul.f32 v9, v7;
	v40 =	vld [tilespmem:s2+$0x148A0]  }
0x24b: {  	v43 =	vld [tilespmem:s2+$0x170A0]  }
0x24c: {  	v3 =	vmul.f32 v3, v4;
	v7 =	vadd.f32 $0.0e+00, v7;
	[tilespmem:$0x1FCE0] =	vst v1;
	v1 =	vld [tilespmem:s1+$0x17080]  }
0x24d: {  	v16 =	vmul.f32 v16, v17;
	v39 =	vld [tilespmem:s2+$0x148B0]  }
0x24e: {  	v3 =	vadd.f32 v3, v7;
	v61 =	vmul.f32 v13, v14;
	v10 =	vmul.f32 v10, v11;
	v46 =	vld [tilespmem:s2+$0x170B0]  }
0x24f: {  	v28 =	vadd.f32 v41, v28;
	v8 =	vmul.f32 v8, v18;
	v0 =	vmul.f32 v12, v0;
	v41 =	vld [tilespmem:s2+$0x148C0]  }
0x250: {  	v5 =	vadd.f32 v16, v5;
	v55 =	vmul.f32 v15, v19;
	v7 =	vmul.f32 v62, v59;
	v6 =	vld [tilespmem:s2+$0x170C0]  }
0x251: {  	v3 =	vadd.f32 v61, v3;
	v18 =	vmul.f32 v51, v50;
	v9 =	vld [tilespmem:s2+$0x148D0];
	v1 =	vmul.f32 v1, v2  }
0x252: {  	v17 =	vld [tilespmem:s2+$0x170D0];
	v56 =	vmul.f32 v36, v33;
	v2 =	vadd.f32 v30, v5;
	v30 =	vmul.f32 v20, v22  }
0x253: {  	v4 =	vld [tilespmem:s2+$0x148E0];
	v61 =	vmul.f32 v35, v38;
	v36 =	vmul.f32 v43, v40;
	v1 =	vadd.f32 $0.0e+00, v1  }
0x254: {  	v16 =	vld [tilespmem:s2+$0x170E0];
	v38 =	vmul.f32 v57, v54;
	v43 =	vmul.f32 v46, v39;
	v3 =	vadd.f32 v30, v3  }
0x255: {  	v33 =	vld [tilespmem:$0x1FCB0];
	v6 =	vmul.f32 v6, v41;
	v60 =	vadd.f32 $0.0e+00, v56;
	v1 =	vadd.f32 v10, v1  }
0x256: {  	v35 =	vld [tilespmem:$0x1FCC0];
	v22 =	vadd.f32 v29, v27;
	v5 =	vmul.f32 v53, v52;
	v3 =	vadd.f32 v47, v3  }
0x257: {  	v51 =	vld [tilespmem:$0x1FCD0];
	v20 =	vmul.f32 v42, v37;
	v1 =	vadd.f32 v8, v1;
	v8 =	vadd.f32 v61, v60  }
0x258: {  	v37 =	vld [tilespmem:s31+$0x170C0];
	v10 =	vmul.f32 v49, v48;
	v3 =	vadd.f32 v5, v3;
	v5 =	vadd.f32 $0.0e+00, v58  }
0x259: {  	v42 =	vmul.f32 v34, v25;
	v52 =	vld [tilespmem:$0x1FCE0];
	v1 =	vadd.f32 v55, v1;
	v8 =	vadd.f32 v36, v8  }
0x25a: {  	v13 =	vld [tilespmem:s2+$0x148F0];
	v53 =	vmul.f32 v17, v9;
	v2 =	vadd.f32 v20, v2;
	v5 =	vadd.f32 v10, v5  }
0x25b: {  	v40 =	vld [tilespmem:s31+$0x148D0];
	v27 =	vmul.f32 v35, v33;
	v1 =	vadd.f32 v63, v1;
	v8 =	vadd.f32 v43, v8  }
0x25c: {  	v14 =	vld [tilespmem:s2+$0x170F0];
	v2 =	vadd.f32 v18, v2;
	v47 =	vmul.f32 v21, v24;
	v5 =	vadd.f32 v38, v5  }
0x25d: {  	(xrf2) =	vadd.scan.msk.f32 $0xffff, v28;
	v46 =	vld [tilespmem:s31+$0x170E0];
	v48 =	vmul.f32 v37, v32;
	v1 =	vadd.f32 v42, v1;
	v6 =	vadd.f32 v6, v8  }
0x25e: {  	(xrf2) =	vadd.scan.msk.f32 $0xffff, v26;
	v23 =	vmul.f32 v52, v51;
	v3 =	vadd.f32 v27, v3;
	v5 =	vadd.f32 v7, v5  }
0x25f: {  	v50 =	vld [tilespmem:s31+$0x170F0];
	v4 =	vmul.f32 v16, v4;
	(xrf2) =	vadd.scan.msk.f32 $0xffff, v22;
	v1 =	vadd.f32 v47, v1;
	v6 =	vadd.f32 v53, v6  }
0x260: {  	v54 =	vmul.f32 v44, v40;
	v49 =	vld [tilespmem:s31+$0x148F0];
	(xrf2) =	vadd.scan.msk.f32 $0xffff, v2;
	v2 =	vadd.f32 v23, v3;
	v5 =	vadd.f32 v48, v5  }
0x261: {  	v57 =	vmul.f32 v14, v13;
	v0 =	vadd.f32 v0, v1;
	v1 =	vadd.f32 v4, v6  }
0x262: {  	v56 =	vmul.f32 v46, v45;
	(xrf2) =	vadd.scan.msk.f32 $0xffff, v2;
	v3 =	vadd.f32 v54, v5  }
0x263: {  	(xrf2) =	vadd.scan.msk.f32 $0xffff, v0;
	v0 =	vadd.f32 v57, v1  }
0x264: {  	v2 =	vadd.f32 v56, v3  }
0x265: {  	v3 =	vmul.f32 v50, v49;
	_ =	sdelay $0x1  }
0x266: {  	v61 =	vld [tilespmem:$0x1FCF0];
	v1 =	vadd.f32 v3, v2;
	(xrf2) =	vadd.scan.msk.f32 $0xffff, v0;
	v0, _, _ =	vpop (xrf2)  }
0x267: {  	v55 =	vlaneseq.u32;
	v3 =	vmov s10;
	v2, _, _ =	vpop (xrf2)  }
0x268: {  	vm9 =	veq.s32 v3, v55;
	(xrf2) =	vadd.scan.msk.f32 $0xffff, v1;
	v59, _, _ =	vpop (xrf2)  }
0x269: {  	v1 =	vmov s8;
	v0 =	vbroadcast v0, $0xF;
	v3 =	vbroadcast v59, $0xF  }
0x26a: {  	vm0 =	veq.s32 v1, v55;
	v1 =	vbroadcast v2, $0xF  }
0x26b: {  	v58 =	vmov s11;
	v2, _, _ =	vpop (xrf2);
	v0 =	vsel vm0, v0, v61  }
0x26c: {  	vm10 =	veq.s32 v58, v55;
	v0 =	vsel vm9, v1, v0;
	v1 =	vbroadcast v2, $0xF;
	v2, _, _ =	vpop (xrf2)  }
0x26d: {  	v60 =	vmov s12;
	v0 =	vsel vm10, v3, v0;
	v3, _, _ =	vpop (xrf2)  }
0x26e: {  	vm11 =	veq.s32 v60, v55;
	v3 =	vbroadcast v3, $0xF  }
0x26f: {  	v62 =	vmov s14;
	v0 =	vsel vm11, v1, v0;
	v1 =	vbroadcast v2, $0xF  }
0x270: {  	p2 =	por p1, p1;
	vm12 =	veq.s32 v62, v55;
	v2 =	vmov s9  }
.Ltmp5:
0x271: {  	vm13 =	veq.s32 v2, v55;
	v63, _, _ =	vpop (xrf2);
	v0 =	vsel vm12, v1, v0;
	(pc) =	sbr.rel @p2 .LBB2_14-.Ltmp5, $4  }
0x272: {  	v1 =	vmov s25;
	v2 =	vbroadcast v63, $0xF;
	v0 =	vsel vm13, v3, v0;
	v3, _, _ =	vpop (xrf2)  }
0x273: {  	vm14 =	veq.s32 v1, v55;
	v1 =	vmov s30;
	v3 =	vbroadcast v3, $0xF  }
0x274: {  	vm15 =	veq.s32 v1, v55;
	v0 =	vsel vm14, v2, v0  }
0x275: {  	p1 =	por $0x0, $0x0;
	s8 =	simm.s32 $0x8;
	v0 =	vsel vm15, v3, v0  }
0x276: {  	v0 =	vsub.f32 $0.0e+00, v0;
	_ =	sdelay $0x1  }
0x277: {  	v0 =	vmul.f32 $1.442695020e+00, v0;
	_ =	sdelay $0x1  }
0x278: {  	(erf) = vpow2.f32 v0;
	_ =	sdelay $0x8  }
0x279: {  	v0 =	vpop (erf)  }
0x27a: {  	v0 =	vadd.f32 $1.000000000e+00, v0;
	_ =	sdelay $0x1  }
0x27b: {  	(erf) = vrcp.f32 v0;
	_ =	sdelay $0x3  }
0x27c: {  	s0 =	sadd.s32 $0x1, s0  }
0x27d: {  	p1 =	sne.s32 s0, $0x5  }
.Ltmp6:
0x27e: {  	_ = 	snop;
	(pc) =	sbr.rel @p1 .LBB2_13-.Ltmp6, $3  }
0x27f: {  	_ =	sdelay $0x1  }
0x280: {  	v0 =	vpop (erf)  }
0x281: {  	[tilespmem:s6+$0x1F000] =	vst v0  }
0x282: {  	s26 =	sadd.s32 $0x1, s26  }
0x283: {  	s0 =	rddreg [dreg:$0x3];
	p1 =	sne.s32 s26, $0x5  }
.Ltmp7:
0x284: {  	s0 =	sadd.s32 s0, s28;
	(pc) =	sbr.rel @p1 .LBB2_2-.Ltmp7, $4  }
0x285: {  	[hbm4b:s0+s5] =	stream.linear.scatter [tilespmem:s24], [sflag:$0x3], $0x7D0, $0x38;
	[tilespmem:$0x1F080] =	vst v63  }
0x286: {  	_ =	swait.ge [sflag:s13], $0x7D0  }
0x287: {  	[sflag:s13] =	ssyncset.done $0x0  }
0x288: {  	[sflag:s13] =	ssyncadd.s32 $0xFFFFF830  }
0x289: {  	s1 =	rddreg [dreg:$0xc]  }
0x28a: {  	s0 =	rddreg [dreg:$0x9];
	s1 =	sadd.s32 $0x1, s1  }
0x28b: {  	p1 =	sne.s32 s1, s0  }
.Ltmp8:
0x28c: {  	_ = 	snop;
	(pc) =	sbr.rel @p1 .LBB2_1-.Ltmp8, $1  }
0x28d: {  	_ =	sdelay $0x3  }
0x28e: {  	_ =	sfence.sel $0x180000  }
0x28f: {  	[bflag:$0x0] =	sbarrier.arrive $0xFFFF  }
0x290: {  	_ =	strace $0x90000047  }
0x291: {  	s0 =	stileid.u32;
	[bflag:$0x2] =	sbarrier.arrive $0xFFFF  }
0x292: {  	p0 =	sne.s32 s0, $0x0;
	s0 =	rddreg [dreg:$0x5]  }
0x293: {  	s0 =	sadd.s32 @!p0 $0x100000, s0  }
0x294: {  	[sflag:s0] =	ssyncadd.tile.s32 @!p0 $0x1;
	_ =	shalt  }
.Lfunc_end2:
_tile_overlayer_lowered:
.L_overlay_start_2:
0x295: {  	(tag) =	ssettag $0x2  }
0x296: {  	s0 =	rddreg [dreg:$0x0];
	s2 =	stileid.u32  }
0x297: {  	s1 =	rddreg [dreg:$0x1];
	p0 =	sne.s32 s2, $0x0  }
0x298: {  	s3 =	rddreg [dreg:$0x2];
	[bflag:$0x3] =	sbarrier.arrive $0xFFFF;
	s2 =	simm.s32 @!p0 $0x1C03  }
0x299: {  	[timem:s3], [sflag:s2] =	dma.local @!p0 [hbm:s0], s1  }
0x29a: {  	s0 =	simm.s32 @!p0 $0x3  }
0x29b: {  	_ =	swait.ge @!p0 [sflag:s0], s1  }
0x29c: {  	s1 =	ssub.s32 @!p0 $0x0, s1;
	[sflag:s0] =	ssyncset.done @!p0 $0x0  }
0x29d: {  	[sflag:s0] =	ssyncadd.s32 @!p0 s1  }
0x29e: {  	[bflag:$0x3] =	sbarrier.arrive $0xFFFF  }
0x29f: {  	_ =	shalt  }

</sc_bundles>
